<compile_context>
chip_gen: v7x
topology: tpu7x:2x2x1
jax: 0.10.2.dev20260603
libtpu: 0.0.44.dev20260713+nightly
codegen_flags: <defaults>
</compile_context>

<pallas_src>
import functools

import jax
import jax.numpy as jnp
from jax import lax
from jax.experimental import pallas as pl
from jax.experimental.pallas import tpu as pltpu
from jax.experimental.pallas import tpu_sc as plsc

NC = 2
NS = 16
L = 16
NW = NC * NS
B = 16384
F = 84
BPW = B // NW
RPP = 256
NPASS = BPW // RPP

_mesh = plsc.VectorSubcoreMesh(
    core_axis_name="c", subcore_axis_name="s", num_cores=NC, num_subcores=NS)


def _fm_sc_body(user_hbm, item_hbm, uw_hbm, iw_hbm, out_hbm,
                uidx_v, iidx_v, urows_v, irows_v, out_v, sem):
    wid = lax.axis_index("s") * NC + lax.axis_index("c")
    base = wid * BPW

    pltpu.sync_copy(user_hbm.at[pl.ds(base, BPW)], uidx_v)
    pltpu.sync_copy(item_hbm.at[pl.ds(base, BPW)], iidx_v)

    lane = lax.iota(jnp.int32, L)

    def one_pass(p, _):
        def fetch(g, _):
            uvec = uidx_v[pl.ds(p * RPP + g * L, L)]
            ivec = iidx_v[pl.ds(p * RPP + g * L, L)]
            for l in range(L):
                ui = uvec[l]
                ii = ivec[l]
                pltpu.async_copy(uw_hbm.at[ui], urows_v.at[g * L + l], sem)
                pltpu.async_copy(iw_hbm.at[ii], irows_v.at[g * L + l], sem)
            return 0

        lax.fori_loop(0, RPP // L, fetch, 0)
        pltpu.make_async_copy(uw_hbm.at[pl.ds(0, RPP), :], urows_v, sem).wait()
        pltpu.make_async_copy(iw_hbm.at[pl.ds(0, RPP), :], irows_v, sem).wait()

        def group_body(g, _):
            rid = g * L + lane
            acc = jnp.zeros((L,), jnp.float32)
            for f in range(F):
                fvec = jnp.full((L,), f, jnp.int32)
                ucol = plsc.load_gather(urows_v, [rid, fvec])
                icol = plsc.load_gather(irows_v, [rid, fvec])
                acc = acc + ucol * icol
            out_v[pl.ds(p * RPP + g * L, L)] = acc
            return 0

        lax.fori_loop(0, RPP // L, group_body, 0)
        return 0

    lax.fori_loop(0, NPASS, one_pass, 0)

    pltpu.sync_copy(out_v, out_hbm.at[pl.ds(base, BPW)])


def _build(interpret=False):
    return functools.partial(
        pl.kernel,
        out_type=jax.ShapeDtypeStruct((B,), jnp.float32),
        mesh=_mesh,
        scratch_types=[
            pltpu.VMEM((BPW,), jnp.int32),
            pltpu.VMEM((BPW,), jnp.int32),
            pltpu.VMEM((RPP, F), jnp.float32),
            pltpu.VMEM((RPP, F), jnp.float32),
            pltpu.VMEM((BPW,), jnp.float32),
            pltpu.SemaphoreType.DMA,
        ],
        compiler_params=pltpu.CompilerParams(
            needs_layout_passes=False, use_tc_tiling_on_sc=True),
        interpret=interpret,
    )(_fm_sc_body)


_fm_sc_kernel = _build()


def kernel(user, item, embed_user_w, embed_item_w, u_bias_w, i_bias_w, bias_):
    return _fm_sc_kernel(user, item, embed_user_w, embed_item_w)

# --- scband reference (transcript-rebuilt; emitter-appended) ---
"""Pipeline reference for scband-point-fm-17325898072390 (READ-ONLY COPY).

The authoritative reference and input builder live on the scoring server;
editing this copy changes nothing except your own understanding.
"""

import jax, jax.numpy as jnp
import numpy as np

USER_NUM = 1000000
ITEM_NUM = 1000000
FACTORS = 84
BATCH = 16384


def setup_inputs(seed: int = 0) -> dict:
    key = jax.random.key(seed)
    k1, k2, k3, k4 = jax.random.split(key, 4)
    user = jax.random.randint(k1, (BATCH,), 0, USER_NUM, dtype=jnp.int64 if jax.config.jax_enable_x64 else jnp.int32).astype(jnp.int32)
    item = jax.random.randint(k2, (BATCH,), 0, ITEM_NUM, dtype=jnp.int64 if jax.config.jax_enable_x64 else jnp.int32).astype(jnp.int32)
    embed_user_w = jax.random.normal(k3, (USER_NUM, FACTORS), dtype=jnp.float32)
    embed_item_w = jax.random.normal(k4, (ITEM_NUM, FACTORS), dtype=jnp.float32)
    u_bias_w = jnp.zeros((USER_NUM, 1), dtype=jnp.float32)
    i_bias_w = jnp.zeros((ITEM_NUM, 1), dtype=jnp.float32)
    bias_ = jnp.zeros((1,), dtype=jnp.float32)
    return {
        "user": user,
        "item": item,
        "embed_user_w": embed_user_w,
        "embed_item_w": embed_item_w,
        "u_bias_w": u_bias_w,
        "i_bias_w": i_bias_w,
        "bias_": bias_,
    }


def reference(user, item, embed_user_w, embed_item_w, u_bias_w, i_bias_w, bias_):
    # embedding lookups (gather)
    eu = jnp.take(embed_user_w, user, axis=0)   # [B, F]
    ei = jnp.take(embed_item_w, item, axis=0)   # [B, F]
    pred = (eu * ei).sum(axis=-1, keepdims=True)  # [B, 1]
    pred = pred + jnp.take(u_bias_w, user, axis=0) + jnp.take(i_bias_w, item, axis=0) + bias_
    return pred.reshape(-1)

if __name__ == "__main__":
    import jax
    _d = setup_inputs()
    print(jax.jit(kernel)(*tuple(_d.values())))

</pallas_src>

<mosaic_0001>
#map = affine_map<(d0, d1) -> (0)>
#map1 = affine_map<(d0, d1) -> (0, 0)>
module attributes {stable_mosaic.version = 14 : i64} {
  func.func @_fm_sc_body(%arg0: i32, %arg1: i32, %arg2: memref<16384xi32, #tpu.memory_space<hbm>>, %arg3: memref<16384xi32, #tpu.memory_space<hbm>>, %arg4: memref<1000000x84xf32, #tpu.memory_space<hbm>>, %arg5: memref<1000000x84xf32, #tpu.memory_space<hbm>>, %arg6: memref<16384xf32, #tpu.memory_space<hbm>>, %arg7: memref<512xi32, #tpu.memory_space<vmem>>, %arg8: memref<512xi32, #tpu.memory_space<vmem>>, %arg9: memref<256x84xf32, #tpu.memory_space<vmem>>, %arg10: memref<256x84xf32, #tpu.memory_space<vmem>>, %arg11: memref<512xf32, #tpu.memory_space<vmem>>, %arg12: memref<!tpu.dma_semaphore, #tpu.memory_space<semaphore_mem>>) attributes {dimension_semantics = [#tpu.dimension_semantics<core_parallel>, #tpu.dimension_semantics<subcore_parallel>], iteration_bounds = array<i64: 2, 16>, scalar_prefetch = 0 : i64, scratch_operands = 6 : i64, tpu.core_type = #tpu.core_type<sc_vector_subcore>, window_params = [{transform_indices = #map}, {transform_indices = #map}, {transform_indices = #map1}, {transform_indices = #map1}, {transform_indices = #map}]} {
    %mul3A = arith.constant 2 : i32
    %mul3A_0 = arith.muli %arg1, %mul3A : i32
    %add3A = arith.addi %mul3A_0, %arg0 : i32
    %mul3A_1 = arith.constant 512 : i32
    %mul3A_2 = arith.muli %add3A, %mul3A_1 : i32
    "tpu.region"() ({
      %run_scoped3A = tpu.sem_alloc : memref<!tpu.dma_semaphore, #tpu.memory_space<semaphore_mem>>
      %dma_start3A = tpu.memref_slice %arg2[%mul3A_2] : memref<16384xi32, #tpu.memory_space<hbm>> -> memref<512xi32, #tpu.memory_space<hbm>>
      %dma_start3A_9 = tpu.memref_slice %arg2[%mul3A_2] : memref<16384xi32, #tpu.memory_space<hbm>> -> memref<512xi32, #tpu.memory_space<hbm>>
      tpu.enqueue_dma source(%dma_start3A_9 : memref<512xi32, #tpu.memory_space<hbm>>) target(%arg7 : memref<512xi32, #tpu.memory_space<vmem>>) target_semaphore(%run_scoped3A : memref<!tpu.dma_semaphore, #tpu.memory_space<semaphore_mem>>)
      %dma_wait3A = tpu.memref_slice %arg2[%mul3A_2] : memref<16384xi32, #tpu.memory_space<hbm>> -> memref<512xi32, #tpu.memory_space<hbm>>
      %dma_wait3A_10 = tpu.memref_slice %arg2[%mul3A_2] : memref<16384xi32, #tpu.memory_space<hbm>> -> memref<512xi32, #tpu.memory_space<hbm>>
      tpu.wait_dma2 semaphore(%run_scoped3A : memref<!tpu.dma_semaphore, #tpu.memory_space<semaphore_mem>>) src(%dma_wait3A_10 : memref<512xi32, #tpu.memory_space<hbm>>) dst(%arg7 : memref<512xi32, #tpu.memory_space<vmem>>)
      tpu.yield
    }) : () -> ()
    "tpu.region"() ({
      %run_scoped3A = tpu.sem_alloc : memref<!tpu.dma_semaphore, #tpu.memory_space<semaphore_mem>>
      %dma_start3A = tpu.memref_slice %arg3[%mul3A_2] : memref<16384xi32, #tpu.memory_space<hbm>> -> memref<512xi32, #tpu.memory_space<hbm>>
      %dma_start3A_9 = tpu.memref_slice %arg3[%mul3A_2] : memref<16384xi32, #tpu.memory_space<hbm>> -> memref<512xi32, #tpu.memory_space<hbm>>
      tpu.enqueue_dma source(%dma_start3A_9 : memref<512xi32, #tpu.memory_space<hbm>>) target(%arg8 : memref<512xi32, #tpu.memory_space<vmem>>) target_semaphore(%run_scoped3A : memref<!tpu.dma_semaphore, #tpu.memory_space<semaphore_mem>>)
      %dma_wait3A = tpu.memref_slice %arg3[%mul3A_2] : memref<16384xi32, #tpu.memory_space<hbm>> -> memref<512xi32, #tpu.memory_space<hbm>>
      %dma_wait3A_10 = tpu.memref_slice %arg3[%mul3A_2] : memref<16384xi32, #tpu.memory_space<hbm>> -> memref<512xi32, #tpu.memory_space<hbm>>
      tpu.wait_dma2 semaphore(%run_scoped3A : memref<!tpu.dma_semaphore, #tpu.memory_space<semaphore_mem>>) src(%dma_wait3A_10 : memref<512xi32, #tpu.memory_space<hbm>>) dst(%arg8 : memref<512xi32, #tpu.memory_space<vmem>>)
      tpu.yield
    }) : () -> ()
    %iota3A = tpu.iota {dimensions = array<i32: 0>} : vector<16xi32>
    %scan3A = arith.constant 0 : i32
    %scan3A_3 = arith.constant 0 : i32
    %scan3A_4 = arith.constant 2 : i32
    %scan3A_5 = arith.addi %scan3A_3, %scan3A_4 : i32
    %scan3A_6 = arith.constant 1 : i32
    %scan3A_7 = scf.for %scan3A_9 = %scan3A_3 to %scan3A_5 step %scan3A_6 iter_args(%scan3A_10 = %scan3A) -> (i32)  : i32 {
      %scan3A_11 = arith.constant 0 : i32
      %scan3A_12 = arith.constant 0 : i32
      %scan3A_13 = arith.constant 16 : i32
      %scan3A_14 = arith.addi %scan3A_12, %scan3A_13 : i32
      %scan3A_15 = arith.constant 1 : i32
      %scan3A_16 = scf.for %scan3A_37 = %scan3A_12 to %scan3A_14 step %scan3A_15 iter_args(%scan3A_38 = %scan3A_11) -> (i32)  : i32 {
        %mul3A_39 = arith.constant 256 : i32
        %mul3A_40 = arith.muli %scan3A_9, %mul3A_39 : i32
        %mul3A_41 = arith.constant 16 : i32
        %mul3A_42 = arith.muli %scan3A_37, %mul3A_41 : i32
        %add3A_43 = arith.addi %mul3A_40, %mul3A_42 : i32
        %get3A = arith.index_cast %add3A_43 : i32 to index
        %get3A_44 = tpu.vector_load %arg7[%get3A] {strides = array<i32>} : memref<512xi32, #tpu.memory_space<vmem>>, vector<16xi32>,
        %mul3A_45 = arith.constant 256 : i32
        %mul3A_46 = arith.muli %scan3A_9, %mul3A_45 : i32
        %mul3A_47 = arith.constant 16 : i32
        %mul3A_48 = arith.muli %scan3A_37, %mul3A_47 : i32
        %add3A_49 = arith.addi %mul3A_46, %mul3A_48 : i32
        %get3A_50 = arith.index_cast %add3A_49 : i32 to index
        %get3A_51 = tpu.vector_load %arg8[%get3A_50] {strides = array<i32>} : memref<512xi32, #tpu.memory_space<vmem>>, vector<16xi32>,
        %slice3A = vector.extract_strided_slice %get3A_44 {offsets = [0], sizes = [1], strides = [1]} : vector<16xi32> to vector<1xi32>
        %squeeze3A = vector.extract %slice3A[0] : i32 from vector<1xi32>
        %slice3A_52 = vector.extract_strided_slice %get3A_51 {offsets = [0], sizes = [1], strides = [1]} : vector<16xi32> to vector<1xi32>
        %squeeze3A_53 = vector.extract %slice3A_52[0] : i32 from vector<1xi32>
        %mul3A_54 = arith.constant 16 : i32
        %mul3A_55 = arith.muli %scan3A_37, %mul3A_54 : i32
        %add3A_56 = arith.constant 0 : i32
        %add3A_57 = arith.addi %mul3A_55, %add3A_56 : i32
        %dma_start3A = arith.constant 0 : i32
        %dma_start3A_58 = tpu.memref_slice %arg9[%add3A_57, %dma_start3A] : memref<256x84xf32, #tpu.memory_space<vmem>> -> memref<1x84xf32, #tpu.memory_space<vmem>>
        %dma_start3A_59 = tpu.memref_squeeze %dma_start3A_58 : memref<1x84xf32, #tpu.memory_space<vmem>> -> memref<84xf32, #tpu.memory_space<vmem>>
        %dma_start3A_60 = arith.constant 0 : i32
        %dma_start3A_61 = tpu.memref_slice %arg4[%squeeze3A, %dma_start3A_60] : memref<1000000x84xf32, #tpu.memory_space<hbm>> -> memref<1x84xf32, #tpu.memory_space<hbm>>
        %dma_start3A_62 = tpu.memref_squeeze %dma_start3A_61 : memref<1x84xf32, #tpu.memory_space<hbm>> -> memref<84xf32, #tpu.memory_space<hbm>>
        %dma_start3A_63 = arith.constant 0 : i32
        %dma_start3A_64 = tpu.memref_slice %arg9[%add3A_57, %dma_start3A_63] : memref<256x84xf32, #tpu.memory_space<vmem>> -> memref<1x84xf32, #tpu.memory_space<vmem>>
        %dma_start3A_65 = tpu.memref_squeeze %dma_start3A_64 : memref<1x84xf32, #tpu.memory_space<vmem>> -> memref<84xf32, #tpu.memory_space<vmem>>
        %dma_start3A_66 = arith.constant 0 : i32
        %dma_start3A_67 = tpu.memref_slice %arg4[%squeeze3A, %dma_start3A_66] : memref<1000000x84xf32, #tpu.memory_space<hbm>> -> memref<1x84xf32, #tpu.memory_space<hbm>>
        %dma_start3A_68 = tpu.memref_squeeze %dma_start3A_67 : memref<1x84xf32, #tpu.memory_space<hbm>> -> memref<84xf32, #tpu.memory_space<hbm>>
        tpu.enqueue_dma source(%dma_start3A_68 : memref<84xf32, #tpu.memory_space<hbm>>) target(%dma_start3A_65 : memref<84xf32, #tpu.memory_space<vmem>>) target_semaphore(%arg12 : memref<!tpu.dma_semaphore, #tpu.memory_space<semaphore_mem>>)
        %mul3A_69 = arith.constant 16 : i32
        %mul3A_70 = arith.muli %scan3A_37, %mul3A_69 : i32
        %add3A_71 = arith.constant 0 : i32
        %add3A_72 = arith.addi %mul3A_70, %add3A_71 : i32
        %dma_start3A_73 = arith.constant 0 : i32
        %dma_start3A_74 = tpu.memref_slice %arg10[%add3A_72, %dma_start3A_73] : memref<256x84xf32, #tpu.memory_space<vmem>> -> memref<1x84xf32, #tpu.memory_space<vmem>>
        %dma_start3A_75 = tpu.memref_squeeze %dma_start3A_74 : memref<1x84xf32, #tpu.memory_space<vmem>> -> memref<84xf32, #tpu.memory_space<vmem>>
        %dma_start3A_76 = arith.constant 0 : i32
        %dma_start3A_77 = tpu.memref_slice %arg5[%squeeze3A_53, %dma_start3A_76] : memref<1000000x84xf32, #tpu.memory_space<hbm>> -> memref<1x84xf32, #tpu.memory_space<hbm>>
        %dma_start3A_78 = tpu.memref_squeeze %dma_start3A_77 : memref<1x84xf32, #tpu.memory_space<hbm>> -> memref<84xf32, #tpu.memory_space<hbm>>
        %dma_start3A_79 = arith.constant 0 : i32
        %dma_start3A_80 = tpu.memref_slice %arg10[%add3A_72, %dma_start3A_79] : memref<256x84xf32, #tpu.memory_space<vmem>> -> memref<1x84xf32, #tpu.memory_space<vmem>>
        %dma_start3A_81 = tpu.memref_squeeze %dma_start3A_80 : memref<1x84xf32, #tpu.memory_space<vmem>> -> memref<84xf32, #tpu.memory_space<vmem>>
        %dma_start3A_82 = arith.constant 0 : i32
        %dma_start3A_83 = tpu.memref_slice %arg5[%squeeze3A_53, %dma_start3A_82] : memref<1000000x84xf32, #tpu.memory_space<hbm>> -> memref<1x84xf32, #tpu.memory_space<hbm>>
        %dma_start3A_84 = tpu.memref_squeeze %dma_start3A_83 : memref<1x84xf32, #tpu.memory_space<hbm>> -> memref<84xf32, #tpu.memory_space<hbm>>
        tpu.enqueue_dma source(%dma_start3A_84 : memref<84xf32, #tpu.memory_space<hbm>>) target(%dma_start3A_81 : memref<84xf32, #tpu.memory_space<vmem>>) target_semaphore(%arg12 : memref<!tpu.dma_semaphore, #tpu.memory_space<semaphore_mem>>)
        %slice3A_85 = vector.extract_strided_slice %get3A_44 {offsets = [1], sizes = [1], strides = [1]} : vector<16xi32> to vector<1xi32>
        %squeeze3A_86 = vector.extract %slice3A_85[0] : i32 from vector<1xi32>
        %slice3A_87 = vector.extract_strided_slice %get3A_51 {offsets = [1], sizes = [1], strides = [1]} : vector<16xi32> to vector<1xi32>
        %squeeze3A_88 = vector.extract %slice3A_87[0] : i32 from vector<1xi32>
        %mul3A_89 = arith.constant 16 : i32
        %mul3A_90 = arith.muli %scan3A_37, %mul3A_89 : i32
        %add3A_91 = arith.constant 1 : i32
        %add3A_92 = arith.addi %mul3A_90, %add3A_91 : i32
        %dma_start3A_93 = arith.constant 0 : i32
        %dma_start3A_94 = tpu.memref_slice %arg9[%add3A_92, %dma_start3A_93] : memref<256x84xf32, #tpu.memory_space<vmem>> -> memref<1x84xf32, #tpu.memory_space<vmem>>
        %dma_start3A_95 = tpu.memref_squeeze %dma_start3A_94 : memref<1x84xf32, #tpu.memory_space<vmem>> -> memref<84xf32, #tpu.memory_space<vmem>>
        %dma_start3A_96 = arith.constant 0 : i32
        %dma_start3A_97 = tpu.memref_slice %arg4[%squeeze3A_86, %dma_start3A_96] : memref<1000000x84xf32, #tpu.memory_space<hbm>> -> memref<1x84xf32, #tpu.memory_space<hbm>>
        %dma_start3A_98 = tpu.memref_squeeze %dma_start3A_97 : memref<1x84xf32, #tpu.memory_space<hbm>> -> memref<84xf32, #tpu.memory_space<hbm>>
        %dma_start3A_99 = arith.constant 0 : i32
        %dma_start3A_100 = tpu.memref_slice %arg9[%add3A_92, %dma_start3A_99] : memref<256x84xf32, #tpu.memory_space<vmem>> -> memref<1x84xf32, #tpu.memory_space<vmem>>
        %dma_start3A_101 = tpu.memref_squeeze %dma_start3A_100 : memref<1x84xf32, #tpu.memory_space<vmem>> -> memref<84xf32, #tpu.memory_space<vmem>>
        %dma_start3A_102 = arith.constant 0 : i32
        %dma_start3A_103 = tpu.memref_slice %arg4[%squeeze3A_86, %dma_start3A_102] : memref<1000000x84xf32, #tpu.memory_space<hbm>> -> memref<1x84xf32, #tpu.memory_space<hbm>>
        %dma_start3A_104 = tpu.memref_squeeze %dma_start3A_103 : memref<1x84xf32, #tpu.memory_space<hbm>> -> memref<84xf32, #tpu.memory_space<hbm>>
        tpu.enqueue_dma source(%dma_start3A_104 : memref<84xf32, #tpu.memory_space<hbm>>) target(%dma_start3A_101 : memref<84xf32, #tpu.memory_space<vmem>>) target_semaphore(%arg12 : memref<!tpu.dma_semaphore, #tpu.memory_space<semaphore_mem>>)
        %mul3A_105 = arith.constant 16 : i32
        %mul3A_106 = arith.muli %scan3A_37, %mul3A_105 : i32
        %add3A_107 = arith.constant 1 : i32
        %add3A_108 = arith.addi %mul3A_106, %add3A_107 : i32
        %dma_start3A_109 = arith.constant 0 : i32
        %dma_start3A_110 = tpu.memref_slice %arg10[%add3A_108, %dma_start3A_109] : memref<256x84xf32, #tpu.memory_space<vmem>> -> memref<1x84xf32, #tpu.memory_space<vmem>>
        %dma_start3A_111 = tpu.memref_squeeze %dma_start3A_110 : memref<1x84xf32, #tpu.memory_space<vmem>> -> memref<84xf32, #tpu.memory_space<vmem>>
        %dma_start3A_112 = arith.constant 0 : i32
        %dma_start3A_113 = tpu.memref_slice %arg5[%squeeze3A_88, %dma_start3A_112] : memref<1000000x84xf32, #tpu.memory_space<hbm>> -> memref<1x84xf32, #tpu.memory_space<hbm>>
        %dma_start3A_114 = tpu.memref_squeeze %dma_start3A_113 : memref<1x84xf32, #tpu.memory_space<hbm>> -> memref<84xf32, #tpu.memory_space<hbm>>
        %dma_start3A_115 = arith.constant 0 : i32
        %dma_start3A_116 = tpu.memref_slice %arg10[%add3A_108, %dma_start3A_115] : memref<256x84xf32, #tpu.memory_space<vmem>> -> memref<1x84xf32, #tpu.memory_space<vmem>>
        %dma_start3A_117 = tpu.memref_squeeze %dma_start3A_116 : memref<1x84xf32, #tpu.memory_space<vmem>> -> memref<84xf32, #tpu.memory_space<vmem>>
        %dma_start3A_118 = arith.constant 0 : i32
        %dma_start3A_119 = tpu.memref_slice %arg5[%squeeze3A_88, %dma_start3A_118] : memref<1000000x84xf32, #tpu.memory_space<hbm>> -> memref<1x84xf32, #tpu.memory_space<hbm>>
        %dma_start3A_120 = tpu.memref_squeeze %dma_start3A_119 : memref<1x84xf32, #tpu.memory_space<hbm>> -> memref<84xf32, #tpu.memory_space<hbm>>
        tpu.enqueue_dma source(%dma_start3A_120 : memref<84xf32, #tpu.memory_space<hbm>>) target(%dma_start3A_117 : memref<84xf32, #tpu.memory_space<vmem>>) target_semaphore(%arg12 : memref<!tpu.dma_semaphore, #tpu.memory_space<semaphore_mem>>)
        %slice3A_121 = vector.extract_strided_slice %get3A_44 {offsets = [2], sizes = [1], strides = [1]} : vector<16xi32> to vector<1xi32>
        %squeeze3A_122 = vector.extract %slice3A_121[0] : i32 from vector<1xi32>
        %slice3A_123 = vector.extract_strided_slice %get3A_51 {offsets = [2], sizes = [1], strides = [1]} : vector<16xi32> to vector<1xi32>
        %squeeze3A_124 = vector.extract %slice3A_123[0] : i32 from vector<1xi32>
        %mul3A_125 = arith.constant 16 : i32
        %mul3A_126 = arith.muli %scan3A_37, %mul3A_125 : i32
        %add3A_127 = arith.constant 2 : i32
        %add3A_128 = arith.addi %mul3A_126, %add3A_127 : i32
        %dma_start3A_129 = arith.constant 0 : i32
        %dma_start3A_130 = tpu.memref_slice %arg9[%add3A_128, %dma_start3A_129] : memref<256x84xf32, #tpu.memory_space<vmem>> -> memref<1x84xf32, #tpu.memory_space<vmem>>
        %dma_start3A_131 = tpu.memref_squeeze %dma_start3A_130 : memref<1x84xf32, #tpu.memory_space<vmem>> -> memref<84xf32, #tpu.memory_space<vmem>>
        %dma_start3A_132 = arith.constant 0 : i32
        %dma_start3A_133 = tpu.memref_slice %arg4[%squeeze3A_122, %dma_start3A_132] : memref<1000000x84xf32, #tpu.memory_space<hbm>> -> memref<1x84xf32, #tpu.memory_space<hbm>>
        %dma_start3A_134 = tpu.memref_squeeze %dma_start3A_133 : memref<1x84xf32, #tpu.memory_space<hbm>> -> memref<84xf32, #tpu.memory_space<hbm>>
        %dma_start3A_135 = arith.constant 0 : i32
        %dma_start3A_136 = tpu.memref_slice %arg9[%add3A_128, %dma_start3A_135] : memref<256x84xf32, #tpu.memory_space<vmem>> -> memref<1x84xf32, #tpu.memory_space<vmem>>
        %dma_start3A_137 = tpu.memref_squeeze %dma_start3A_136 : memref<1x84xf32, #tpu.memory_space<vmem>> -> memref<84xf32, #tpu.memory_space<vmem>>
        %dma_start3A_138 = arith.constant 0 : i32
        %dma_start3A_139 = tpu.memref_slice %arg4[%squeeze3A_122, %dma_start3A_138] : memref<1000000x84xf32, #tpu.memory_space<hbm>> -> memref<1x84xf32, #tpu.memory_space<hbm>>
        %dma_start3A_140 = tpu.memref_squeeze %dma_start3A_139 : memref<1x84xf32, #tpu.memory_space<hbm>> -> memref<84xf32, #tpu.memory_space<hbm>>
        tpu.enqueue_dma source(%dma_start3A_140 : memref<84xf32, #tpu.memory_space<hbm>>) target(%dma_start3A_137 : memref<84xf32, #tpu.memory_space<vmem>>) target_semaphore(%arg12 : memref<!tpu.dma_semaphore, #tpu.memory_space<semaphore_mem>>)
        %mul3A_141 = arith.constant 16 : i32
        %mul3A_142 = arith.muli %scan3A_37, %mul3A_141 : i32
        %add3A_143 = arith.constant 2 : i32
        %add3A_144 = arith.addi %mul3A_142, %add3A_143 : i32
        %dma_start3A_145 = arith.constant 0 : i32
        %dma_start3A_146 = tpu.memref_slice %arg10[%add3A_144, %dma_start3A_145] : memref<256x84xf32, #tpu.memory_space<vmem>> -> memref<1x84xf32, #tpu.memory_space<vmem>>
        %dma_start3A_147 = tpu.memref_squeeze %dma_start3A_146 : memref<1x84xf32, #tpu.memory_space<vmem>> -> memref<84xf32, #tpu.memory_space<vmem>>
        %dma_start3A_148 = arith.constant 0 : i32
        %dma_start3A_149 = tpu.memref_slice %arg5[%squeeze3A_124, %dma_start3A_148] : memref<1000000x84xf32, #tpu.memory_space<hbm>> -> memref<1x84xf32, #tpu.memory_space<hbm>>
        %dma_start3A_150 = tpu.memref_squeeze %dma_start3A_149 : memref<1x84xf32, #tpu.memory_space<hbm>> -> memref<84xf32, #tpu.memory_space<hbm>>
        %dma_start3A_151 = arith.constant 0 : i32
        %dma_start3A_152 = tpu.memref_slice %arg10[%add3A_144, %dma_start3A_151] : memref<256x84xf32, #tpu.memory_space<vmem>> -> memref<1x84xf32, #tpu.memory_space<vmem>>
        %dma_start3A_153 = tpu.memref_squeeze %dma_start3A_152 : memref<1x84xf32, #tpu.memory_space<vmem>> -> memref<84xf32, #tpu.memory_space<vmem>>
        %dma_start3A_154 = arith.constant 0 : i32
        %dma_start3A_155 = tpu.memref_slice %arg5[%squeeze3A_124, %dma_start3A_154] : memref<1000000x84xf32, #tpu.memory_space<hbm>> -> memref<1x84xf32, #tpu.memory_space<hbm>>
        %dma_start3A_156 = tpu.memref_squeeze %dma_start3A_155 : memref<1x84xf32, #tpu.memory_space<hbm>> -> memref<84xf32, #tpu.memory_space<hbm>>
        tpu.enqueue_dma source(%dma_start3A_156 : memref<84xf32, #tpu.memory_space<hbm>>) target(%dma_start3A_153 : memref<84xf32, #tpu.memory_space<vmem>>) target_semaphore(%arg12 : memref<!tpu.dma_semaphore, #tpu.memory_space<semaphore_mem>>)
        %slice3A_157 = vector.extract_strided_slice %get3A_44 {offsets = [3], sizes = [1], strides = [1]} : vector<16xi32> to vector<1xi32>
        %squeeze3A_158 = vector.extract %slice3A_157[0] : i32 from vector<1xi32>
        %slice3A_159 = vector.extract_strided_slice %get3A_51 {offsets = [3], sizes = [1], strides = [1]} : vector<16xi32> to vector<1xi32>
        %squeeze3A_160 = vector.extract %slice3A_159[0] : i32 from vector<1xi32>
        %mul3A_161 = arith.constant 16 : i32
        %mul3A_162 = arith.muli %scan3A_37, %mul3A_161 : i32
        %add3A_163 = arith.constant 3 : i32
        %add3A_164 = arith.addi %mul3A_162, %add3A_163 : i32
        %dma_start3A_165 = arith.constant 0 : i32
        %dma_start3A_166 = tpu.memref_slice %arg9[%add3A_164, %dma_start3A_165] : memref<256x84xf32, #tpu.memory_space<vmem>> -> memref<1x84xf32, #tpu.memory_space<vmem>>
        %dma_start3A_167 = tpu.memref_squeeze %dma_start3A_166 : memref<1x84xf32, #tpu.memory_space<vmem>> -> memref<84xf32, #tpu.memory_space<vmem>>
        %dma_start3A_168 = arith.constant 0 : i32
        %dma_start3A_169 = tpu.memref_slice %arg4[%squeeze3A_158, %dma_start3A_168] : memref<1000000x84xf32, #tpu.memory_space<hbm>> -> memref<1x84xf32, #tpu.memory_space<hbm>>
        %dma_start3A_170 = tpu.memref_squeeze %dma_start3A_169 : memref<1x84xf32, #tpu.memory_space<hbm>> -> memref<84xf32, #tpu.memory_space<hbm>>
        %dma_start3A_171 = arith.constant 0 : i32
        %dma_start3A_172 = tpu.memref_slice %arg9[%add3A_164, %dma_start3A_171] : memref<256x84xf32, #tpu.memory_space<vmem>> -> memref<1x84xf32, #tpu.memory_space<vmem>>
        %dma_start3A_173 = tpu.memref_squeeze %dma_start3A_172 : memref<1x84xf32, #tpu.memory_space<vmem>> -> memref<84xf32, #tpu.memory_space<vmem>>
        %dma_start3A_174 = arith.constant 0 : i32
        %dma_start3A_175 = tpu.memref_slice %arg4[%squeeze3A_158, %dma_start3A_174] : memref<1000000x84xf32, #tpu.memory_space<hbm>> -> memref<1x84xf32, #tpu.memory_space<hbm>>
        %dma_start3A_176 = tpu.memref_squeeze %dma_start3A_175 : memref<1x84xf32, #tpu.memory_space<hbm>> -> memref<84xf32, #tpu.memory_space<hbm>>
        tpu.enqueue_dma source(%dma_start3A_176 : memref<84xf32, #tpu.memory_space<hbm>>) target(%dma_start3A_173 : memref<84xf32, #tpu.memory_space<vmem>>) target_semaphore(%arg12 : memref<!tpu.dma_semaphore, #tpu.memory_space<semaphore_mem>>)
        %mul3A_177 = arith.constant 16 : i32
        %mul3A_178 = arith.muli %scan3A_37, %mul3A_177 : i32
        %add3A_179 = arith.constant 3 : i32
        %add3A_180 = arith.addi %mul3A_178, %add3A_179 : i32
        %dma_start3A_181 = arith.constant 0 : i32
        %dma_start3A_182 = tpu.memref_slice %arg10[%add3A_180, %dma_start3A_181] : memref<256x84xf32, #tpu.memory_space<vmem>> -> memref<1x84xf32, #tpu.memory_space<vmem>>
        %dma_start3A_183 = tpu.memref_squeeze %dma_start3A_182 : memref<1x84xf32, #tpu.memory_space<vmem>> -> memref<84xf32, #tpu.memory_space<vmem>>
        %dma_start3A_184 = arith.constant 0 : i32
        %dma_start3A_185 = tpu.memref_slice %arg5[%squeeze3A_160, %dma_start3A_184] : memref<1000000x84xf32, #tpu.memory_space<hbm>> -> memref<1x84xf32, #tpu.memory_space<hbm>>
        %dma_start3A_186 = tpu.memref_squeeze %dma_start3A_185 : memref<1x84xf32, #tpu.memory_space<hbm>> -> memref<84xf32, #tpu.memory_space<hbm>>
        %dma_start3A_187 = arith.constant 0 : i32
        %dma_start3A_188 = tpu.memref_slice %arg10[%add3A_180, %dma_start3A_187] : memref<256x84xf32, #tpu.memory_space<vmem>> -> memref<1x84xf32, #tpu.memory_space<vmem>>
        %dma_start3A_189 = tpu.memref_squeeze %dma_start3A_188 : memref<1x84xf32, #tpu.memory_space<vmem>> -> memref<84xf32, #tpu.memory_space<vmem>>
        %dma_start3A_190 = arith.constant 0 : i32
        %dma_start3A_191 = tpu.memref_slice %arg5[%squeeze3A_160, %dma_start3A_190] : memref<1000000x84xf32, #tpu.memory_space<hbm>> -> memref<1x84xf32, #tpu.memory_space<hbm>>
        %dma_start3A_192 = tpu.memref_squeeze %dma_start3A_191 : memref<1x84xf32, #tpu.memory_space<hbm>> -> memref<84xf32, #tpu.memory_space<hbm>>
        tpu.enqueue_dma source(%dma_start3A_192 : memref<84xf32, #tpu.memory_space<hbm>>) target(%dma_start3A_189 : memref<84xf32, #tpu.memory_space<vmem>>) target_semaphore(%arg12 : memref<!tpu.dma_semaphore, #tpu.memory_space<semaphore_mem>>)
        %slice3A_193 = vector.extract_strided_slice %get3A_44 {offsets = [4], sizes = [1], strides = [1]} : vector<16xi32> to vector<1xi32>
        %squeeze3A_194 = vector.extract %slice3A_193[0] : i32 from vector<1xi32>
        %slice3A_195 = vector.extract_strided_slice %get3A_51 {offsets = [4], sizes = [1], strides = [1]} : vector<16xi32> to vector<1xi32>
        %squeeze3A_196 = vector.extract %slice3A_195[0] : i32 from vector<1xi32>
        %mul3A_197 = arith.constant 16 : i32
        %mul3A_198 = arith.muli %scan3A_37, %mul3A_197 : i32
        %add3A_199 = arith.constant 4 : i32
        %add3A_200 = arith.addi %mul3A_198, %add3A_199 : i32
        %dma_start3A_201 = arith.constant 0 : i32
        %dma_start3A_202 = tpu.memref_slice %arg9[%add3A_200, %dma_start3A_201] : memref<256x84xf32, #tpu.memory_space<vmem>> -> memref<1x84xf32, #tpu.memory_space<vmem>>
        %dma_start3A_203 = tpu.memref_squeeze %dma_start3A_202 : memref<1x84xf32, #tpu.memory_space<vmem>> -> memref<84xf32, #tpu.memory_space<vmem>>
        %dma_start3A_204 = arith.constant 0 : i32
        %dma_start3A_205 = tpu.memref_slice %arg4[%squeeze3A_194, %dma_start3A_204] : memref<1000000x84xf32, #tpu.memory_space<hbm>> -> memref<1x84xf32, #tpu.memory_space<hbm>>
        %dma_start3A_206 = tpu.memref_squeeze %dma_start3A_205 : memref<1x84xf32, #tpu.memory_space<hbm>> -> memref<84xf32, #tpu.memory_space<hbm>>
        %dma_start3A_207 = arith.constant 0 : i32
        %dma_start3A_208 = tpu.memref_slice %arg9[%add3A_200, %dma_start3A_207] : memref<256x84xf32, #tpu.memory_space<vmem>> -> memref<1x84xf32, #tpu.memory_space<vmem>>
        %dma_start3A_209 = tpu.memref_squeeze %dma_start3A_208 : memref<1x84xf32, #tpu.memory_space<vmem>> -> memref<84xf32, #tpu.memory_space<vmem>>
        %dma_start3A_210 = arith.constant 0 : i32
        %dma_start3A_211 = tpu.memref_slice %arg4[%squeeze3A_194, %dma_start3A_210] : memref<1000000x84xf32, #tpu.memory_space<hbm>> -> memref<1x84xf32, #tpu.memory_space<hbm>>
        %dma_start3A_212 = tpu.memref_squeeze %dma_start3A_211 : memref<1x84xf32, #tpu.memory_space<hbm>> -> memref<84xf32, #tpu.memory_space<hbm>>
        tpu.enqueue_dma source(%dma_start3A_212 : memref<84xf32, #tpu.memory_space<hbm>>) target(%dma_start3A_209 : memref<84xf32, #tpu.memory_space<vmem>>) target_semaphore(%arg12 : memref<!tpu.dma_semaphore, #tpu.memory_space<semaphore_mem>>)
        %mul3A_213 = arith.constant 16 : i32
        %mul3A_214 = arith.muli %scan3A_37, %mul3A_213 : i32
        %add3A_215 = arith.constant 4 : i32
        %add3A_216 = arith.addi %mul3A_214, %add3A_215 : i32
        %dma_start3A_217 = arith.constant 0 : i32
        %dma_start3A_218 = tpu.memref_slice %arg10[%add3A_216, %dma_start3A_217] : memref<256x84xf32, #tpu.memory_space<vmem>> -> memref<1x84xf32, #tpu.memory_space<vmem>>
        %dma_start3A_219 = tpu.memref_squeeze %dma_start3A_218 : memref<1x84xf32, #tpu.memory_space<vmem>> -> memref<84xf32, #tpu.memory_space<vmem>>
        %dma_start3A_220 = arith.constant 0 : i32
        %dma_start3A_221 = tpu.memref_slice %arg5[%squeeze3A_196, %dma_start3A_220] : memref<1000000x84xf32, #tpu.memory_space<hbm>> -> memref<1x84xf32, #tpu.memory_space<hbm>>
        %dma_start3A_222 = tpu.memref_squeeze %dma_start3A_221 : memref<1x84xf32, #tpu.memory_space<hbm>> -> memref<84xf32, #tpu.memory_space<hbm>>
        %dma_start3A_223 = arith.constant 0 : i32
        %dma_start3A_224 = tpu.memref_slice %arg10[%add3A_216, %dma_start3A_223] : memref<256x84xf32, #tpu.memory_space<vmem>> -> memref<1x84xf32, #tpu.memory_space<vmem>>
        %dma_start3A_225 = tpu.memref_squeeze %dma_start3A_224 : memref<1x84xf32, #tpu.memory_space<vmem>> -> memref<84xf32, #tpu.memory_space<vmem>>
        %dma_start3A_226 = arith.constant 0 : i32
        %dma_start3A_227 = tpu.memref_slice %arg5[%squeeze3A_196, %dma_start3A_226] : memref<1000000x84xf32, #tpu.memory_space<hbm>> -> memref<1x84xf32, #tpu.memory_space<hbm>>
        %dma_start3A_228 = tpu.memref_squeeze %dma_start3A_227 : memref<1x84xf32, #tpu.memory_space<hbm>> -> memref<84xf32, #tpu.memory_space<hbm>>
        tpu.enqueue_dma source(%dma_start3A_228 : memref<84xf32, #tpu.memory_space<hbm>>) target(%dma_start3A_225 : memref<84xf32, #tpu.memory_space<vmem>>) target_semaphore(%arg12 : memref<!tpu.dma_semaphore, #tpu.memory_space<semaphore_mem>>)
        %slice3A_229 = vector.extract_strided_slice %get3A_44 {offsets = [5], sizes = [1], strides = [1]} : vector<16xi32> to vector<1xi32>
        %squeeze3A_230 = vector.extract %slice3A_229[0] : i32 from vector<1xi32>
        %slice3A_231 = vector.extract_strided_slice %get3A_51 {offsets = [5], sizes = [1], strides = [1]} : vector<16xi32> to vector<1xi32>
        %squeeze3A_232 = vector.extract %slice3A_231[0] : i32 from vector<1xi32>
        %mul3A_233 = arith.constant 16 : i32
        %mul3A_234 = arith.muli %scan3A_37, %mul3A_233 : i32
        %add3A_235 = arith.constant 5 : i32
        %add3A_236 = arith.addi %mul3A_234, %add3A_235 : i32
        %dma_start3A_237 = arith.constant 0 : i32
        %dma_start3A_238 = tpu.memref_slice %arg9[%add3A_236, %dma_start3A_237] : memref<256x84xf32, #tpu.memory_space<vmem>> -> memref<1x84xf32, #tpu.memory_space<vmem>>
        %dma_start3A_239 = tpu.memref_squeeze %dma_start3A_238 : memref<1x84xf32, #tpu.memory_space<vmem>> -> memref<84xf32, #tpu.memory_space<vmem>>
        %dma_start3A_240 = arith.constant 0 : i32
        %dma_start3A_241 = tpu.memref_slice %arg4[%squeeze3A_230, %dma_start3A_240] : memref<1000000x84xf32, #tpu.memory_space<hbm>> -> memref<1x84xf32, #tpu.memory_space<hbm>>
        %dma_start3A_242 = tpu.memref_squeeze %dma_start3A_241 : memref<1x84xf32, #tpu.memory_space<hbm>> -> memref<84xf32, #tpu.memory_space<hbm>>
        %dma_start3A_243 = arith.constant 0 : i32
        %dma_start3A_244 = tpu.memref_slice %arg9[%add3A_236, %dma_start3A_243] : memref<256x84xf32, #tpu.memory_space<vmem>> -> memref<1x84xf32, #tpu.memory_space<vmem>>
        %dma_start3A_245 = tpu.memref_squeeze %dma_start3A_244 : memref<1x84xf32, #tpu.memory_space<vmem>> -> memref<84xf32, #tpu.memory_space<vmem>>
        %dma_start3A_246 = arith.constant 0 : i32
        %dma_start3A_247 = tpu.memref_slice %arg4[%squeeze3A_230, %dma_start3A_246] : memref<1000000x84xf32, #tpu.memory_space<hbm>> -> memref<1x84xf32, #tpu.memory_space<hbm>>
        %dma_start3A_248 = tpu.memref_squeeze %dma_start3A_247 : memref<1x84xf32, #tpu.memory_space<hbm>> -> memref<84xf32, #tpu.memory_space<hbm>>
        tpu.enqueue_dma source(%dma_start3A_248 : memref<84xf32, #tpu.memory_space<hbm>>) target(%dma_start3A_245 : memref<84xf32, #tpu.memory_space<vmem>>) target_semaphore(%arg12 : memref<!tpu.dma_semaphore, #tpu.memory_space<semaphore_mem>>)
        %mul3A_249 = arith.constant 16 : i32
        %mul3A_250 = arith.muli %scan3A_37, %mul3A_249 : i32
        %add3A_251 = arith.constant 5 : i32
        %add3A_252 = arith.addi %mul3A_250, %add3A_251 : i32
        %dma_start3A_253 = arith.constant 0 : i32
        %dma_start3A_254 = tpu.memref_slice %arg10[%add3A_252, %dma_start3A_253] : memref<256x84xf32, #tpu.memory_space<vmem>> -> memref<1x84xf32, #tpu.memory_space<vmem>>
        %dma_start3A_255 = tpu.memref_squeeze %dma_start3A_254 : memref<1x84xf32, #tpu.memory_space<vmem>> -> memref<84xf32, #tpu.memory_space<vmem>>
        %dma_start3A_256 = arith.constant 0 : i32
        %dma_start3A_257 = tpu.memref_slice %arg5[%squeeze3A_232, %dma_start3A_256] : memref<1000000x84xf32, #tpu.memory_space<hbm>> -> memref<1x84xf32, #tpu.memory_space<hbm>>
        %dma_start3A_258 = tpu.memref_squeeze %dma_start3A_257 : memref<1x84xf32, #tpu.memory_space<hbm>> -> memref<84xf32, #tpu.memory_space<hbm>>
        %dma_start3A_259 = arith.constant 0 : i32
        %dma_start3A_260 = tpu.memref_slice %arg10[%add3A_252, %dma_start3A_259] : memref<256x84xf32, #tpu.memory_space<vmem>> -> memref<1x84xf32, #tpu.memory_space<vmem>>
        %dma_start3A_261 = tpu.memref_squeeze %dma_start3A_260 : memref<1x84xf32, #tpu.memory_space<vmem>> -> memref<84xf32, #tpu.memory_space<vmem>>
        %dma_start3A_262 = arith.constant 0 : i32
        %dma_start3A_263 = tpu.memref_slice %arg5[%squeeze3A_232, %dma_start3A_262] : memref<1000000x84xf32, #tpu.memory_space<hbm>> -> memref<1x84xf32, #tpu.memory_space<hbm>>
        %dma_start3A_264 = tpu.memref_squeeze %dma_start3A_263 : memref<1x84xf32, #tpu.memory_space<hbm>> -> memref<84xf32, #tpu.memory_space<hbm>>
        tpu.enqueue_dma source(%dma_start3A_264 : memref<84xf32, #tpu.memory_space<hbm>>) target(%dma_start3A_261 : memref<84xf32, #tpu.memory_space<vmem>>) target_semaphore(%arg12 : memref<!tpu.dma_semaphore, #tpu.memory_space<semaphore_mem>>)
        %slice3A_265 = vector.extract_strided_slice %get3A_44 {offsets = [6], sizes = [1], strides = [1]} : vector<16xi32> to vector<1xi32>
        %squeeze3A_266 = vector.extract %slice3A_265[0] : i32 from vector<1xi32>
        %slice3A_267 = vector.extract_strided_slice %get3A_51 {offsets = [6], sizes = [1], strides = [1]} : vector<16xi32> to vector<1xi32>
        %squeeze3A_268 = vector.extract %slice3A_267[0] : i32 from vector<1xi32>
        %mul3A_269 = arith.constant 16 : i32
        %mul3A_270 = arith.muli %scan3A_37, %mul3A_269 : i32
        %add3A_271 = arith.constant 6 : i32
        %add3A_272 = arith.addi %mul3A_270, %add3A_271 : i32
        %dma_start3A_273 = arith.constant 0 : i32
        %dma_start3A_274 = tpu.memref_slice %arg9[%add3A_272, %dma_start3A_273] : memref<256x84xf32, #tpu.memory_space<vmem>> -> memref<1x84xf32, #tpu.memory_space<vmem>>
        %dma_start3A_275 = tpu.memref_squeeze %dma_start3A_274 : memref<1x84xf32, #tpu.memory_space<vmem>> -> memref<84xf32, #tpu.memory_space<vmem>>
        %dma_start3A_276 = arith.constant 0 : i32
        %dma_start3A_277 = tpu.memref_slice %arg4[%squeeze3A_266, %dma_start3A_276] : memref<1000000x84xf32, #tpu.memory_space<hbm>> -> memref<1x84xf32, #tpu.memory_space<hbm>>
        %dma_start3A_278 = tpu.memref_squeeze %dma_start3A_277 : memref<1x84xf32, #tpu.memory_space<hbm>> -> memref<84xf32, #tpu.memory_space<hbm>>
        %dma_start3A_279 = arith.constant 0 : i32
        %dma_start3A_280 = tpu.memref_slice %arg9[%add3A_272, %dma_start3A_279] : memref<256x84xf32, #tpu.memory_space<vmem>> -> memref<1x84xf32, #tpu.memory_space<vmem>>
        %dma_start3A_281 = tpu.memref_squeeze %dma_start3A_280 : memref<1x84xf32, #tpu.memory_space<vmem>> -> memref<84xf32, #tpu.memory_space<vmem>>
        %dma_start3A_282 = arith.constant 0 : i32
        %dma_start3A_283 = tpu.memref_slice %arg4[%squeeze3A_266, %dma_start3A_282] : memref<1000000x84xf32, #tpu.memory_space<hbm>> -> memref<1x84xf32, #tpu.memory_space<hbm>>
        %dma_start3A_284 = tpu.memref_squeeze %dma_start3A_283 : memref<1x84xf32, #tpu.memory_space<hbm>> -> memref<84xf32, #tpu.memory_space<hbm>>
        tpu.enqueue_dma source(%dma_start3A_284 : memref<84xf32, #tpu.memory_space<hbm>>) target(%dma_start3A_281 : memref<84xf32, #tpu.memory_space<vmem>>) target_semaphore(%arg12 : memref<!tpu.dma_semaphore, #tpu.memory_space<semaphore_mem>>)
        %mul3A_285 = arith.constant 16 : i32
        %mul3A_286 = arith.muli %scan3A_37, %mul3A_285 : i32
        %add3A_287 = arith.constant 6 : i32
        %add3A_288 = arith.addi %mul3A_286, %add3A_287 : i32
        %dma_start3A_289 = arith.constant 0 : i32
        %dma_start3A_290 = tpu.memref_slice %arg10[%add3A_288, %dma_start3A_289] : memref<256x84xf32, #tpu.memory_space<vmem>> -> memref<1x84xf32, #tpu.memory_space<vmem>>
        %dma_start3A_291 = tpu.memref_squeeze %dma_start3A_290 : memref<1x84xf32, #tpu.memory_space<vmem>> -> memref<84xf32, #tpu.memory_space<vmem>>
        %dma_start3A_292 = arith.constant 0 : i32
        %dma_start3A_293 = tpu.memref_slice %arg5[%squeeze3A_268, %dma_start3A_292] : memref<1000000x84xf32, #tpu.memory_space<hbm>> -> memref<1x84xf32, #tpu.memory_space<hbm>>
        %dma_start3A_294 = tpu.memref_squeeze %dma_start3A_293 : memref<1x84xf32, #tpu.memory_space<hbm>> -> memref<84xf32, #tpu.memory_space<hbm>>
        %dma_start3A_295 = arith.constant 0 : i32
        %dma_start3A_296 = tpu.memref_slice %arg10[%add3A_288, %dma_start3A_295] : memref<256x84xf32, #tpu.memory_space<vmem>> -> memref<1x84xf32, #tpu.memory_space<vmem>>
        %dma_start3A_297 = tpu.memref_squeeze %dma_start3A_296 : memref<1x84xf32, #tpu.memory_space<vmem>> -> memref<84xf32, #tpu.memory_space<vmem>>
        %dma_start3A_298 = arith.constant 0 : i32
        %dma_start3A_299 = tpu.memref_slice %arg5[%squeeze3A_268, %dma_start3A_298] : memref<1000000x84xf32, #tpu.memory_space<hbm>> -> memref<1x84xf32, #tpu.memory_space<hbm>>
        %dma_start3A_300 = tpu.memref_squeeze %dma_start3A_299 : memref<1x84xf32, #tpu.memory_space<hbm>> -> memref<84xf32, #tpu.memory_space<hbm>>
        tpu.enqueue_dma source(%dma_start3A_300 : memref<84xf32, #tpu.memory_space<hbm>>) target(%dma_start3A_297 : memref<84xf32, #tpu.memory_space<vmem>>) target_semaphore(%arg12 : memref<!tpu.dma_semaphore, #tpu.memory_space<semaphore_mem>>)
        %slice3A_301 = vector.extract_strided_slice %get3A_44 {offsets = [7], sizes = [1], strides = [1]} : vector<16xi32> to vector<1xi32>
        %squeeze3A_302 = vector.extract %slice3A_301[0] : i32 from vector<1xi32>
        %slice3A_303 = vector.extract_strided_slice %get3A_51 {offsets = [7], sizes = [1], strides = [1]} : vector<16xi32> to vector<1xi32>
        %squeeze3A_304 = vector.extract %slice3A_303[0] : i32 from vector<1xi32>
        %mul3A_305 = arith.constant 16 : i32
        %mul3A_306 = arith.muli %scan3A_37, %mul3A_305 : i32
        %add3A_307 = arith.constant 7 : i32
        %add3A_308 = arith.addi %mul3A_306, %add3A_307 : i32
        %dma_start3A_309 = arith.constant 0 : i32
        %dma_start3A_310 = tpu.memref_slice %arg9[%add3A_308, %dma_start3A_309] : memref<256x84xf32, #tpu.memory_space<vmem>> -> memref<1x84xf32, #tpu.memory_space<vmem>>
        %dma_start3A_311 = tpu.memref_squeeze %dma_start3A_310 : memref<1x84xf32, #tpu.memory_space<vmem>> -> memref<84xf32, #tpu.memory_space<vmem>>
        %dma_start3A_312 = arith.constant 0 : i32
        %dma_start3A_313 = tpu.memref_slice %arg4[%squeeze3A_302, %dma_start3A_312] : memref<1000000x84xf32, #tpu.memory_space<hbm>> -> memref<1x84xf32, #tpu.memory_space<hbm>>
        %dma_start3A_314 = tpu.memref_squeeze %dma_start3A_313 : memref<1x84xf32, #tpu.memory_space<hbm>> -> memref<84xf32, #tpu.memory_space<hbm>>
        %dma_start3A_315 = arith.constant 0 : i32
        %dma_start3A_316 = tpu.memref_slice %arg9[%add3A_308, %dma_start3A_315] : memref<256x84xf32, #tpu.memory_space<vmem>> -> memref<1x84xf32, #tpu.memory_space<vmem>>
        %dma_start3A_317 = tpu.memref_squeeze %dma_start3A_316 : memref<1x84xf32, #tpu.memory_space<vmem>> -> memref<84xf32, #tpu.memory_space<vmem>>
        %dma_start3A_318 = arith.constant 0 : i32
        %dma_start3A_319 = tpu.memref_slice %arg4[%squeeze3A_302, %dma_start3A_318] : memref<1000000x84xf32, #tpu.memory_space<hbm>> -> memref<1x84xf32, #tpu.memory_space<hbm>>
        %dma_start3A_320 = tpu.memref_squeeze %dma_start3A_319 : memref<1x84xf32, #tpu.memory_space<hbm>> -> memref<84xf32, #tpu.memory_space<hbm>>
        tpu.enqueue_dma source(%dma_start3A_320 : memref<84xf32, #tpu.memory_space<hbm>>) target(%dma_start3A_317 : memref<84xf32, #tpu.memory_space<vmem>>) target_semaphore(%arg12 : memref<!tpu.dma_semaphore, #tpu.memory_space<semaphore_mem>>)
        %mul3A_321 = arith.constant 16 : i32
        %mul3A_322 = arith.muli %scan3A_37, %mul3A_321 : i32
        %add3A_323 = arith.constant 7 : i32
        %add3A_324 = arith.addi %mul3A_322, %add3A_323 : i32
        %dma_start3A_325 = arith.constant 0 : i32
        %dma_start3A_326 = tpu.memref_slice %arg10[%add3A_324, %dma_start3A_325] : memref<256x84xf32, #tpu.memory_space<vmem>> -> memref<1x84xf32, #tpu.memory_space<vmem>>
        %dma_start3A_327 = tpu.memref_squeeze %dma_start3A_326 : memref<1x84xf32, #tpu.memory_space<vmem>> -> memref<84xf32, #tpu.memory_space<vmem>>
        %dma_start3A_328 = arith.constant 0 : i32
        %dma_start3A_329 = tpu.memref_slice %arg5[%squeeze3A_304, %dma_start3A_328] : memref<1000000x84xf32, #tpu.memory_space<hbm>> -> memref<1x84xf32, #tpu.memory_space<hbm>>
        %dma_start3A_330 = tpu.memref_squeeze %dma_start3A_329 : memref<1x84xf32, #tpu.memory_space<hbm>> -> memref<84xf32, #tpu.memory_space<hbm>>
        %dma_start3A_331 = arith.constant 0 : i32
        %dma_start3A_332 = tpu.memref_slice %arg10[%add3A_324, %dma_start3A_331] : memref<256x84xf32, #tpu.memory_space<vmem>> -> memref<1x84xf32, #tpu.memory_space<vmem>>
        %dma_start3A_333 = tpu.memref_squeeze %dma_start3A_332 : memref<1x84xf32, #tpu.memory_space<vmem>> -> memref<84xf32, #tpu.memory_space<vmem>>
        %dma_start3A_334 = arith.constant 0 : i32
        %dma_start3A_335 = tpu.memref_slice %arg5[%squeeze3A_304, %dma_start3A_334] : memref<1000000x84xf32, #tpu.memory_space<hbm>> -> memref<1x84xf32, #tpu.memory_space<hbm>>
        %dma_start3A_336 = tpu.memref_squeeze %dma_start3A_335 : memref<1x84xf32, #tpu.memory_space<hbm>> -> memref<84xf32, #tpu.memory_space<hbm>>
        tpu.enqueue_dma source(%dma_start3A_336 : memref<84xf32, #tpu.memory_space<hbm>>) target(%dma_start3A_333 : memref<84xf32, #tpu.memory_space<vmem>>) target_semaphore(%arg12 : memref<!tpu.dma_semaphore, #tpu.memory_space<semaphore_mem>>)
        %slice3A_337 = vector.extract_strided_slice %get3A_44 {offsets = [8], sizes = [1], strides = [1]} : vector<16xi32> to vector<1xi32>
        %squeeze3A_338 = vector.extract %slice3A_337[0] : i32 from vector<1xi32>
        %slice3A_339 = vector.extract_strided_slice %get3A_51 {offsets = [8], sizes = [1], strides = [1]} : vector<16xi32> to vector<1xi32>
        %squeeze3A_340 = vector.extract %slice3A_339[0] : i32 from vector<1xi32>
        %mul3A_341 = arith.constant 16 : i32
        %mul3A_342 = arith.muli %scan3A_37, %mul3A_341 : i32
        %add3A_343 = arith.constant 8 : i32
        %add3A_344 = arith.addi %mul3A_342, %add3A_343 : i32
        %dma_start3A_345 = arith.constant 0 : i32
        %dma_start3A_346 = tpu.memref_slice %arg9[%add3A_344, %dma_start3A_345] : memref<256x84xf32, #tpu.memory_space<vmem>> -> memref<1x84xf32, #tpu.memory_space<vmem>>
        %dma_start3A_347 = tpu.memref_squeeze %dma_start3A_346 : memref<1x84xf32, #tpu.memory_space<vmem>> -> memref<84xf32, #tpu.memory_space<vmem>>
        %dma_start3A_348 = arith.constant 0 : i32
        %dma_start3A_349 = tpu.memref_slice %arg4[%squeeze3A_338, %dma_start3A_348] : memref<1000000x84xf32, #tpu.memory_space<hbm>> -> memref<1x84xf32, #tpu.memory_space<hbm>>
        %dma_start3A_350 = tpu.memref_squeeze %dma_start3A_349 : memref<1x84xf32, #tpu.memory_space<hbm>> -> memref<84xf32, #tpu.memory_space<hbm>>
        %dma_start3A_351 = arith.constant 0 : i32
        %dma_start3A_352 = tpu.memref_slice %arg9[%add3A_344, %dma_start3A_351] : memref<256x84xf32, #tpu.memory_space<vmem>> -> memref<1x84xf32, #tpu.memory_space<vmem>>
        %dma_start3A_353 = tpu.memref_squeeze %dma_start3A_352 : memref<1x84xf32, #tpu.memory_space<vmem>> -> memref<84xf32, #tpu.memory_space<vmem>>
        %dma_start3A_354 = arith.constant 0 : i32
        %dma_start3A_355 = tpu.memref_slice %arg4[%squeeze3A_338, %dma_start3A_354] : memref<1000000x84xf32, #tpu.memory_space<hbm>> -> memref<1x84xf32, #tpu.memory_space<hbm>>
        %dma_start3A_356 = tpu.memref_squeeze %dma_start3A_355 : memref<1x84xf32, #tpu.memory_space<hbm>> -> memref<84xf32, #tpu.memory_space<hbm>>
        tpu.enqueue_dma source(%dma_start3A_356 : memref<84xf32, #tpu.memory_space<hbm>>) target(%dma_start3A_353 : memref<84xf32, #tpu.memory_space<vmem>>) target_semaphore(%arg12 : memref<!tpu.dma_semaphore, #tpu.memory_space<semaphore_mem>>)
        %mul3A_357 = arith.constant 16 : i32
        %mul3A_358 = arith.muli %scan3A_37, %mul3A_357 : i32
        %add3A_359 = arith.constant 8 : i32
        %add3A_360 = arith.addi %mul3A_358, %add3A_359 : i32
        %dma_start3A_361 = arith.constant 0 : i32
        %dma_start3A_362 = tpu.memref_slice %arg10[%add3A_360, %dma_start3A_361] : memref<256x84xf32, #tpu.memory_space<vmem>> -> memref<1x84xf32, #tpu.memory_space<vmem>>
        %dma_start3A_363 = tpu.memref_squeeze %dma_start3A_362 : memref<1x84xf32, #tpu.memory_space<vmem>> -> memref<84xf32, #tpu.memory_space<vmem>>
        %dma_start3A_364 = arith.constant 0 : i32
        %dma_start3A_365 = tpu.memref_slice %arg5[%squeeze3A_340, %dma_start3A_364] : memref<1000000x84xf32, #tpu.memory_space<hbm>> -> memref<1x84xf32, #tpu.memory_space<hbm>>
        %dma_start3A_366 = tpu.memref_squeeze %dma_start3A_365 : memref<1x84xf32, #tpu.memory_space<hbm>> -> memref<84xf32, #tpu.memory_space<hbm>>
        %dma_start3A_367 = arith.constant 0 : i32
        %dma_start3A_368 = tpu.memref_slice %arg10[%add3A_360, %dma_start3A_367] : memref<256x84xf32, #tpu.memory_space<vmem>> -> memref<1x84xf32, #tpu.memory_space<vmem>>
        %dma_start3A_369 = tpu.memref_squeeze %dma_start3A_368 : memref<1x84xf32, #tpu.memory_space<vmem>> -> memref<84xf32, #tpu.memory_space<vmem>>
        %dma_start3A_370 = arith.constant 0 : i32
        %dma_start3A_371 = tpu.memref_slice %arg5[%squeeze3A_340, %dma_start3A_370] : memref<1000000x84xf32, #tpu.memory_space<hbm>> -> memref<1x84xf32, #tpu.memory_space<hbm>>
        %dma_start3A_372 = tpu.memref_squeeze %dma_start3A_371 : memref<1x84xf32, #tpu.memory_space<hbm>> -> memref<84xf32, #tpu.memory_space<hbm>>
        tpu.enqueue_dma source(%dma_start3A_372 : memref<84xf32, #tpu.memory_space<hbm>>) target(%dma_start3A_369 : memref<84xf32, #tpu.memory_space<vmem>>) target_semaphore(%arg12 : memref<!tpu.dma_semaphore, #tpu.memory_space<semaphore_mem>>)
        %slice3A_373 = vector.extract_strided_slice %get3A_44 {offsets = [9], sizes = [1], strides = [1]} : vector<16xi32> to vector<1xi32>
        %squeeze3A_374 = vector.extract %slice3A_373[0] : i32 from vector<1xi32>
        %slice3A_375 = vector.extract_strided_slice %get3A_51 {offsets = [9], sizes = [1], strides = [1]} : vector<16xi32> to vector<1xi32>
        %squeeze3A_376 = vector.extract %slice3A_375[0] : i32 from vector<1xi32>
        %mul3A_377 = arith.constant 16 : i32
        %mul3A_378 = arith.muli %scan3A_37, %mul3A_377 : i32
        %add3A_379 = arith.constant 9 : i32
        %add3A_380 = arith.addi %mul3A_378, %add3A_379 : i32
        %dma_start3A_381 = arith.constant 0 : i32
        %dma_start3A_382 = tpu.memref_slice %arg9[%add3A_380, %dma_start3A_381] : memref<256x84xf32, #tpu.memory_space<vmem>> -> memref<1x84xf32, #tpu.memory_space<vmem>>
        %dma_start3A_383 = tpu.memref_squeeze %dma_start3A_382 : memref<1x84xf32, #tpu.memory_space<vmem>> -> memref<84xf32, #tpu.memory_space<vmem>>
        %dma_start3A_384 = arith.constant 0 : i32
        %dma_start3A_385 = tpu.memref_slice %arg4[%squeeze3A_374, %dma_start3A_384] : memref<1000000x84xf32, #tpu.memory_space<hbm>> -> memref<1x84xf32, #tpu.memory_space<hbm>>
        %dma_start3A_386 = tpu.memref_squeeze %dma_start3A_385 : memref<1x84xf32, #tpu.memory_space<hbm>> -> memref<84xf32, #tpu.memory_space<hbm>>
        %dma_start3A_387 = arith.constant 0 : i32
        %dma_start3A_388 = tpu.memref_slice %arg9[%add3A_380, %dma_start3A_387] : memref<256x84xf32, #tpu.memory_space<vmem>> -> memref<1x84xf32, #tpu.memory_space<vmem>>
        %dma_start3A_389 = tpu.memref_squeeze %dma_start3A_388 : memref<1x84xf32, #tpu.memory_space<vmem>> -> memref<84xf32, #tpu.memory_space<vmem>>
        %dma_start3A_390 = arith.constant 0 : i32
        %dma_start3A_391 = tpu.memref_slice %arg4[%squeeze3A_374, %dma_start3A_390] : memref<1000000x84xf32, #tpu.memory_space<hbm>> -> memref<1x84xf32, #tpu.memory_space<hbm>>
        %dma_start3A_392 = tpu.memref_squeeze %dma_start3A_391 : memref<1x84xf32, #tpu.memory_space<hbm>> -> memref<84xf32, #tpu.memory_space<hbm>>
        tpu.enqueue_dma source(%dma_start3A_392 : memref<84xf32, #tpu.memory_space<hbm>>) target(%dma_start3A_389 : memref<84xf32, #tpu.memory_space<vmem>>) target_semaphore(%arg12 : memref<!tpu.dma_semaphore, #tpu.memory_space<semaphore_mem>>)
        %mul3A_393 = arith.constant 16 : i32
        %mul3A_394 = arith.muli %scan3A_37, %mul3A_393 : i32
        %add3A_395 = arith.constant 9 : i32
        %add3A_396 = arith.addi %mul3A_394, %add3A_395 : i32
        %dma_start3A_397 = arith.constant 0 : i32
        %dma_start3A_398 = tpu.memref_slice %arg10[%add3A_396, %dma_start3A_397] : memref<256x84xf32, #tpu.memory_space<vmem>> -> memref<1x84xf32, #tpu.memory_space<vmem>>
        %dma_start3A_399 = tpu.memref_squeeze %dma_start3A_398 : memref<1x84xf32, #tpu.memory_space<vmem>> -> memref<84xf32, #tpu.memory_space<vmem>>
        %dma_start3A_400 = arith.constant 0 : i32
        %dma_start3A_401 = tpu.memref_slice %arg5[%squeeze3A_376, %dma_start3A_400] : memref<1000000x84xf32, #tpu.memory_space<hbm>> -> memref<1x84xf32, #tpu.memory_space<hbm>>
        %dma_start3A_402 = tpu.memref_squeeze %dma_start3A_401 : memref<1x84xf32, #tpu.memory_space<hbm>> -> memref<84xf32, #tpu.memory_space<hbm>>
        %dma_start3A_403 = arith.constant 0 : i32
        %dma_start3A_404 = tpu.memref_slice %arg10[%add3A_396, %dma_start3A_403] : memref<256x84xf32, #tpu.memory_space<vmem>> -> memref<1x84xf32, #tpu.memory_space<vmem>>
        %dma_start3A_405 = tpu.memref_squeeze %dma_start3A_404 : memref<1x84xf32, #tpu.memory_space<vmem>> -> memref<84xf32, #tpu.memory_space<vmem>>
        %dma_start3A_406 = arith.constant 0 : i32
        %dma_start3A_407 = tpu.memref_slice %arg5[%squeeze3A_376, %dma_start3A_406] : memref<1000000x84xf32, #tpu.memory_space<hbm>> -> memref<1x84xf32, #tpu.memory_space<hbm>>
        %dma_start3A_408 = tpu.memref_squeeze %dma_start3A_407 : memref<1x84xf32, #tpu.memory_space<hbm>> -> memref<84xf32, #tpu.memory_space<hbm>>
        tpu.enqueue_dma source(%dma_start3A_408 : memref<84xf32, #tpu.memory_space<hbm>>) target(%dma_start3A_405 : memref<84xf32, #tpu.memory_space<vmem>>) target_semaphore(%arg12 : memref<!tpu.dma_semaphore, #tpu.memory_space<semaphore_mem>>)
        %slice3A_409 = vector.extract_strided_slice %get3A_44 {offsets = [10], sizes = [1], strides = [1]} : vector<16xi32> to vector<1xi32>
        %squeeze3A_410 = vector.extract %slice3A_409[0] : i32 from vector<1xi32>
        %slice3A_411 = vector.extract_strided_slice %get3A_51 {offsets = [10], sizes = [1], strides = [1]} : vector<16xi32> to vector<1xi32>
        %squeeze3A_412 = vector.extract %slice3A_411[0] : i32 from vector<1xi32>
        %mul3A_413 = arith.constant 16 : i32
        %mul3A_414 = arith.muli %scan3A_37, %mul3A_413 : i32
        %add3A_415 = arith.constant 10 : i32
        %add3A_416 = arith.addi %mul3A_414, %add3A_415 : i32
        %dma_start3A_417 = arith.constant 0 : i32
        %dma_start3A_418 = tpu.memref_slice %arg9[%add3A_416, %dma_start3A_417] : memref<256x84xf32, #tpu.memory_space<vmem>> -> memref<1x84xf32, #tpu.memory_space<vmem>>
        %dma_start3A_419 = tpu.memref_squeeze %dma_start3A_418 : memref<1x84xf32, #tpu.memory_space<vmem>> -> memref<84xf32, #tpu.memory_space<vmem>>
        %dma_start3A_420 = arith.constant 0 : i32
        %dma_start3A_421 = tpu.memref_slice %arg4[%squeeze3A_410, %dma_start3A_420] : memref<1000000x84xf32, #tpu.memory_space<hbm>> -> memref<1x84xf32, #tpu.memory_space<hbm>>
        %dma_start3A_422 = tpu.memref_squeeze %dma_start3A_421 : memref<1x84xf32, #tpu.memory_space<hbm>> -> memref<84xf32, #tpu.memory_space<hbm>>
        %dma_start3A_423 = arith.constant 0 : i32
        %dma_start3A_424 = tpu.memref_slice %arg9[%add3A_416, %dma_start3A_423] : memref<256x84xf32, #tpu.memory_space<vmem>> -> memref<1x84xf32, #tpu.memory_space<vmem>>
        %dma_start3A_425 = tpu.memref_squeeze %dma_start3A_424 : memref<1x84xf32, #tpu.memory_space<vmem>> -> memref<84xf32, #tpu.memory_space<vmem>>
        %dma_start3A_426 = arith.constant 0 : i32
        %dma_start3A_427 = tpu.memref_slice %arg4[%squeeze3A_410, %dma_start3A_426] : memref<1000000x84xf32, #tpu.memory_space<hbm>> -> memref<1x84xf32, #tpu.memory_space<hbm>>
        %dma_start3A_428 = tpu.memref_squeeze %dma_start3A_427 : memref<1x84xf32, #tpu.memory_space<hbm>> -> memref<84xf32, #tpu.memory_space<hbm>>
        tpu.enqueue_dma source(%dma_start3A_428 : memref<84xf32, #tpu.memory_space<hbm>>) target(%dma_start3A_425 : memref<84xf32, #tpu.memory_space<vmem>>) target_semaphore(%arg12 : memref<!tpu.dma_semaphore, #tpu.memory_space<semaphore_mem>>)
        %mul3A_429 = arith.constant 16 : i32
        %mul3A_430 = arith.muli %scan3A_37, %mul3A_429 : i32
        %add3A_431 = arith.constant 10 : i32
        %add3A_432 = arith.addi %mul3A_430, %add3A_431 : i32
        %dma_start3A_433 = arith.constant 0 : i32
        %dma_start3A_434 = tpu.memref_slice %arg10[%add3A_432, %dma_start3A_433] : memref<256x84xf32, #tpu.memory_space<vmem>> -> memref<1x84xf32, #tpu.memory_space<vmem>>
        %dma_start3A_435 = tpu.memref_squeeze %dma_start3A_434 : memref<1x84xf32, #tpu.memory_space<vmem>> -> memref<84xf32, #tpu.memory_space<vmem>>
        %dma_start3A_436 = arith.constant 0 : i32
        %dma_start3A_437 = tpu.memref_slice %arg5[%squeeze3A_412, %dma_start3A_436] : memref<1000000x84xf32, #tpu.memory_space<hbm>> -> memref<1x84xf32, #tpu.memory_space<hbm>>
        %dma_start3A_438 = tpu.memref_squeeze %dma_start3A_437 : memref<1x84xf32, #tpu.memory_space<hbm>> -> memref<84xf32, #tpu.memory_space<hbm>>
        %dma_start3A_439 = arith.constant 0 : i32
        %dma_start3A_440 = tpu.memref_slice %arg10[%add3A_432, %dma_start3A_439] : memref<256x84xf32, #tpu.memory_space<vmem>> -> memref<1x84xf32, #tpu.memory_space<vmem>>
        %dma_start3A_441 = tpu.memref_squeeze %dma_start3A_440 : memref<1x84xf32, #tpu.memory_space<vmem>> -> memref<84xf32, #tpu.memory_space<vmem>>
        %dma_start3A_442 = arith.constant 0 : i32
        %dma_start3A_443 = tpu.memref_slice %arg5[%squeeze3A_412, %dma_start3A_442] : memref<1000000x84xf32, #tpu.memory_space<hbm>> -> memref<1x84xf32, #tpu.memory_space<hbm>>
        %dma_start3A_444 = tpu.memref_squeeze %dma_start3A_443 : memref<1x84xf32, #tpu.memory_space<hbm>> -> memref<84xf32, #tpu.memory_space<hbm>>
        tpu.enqueue_dma source(%dma_start3A_444 : memref<84xf32, #tpu.memory_space<hbm>>) target(%dma_start3A_441 : memref<84xf32, #tpu.memory_space<vmem>>) target_semaphore(%arg12 : memref<!tpu.dma_semaphore, #tpu.memory_space<semaphore_mem>>)
        %slice3A_445 = vector.extract_strided_slice %get3A_44 {offsets = [11], sizes = [1], strides = [1]} : vector<16xi32> to vector<1xi32>
        %squeeze3A_446 = vector.extract %slice3A_445[0] : i32 from vector<1xi32>
        %slice3A_447 = vector.extract_strided_slice %get3A_51 {offsets = [11], sizes = [1], strides = [1]} : vector<16xi32> to vector<1xi32>
        %squeeze3A_448 = vector.extract %slice3A_447[0] : i32 from vector<1xi32>
        %mul3A_449 = arith.constant 16 : i32
        %mul3A_450 = arith.muli %scan3A_37, %mul3A_449 : i32
        %add3A_451 = arith.constant 11 : i32
        %add3A_452 = arith.addi %mul3A_450, %add3A_451 : i32
        %dma_start3A_453 = arith.constant 0 : i32
        %dma_start3A_454 = tpu.memref_slice %arg9[%add3A_452, %dma_start3A_453] : memref<256x84xf32, #tpu.memory_space<vmem>> -> memref<1x84xf32, #tpu.memory_space<vmem>>
        %dma_start3A_455 = tpu.memref_squeeze %dma_start3A_454 : memref<1x84xf32, #tpu.memory_space<vmem>> -> memref<84xf32, #tpu.memory_space<vmem>>
        %dma_start3A_456 = arith.constant 0 : i32
        %dma_start3A_457 = tpu.memref_slice %arg4[%squeeze3A_446, %dma_start3A_456] : memref<1000000x84xf32, #tpu.memory_space<hbm>> -> memref<1x84xf32, #tpu.memory_space<hbm>>
        %dma_start3A_458 = tpu.memref_squeeze %dma_start3A_457 : memref<1x84xf32, #tpu.memory_space<hbm>> -> memref<84xf32, #tpu.memory_space<hbm>>
        %dma_start3A_459 = arith.constant 0 : i32
        %dma_start3A_460 = tpu.memref_slice %arg9[%add3A_452, %dma_start3A_459] : memref<256x84xf32, #tpu.memory_space<vmem>> -> memref<1x84xf32, #tpu.memory_space<vmem>>
        %dma_start3A_461 = tpu.memref_squeeze %dma_start3A_460 : memref<1x84xf32, #tpu.memory_space<vmem>> -> memref<84xf32, #tpu.memory_space<vmem>>
        %dma_start3A_462 = arith.constant 0 : i32
        %dma_start3A_463 = tpu.memref_slice %arg4[%squeeze3A_446, %dma_start3A_462] : memref<1000000x84xf32, #tpu.memory_space<hbm>> -> memref<1x84xf32, #tpu.memory_space<hbm>>
        %dma_start3A_464 = tpu.memref_squeeze %dma_start3A_463 : memref<1x84xf32, #tpu.memory_space<hbm>> -> memref<84xf32, #tpu.memory_space<hbm>>
        tpu.enqueue_dma source(%dma_start3A_464 : memref<84xf32, #tpu.memory_space<hbm>>) target(%dma_start3A_461 : memref<84xf32, #tpu.memory_space<vmem>>) target_semaphore(%arg12 : memref<!tpu.dma_semaphore, #tpu.memory_space<semaphore_mem>>)
        %mul3A_465 = arith.constant 16 : i32
        %mul3A_466 = arith.muli %scan3A_37, %mul3A_465 : i32
        %add3A_467 = arith.constant 11 : i32
        %add3A_468 = arith.addi %mul3A_466, %add3A_467 : i32
        %dma_start3A_469 = arith.constant 0 : i32
        %dma_start3A_470 = tpu.memref_slice %arg10[%add3A_468, %dma_start3A_469] : memref<256x84xf32, #tpu.memory_space<vmem>> -> memref<1x84xf32, #tpu.memory_space<vmem>>
        %dma_start3A_471 = tpu.memref_squeeze %dma_start3A_470 : memref<1x84xf32, #tpu.memory_space<vmem>> -> memref<84xf32, #tpu.memory_space<vmem>>
        %dma_start3A_472 = arith.constant 0 : i32
        %dma_start3A_473 = tpu.memref_slice %arg5[%squeeze3A_448, %dma_start3A_472] : memref<1000000x84xf32, #tpu.memory_space<hbm>> -> memref<1x84xf32, #tpu.memory_space<hbm>>
        %dma_start3A_474 = tpu.memref_squeeze %dma_start3A_473 : memref<1x84xf32, #tpu.memory_space<hbm>> -> memref<84xf32, #tpu.memory_space<hbm>>
        %dma_start3A_475 = arith.constant 0 : i32
        %dma_start3A_476 = tpu.memref_slice %arg10[%add3A_468, %dma_start3A_475] : memref<256x84xf32, #tpu.memory_space<vmem>> -> memref<1x84xf32, #tpu.memory_space<vmem>>
        %dma_start3A_477 = tpu.memref_squeeze %dma_start3A_476 : memref<1x84xf32, #tpu.memory_space<vmem>> -> memref<84xf32, #tpu.memory_space<vmem>>
        %dma_start3A_478 = arith.constant 0 : i32
        %dma_start3A_479 = tpu.memref_slice %arg5[%squeeze3A_448, %dma_start3A_478] : memref<1000000x84xf32, #tpu.memory_space<hbm>> -> memref<1x84xf32, #tpu.memory_space<hbm>>
        %dma_start3A_480 = tpu.memref_squeeze %dma_start3A_479 : memref<1x84xf32, #tpu.memory_space<hbm>> -> memref<84xf32, #tpu.memory_space<hbm>>
        tpu.enqueue_dma source(%dma_start3A_480 : memref<84xf32, #tpu.memory_space<hbm>>) target(%dma_start3A_477 : memref<84xf32, #tpu.memory_space<vmem>>) target_semaphore(%arg12 : memref<!tpu.dma_semaphore, #tpu.memory_space<semaphore_mem>>)
        %slice3A_481 = vector.extract_strided_slice %get3A_44 {offsets = [12], sizes = [1], strides = [1]} : vector<16xi32> to vector<1xi32>
        %squeeze3A_482 = vector.extract %slice3A_481[0] : i32 from vector<1xi32>
        %slice3A_483 = vector.extract_strided_slice %get3A_51 {offsets = [12], sizes = [1], strides = [1]} : vector<16xi32> to vector<1xi32>
        %squeeze3A_484 = vector.extract %slice3A_483[0] : i32 from vector<1xi32>
        %mul3A_485 = arith.constant 16 : i32
        %mul3A_486 = arith.muli %scan3A_37, %mul3A_485 : i32
        %add3A_487 = arith.constant 12 : i32
        %add3A_488 = arith.addi %mul3A_486, %add3A_487 : i32
        %dma_start3A_489 = arith.constant 0 : i32
        %dma_start3A_490 = tpu.memref_slice %arg9[%add3A_488, %dma_start3A_489] : memref<256x84xf32, #tpu.memory_space<vmem>> -> memref<1x84xf32, #tpu.memory_space<vmem>>
        %dma_start3A_491 = tpu.memref_squeeze %dma_start3A_490 : memref<1x84xf32, #tpu.memory_space<vmem>> -> memref<84xf32, #tpu.memory_space<vmem>>
        %dma_start3A_492 = arith.constant 0 : i32
        %dma_start3A_493 = tpu.memref_slice %arg4[%squeeze3A_482, %dma_start3A_492] : memref<1000000x84xf32, #tpu.memory_space<hbm>> -> memref<1x84xf32, #tpu.memory_space<hbm>>
        %dma_start3A_494 = tpu.memref_squeeze %dma_start3A_493 : memref<1x84xf32, #tpu.memory_space<hbm>> -> memref<84xf32, #tpu.memory_space<hbm>>
        %dma_start3A_495 = arith.constant 0 : i32
        %dma_start3A_496 = tpu.memref_slice %arg9[%add3A_488, %dma_start3A_495] : memref<256x84xf32, #tpu.memory_space<vmem>> -> memref<1x84xf32, #tpu.memory_space<vmem>>
        %dma_start3A_497 = tpu.memref_squeeze %dma_start3A_496 : memref<1x84xf32, #tpu.memory_space<vmem>> -> memref<84xf32, #tpu.memory_space<vmem>>
        %dma_start3A_498 = arith.constant 0 : i32
        %dma_start3A_499 = tpu.memref_slice %arg4[%squeeze3A_482, %dma_start3A_498] : memref<1000000x84xf32, #tpu.memory_space<hbm>> -> memref<1x84xf32, #tpu.memory_space<hbm>>
        %dma_start3A_500 = tpu.memref_squeeze %dma_start3A_499 : memref<1x84xf32, #tpu.memory_space<hbm>> -> memref<84xf32, #tpu.memory_space<hbm>>
        tpu.enqueue_dma source(%dma_start3A_500 : memref<84xf32, #tpu.memory_space<hbm>>) target(%dma_start3A_497 : memref<84xf32, #tpu.memory_space<vmem>>) target_semaphore(%arg12 : memref<!tpu.dma_semaphore, #tpu.memory_space<semaphore_mem>>)
        %mul3A_501 = arith.constant 16 : i32
        %mul3A_502 = arith.muli %scan3A_37, %mul3A_501 : i32
        %add3A_503 = arith.constant 12 : i32
        %add3A_504 = arith.addi %mul3A_502, %add3A_503 : i32
        %dma_start3A_505 = arith.constant 0 : i32
        %dma_start3A_506 = tpu.memref_slice %arg10[%add3A_504, %dma_start3A_505] : memref<256x84xf32, #tpu.memory_space<vmem>> -> memref<1x84xf32, #tpu.memory_space<vmem>>
        %dma_start3A_507 = tpu.memref_squeeze %dma_start3A_506 : memref<1x84xf32, #tpu.memory_space<vmem>> -> memref<84xf32, #tpu.memory_space<vmem>>
        %dma_start3A_508 = arith.constant 0 : i32
        %dma_start3A_509 = tpu.memref_slice %arg5[%squeeze3A_484, %dma_start3A_508] : memref<1000000x84xf32, #tpu.memory_space<hbm>> -> memref<1x84xf32, #tpu.memory_space<hbm>>
        %dma_start3A_510 = tpu.memref_squeeze %dma_start3A_509 : memref<1x84xf32, #tpu.memory_space<hbm>> -> memref<84xf32, #tpu.memory_space<hbm>>
        %dma_start3A_511 = arith.constant 0 : i32
        %dma_start3A_512 = tpu.memref_slice %arg10[%add3A_504, %dma_start3A_511] : memref<256x84xf32, #tpu.memory_space<vmem>> -> memref<1x84xf32, #tpu.memory_space<vmem>>
        %dma_start3A_513 = tpu.memref_squeeze %dma_start3A_512 : memref<1x84xf32, #tpu.memory_space<vmem>> -> memref<84xf32, #tpu.memory_space<vmem>>
        %dma_start3A_514 = arith.constant 0 : i32
        %dma_start3A_515 = tpu.memref_slice %arg5[%squeeze3A_484, %dma_start3A_514] : memref<1000000x84xf32, #tpu.memory_space<hbm>> -> memref<1x84xf32, #tpu.memory_space<hbm>>
        %dma_start3A_516 = tpu.memref_squeeze %dma_start3A_515 : memref<1x84xf32, #tpu.memory_space<hbm>> -> memref<84xf32, #tpu.memory_space<hbm>>
        tpu.enqueue_dma source(%dma_start3A_516 : memref<84xf32, #tpu.memory_space<hbm>>) target(%dma_start3A_513 : memref<84xf32, #tpu.memory_space<vmem>>) target_semaphore(%arg12 : memref<!tpu.dma_semaphore, #tpu.memory_space<semaphore_mem>>)
        %slice3A_517 = vector.extract_strided_slice %get3A_44 {offsets = [13], sizes = [1], strides = [1]} : vector<16xi32> to vector<1xi32>
        %squeeze3A_518 = vector.extract %slice3A_517[0] : i32 from vector<1xi32>
        %slice3A_519 = vector.extract_strided_slice %get3A_51 {offsets = [13], sizes = [1], strides = [1]} : vector<16xi32> to vector<1xi32>
        %squeeze3A_520 = vector.extract %slice3A_519[0] : i32 from vector<1xi32>
        %mul3A_521 = arith.constant 16 : i32
        %mul3A_522 = arith.muli %scan3A_37, %mul3A_521 : i32
        %add3A_523 = arith.constant 13 : i32
        %add3A_524 = arith.addi %mul3A_522, %add3A_523 : i32
        %dma_start3A_525 = arith.constant 0 : i32
        %dma_start3A_526 = tpu.memref_slice %arg9[%add3A_524, %dma_start3A_525] : memref<256x84xf32, #tpu.memory_space<vmem>> -> memref<1x84xf32, #tpu.memory_space<vmem>>
        %dma_start3A_527 = tpu.memref_squeeze %dma_start3A_526 : memref<1x84xf32, #tpu.memory_space<vmem>> -> memref<84xf32, #tpu.memory_space<vmem>>
        %dma_start3A_528 = arith.constant 0 : i32
        %dma_start3A_529 = tpu.memref_slice %arg4[%squeeze3A_518, %dma_start3A_528] : memref<1000000x84xf32, #tpu.memory_space<hbm>> -> memref<1x84xf32, #tpu.memory_space<hbm>>
        %dma_start3A_530 = tpu.memref_squeeze %dma_start3A_529 : memref<1x84xf32, #tpu.memory_space<hbm>> -> memref<84xf32, #tpu.memory_space<hbm>>
        %dma_start3A_531 = arith.constant 0 : i32
        %dma_start3A_532 = tpu.memref_slice %arg9[%add3A_524, %dma_start3A_531] : memref<256x84xf32, #tpu.memory_space<vmem>> -> memref<1x84xf32, #tpu.memory_space<vmem>>
        %dma_start3A_533 = tpu.memref_squeeze %dma_start3A_532 : memref<1x84xf32, #tpu.memory_space<vmem>> -> memref<84xf32, #tpu.memory_space<vmem>>
        %dma_start3A_534 = arith.constant 0 : i32
        %dma_start3A_535 = tpu.memref_slice %arg4[%squeeze3A_518, %dma_start3A_534] : memref<1000000x84xf32, #tpu.memory_space<hbm>> -> memref<1x84xf32, #tpu.memory_space<hbm>>
        %dma_start3A_536 = tpu.memref_squeeze %dma_start3A_535 : memref<1x84xf32, #tpu.memory_space<hbm>> -> memref<84xf32, #tpu.memory_space<hbm>>
        tpu.enqueue_dma source(%dma_start3A_536 : memref<84xf32, #tpu.memory_space<hbm>>) target(%dma_start3A_533 : memref<84xf32, #tpu.memory_space<vmem>>) target_semaphore(%arg12 : memref<!tpu.dma_semaphore, #tpu.memory_space<semaphore_mem>>)
        %mul3A_537 = arith.constant 16 : i32
        %mul3A_538 = arith.muli %scan3A_37, %mul3A_537 : i32
        %add3A_539 = arith.constant 13 : i32
        %add3A_540 = arith.addi %mul3A_538, %add3A_539 : i32
        %dma_start3A_541 = arith.constant 0 : i32
        %dma_start3A_542 = tpu.memref_slice %arg10[%add3A_540, %dma_start3A_541] : memref<256x84xf32, #tpu.memory_space<vmem>> -> memref<1x84xf32, #tpu.memory_space<vmem>>
        %dma_start3A_543 = tpu.memref_squeeze %dma_start3A_542 : memref<1x84xf32, #tpu.memory_space<vmem>> -> memref<84xf32, #tpu.memory_space<vmem>>
        %dma_start3A_544 = arith.constant 0 : i32
        %dma_start3A_545 = tpu.memref_slice %arg5[%squeeze3A_520, %dma_start3A_544] : memref<1000000x84xf32, #tpu.memory_space<hbm>> -> memref<1x84xf32, #tpu.memory_space<hbm>>
        %dma_start3A_546 = tpu.memref_squeeze %dma_start3A_545 : memref<1x84xf32, #tpu.memory_space<hbm>> -> memref<84xf32, #tpu.memory_space<hbm>>
        %dma_start3A_547 = arith.constant 0 : i32
        %dma_start3A_548 = tpu.memref_slice %arg10[%add3A_540, %dma_start3A_547] : memref<256x84xf32, #tpu.memory_space<vmem>> -> memref<1x84xf32, #tpu.memory_space<vmem>>
        %dma_start3A_549 = tpu.memref_squeeze %dma_start3A_548 : memref<1x84xf32, #tpu.memory_space<vmem>> -> memref<84xf32, #tpu.memory_space<vmem>>
        %dma_start3A_550 = arith.constant 0 : i32
        %dma_start3A_551 = tpu.memref_slice %arg5[%squeeze3A_520, %dma_start3A_550] : memref<1000000x84xf32, #tpu.memory_space<hbm>> -> memref<1x84xf32, #tpu.memory_space<hbm>>
        %dma_start3A_552 = tpu.memref_squeeze %dma_start3A_551 : memref<1x84xf32, #tpu.memory_space<hbm>> -> memref<84xf32, #tpu.memory_space<hbm>>
        tpu.enqueue_dma source(%dma_start3A_552 : memref<84xf32, #tpu.memory_space<hbm>>) target(%dma_start3A_549 : memref<84xf32, #tpu.memory_space<vmem>>) target_semaphore(%arg12 : memref<!tpu.dma_semaphore, #tpu.memory_space<semaphore_mem>>)
        %slice3A_553 = vector.extract_strided_slice %get3A_44 {offsets = [14], sizes = [1], strides = [1]} : vector<16xi32> to vector<1xi32>
        %squeeze3A_554 = vector.extract %slice3A_553[0] : i32 from vector<1xi32>
        %slice3A_555 = vector.extract_strided_slice %get3A_51 {offsets = [14], sizes = [1], strides = [1]} : vector<16xi32> to vector<1xi32>
        %squeeze3A_556 = vector.extract %slice3A_555[0] : i32 from vector<1xi32>
        %mul3A_557 = arith.constant 16 : i32
        %mul3A_558 = arith.muli %scan3A_37, %mul3A_557 : i32
        %add3A_559 = arith.constant 14 : i32
        %add3A_560 = arith.addi %mul3A_558, %add3A_559 : i32
        %dma_start3A_561 = arith.constant 0 : i32
        %dma_start3A_562 = tpu.memref_slice %arg9[%add3A_560, %dma_start3A_561] : memref<256x84xf32, #tpu.memory_space<vmem>> -> memref<1x84xf32, #tpu.memory_space<vmem>>
        %dma_start3A_563 = tpu.memref_squeeze %dma_start3A_562 : memref<1x84xf32, #tpu.memory_space<vmem>> -> memref<84xf32, #tpu.memory_space<vmem>>
        %dma_start3A_564 = arith.constant 0 : i32
        %dma_start3A_565 = tpu.memref_slice %arg4[%squeeze3A_554, %dma_start3A_564] : memref<1000000x84xf32, #tpu.memory_space<hbm>> -> memref<1x84xf32, #tpu.memory_space<hbm>>
        %dma_start3A_566 = tpu.memref_squeeze %dma_start3A_565 : memref<1x84xf32, #tpu.memory_space<hbm>> -> memref<84xf32, #tpu.memory_space<hbm>>
        %dma_start3A_567 = arith.constant 0 : i32
        %dma_start3A_568 = tpu.memref_slice %arg9[%add3A_560, %dma_start3A_567] : memref<256x84xf32, #tpu.memory_space<vmem>> -> memref<1x84xf32, #tpu.memory_space<vmem>>
        %dma_start3A_569 = tpu.memref_squeeze %dma_start3A_568 : memref<1x84xf32, #tpu.memory_space<vmem>> -> memref<84xf32, #tpu.memory_space<vmem>>
        %dma_start3A_570 = arith.constant 0 : i32
        %dma_start3A_571 = tpu.memref_slice %arg4[%squeeze3A_554, %dma_start3A_570] : memref<1000000x84xf32, #tpu.memory_space<hbm>> -> memref<1x84xf32, #tpu.memory_space<hbm>>
        %dma_start3A_572 = tpu.memref_squeeze %dma_start3A_571 : memref<1x84xf32, #tpu.memory_space<hbm>> -> memref<84xf32, #tpu.memory_space<hbm>>
        tpu.enqueue_dma source(%dma_start3A_572 : memref<84xf32, #tpu.memory_space<hbm>>) target(%dma_start3A_569 : memref<84xf32, #tpu.memory_space<vmem>>) target_semaphore(%arg12 : memref<!tpu.dma_semaphore, #tpu.memory_space<semaphore_mem>>)
        %mul3A_573 = arith.constant 16 : i32
        %mul3A_574 = arith.muli %scan3A_37, %mul3A_573 : i32
        %add3A_575 = arith.constant 14 : i32
        %add3A_576 = arith.addi %mul3A_574, %add3A_575 : i32
        %dma_start3A_577 = arith.constant 0 : i32
        %dma_start3A_578 = tpu.memref_slice %arg10[%add3A_576, %dma_start3A_577] : memref<256x84xf32, #tpu.memory_space<vmem>> -> memref<1x84xf32, #tpu.memory_space<vmem>>
        %dma_start3A_579 = tpu.memref_squeeze %dma_start3A_578 : memref<1x84xf32, #tpu.memory_space<vmem>> -> memref<84xf32, #tpu.memory_space<vmem>>
        %dma_start3A_580 = arith.constant 0 : i32
        %dma_start3A_581 = tpu.memref_slice %arg5[%squeeze3A_556, %dma_start3A_580] : memref<1000000x84xf32, #tpu.memory_space<hbm>> -> memref<1x84xf32, #tpu.memory_space<hbm>>
        %dma_start3A_582 = tpu.memref_squeeze %dma_start3A_581 : memref<1x84xf32, #tpu.memory_space<hbm>> -> memref<84xf32, #tpu.memory_space<hbm>>
        %dma_start3A_583 = arith.constant 0 : i32
        %dma_start3A_584 = tpu.memref_slice %arg10[%add3A_576, %dma_start3A_583] : memref<256x84xf32, #tpu.memory_space<vmem>> -> memref<1x84xf32, #tpu.memory_space<vmem>>
        %dma_start3A_585 = tpu.memref_squeeze %dma_start3A_584 : memref<1x84xf32, #tpu.memory_space<vmem>> -> memref<84xf32, #tpu.memory_space<vmem>>
        %dma_start3A_586 = arith.constant 0 : i32
        %dma_start3A_587 = tpu.memref_slice %arg5[%squeeze3A_556, %dma_start3A_586] : memref<1000000x84xf32, #tpu.memory_space<hbm>> -> memref<1x84xf32, #tpu.memory_space<hbm>>
        %dma_start3A_588 = tpu.memref_squeeze %dma_start3A_587 : memref<1x84xf32, #tpu.memory_space<hbm>> -> memref<84xf32, #tpu.memory_space<hbm>>
        tpu.enqueue_dma source(%dma_start3A_588 : memref<84xf32, #tpu.memory_space<hbm>>) target(%dma_start3A_585 : memref<84xf32, #tpu.memory_space<vmem>>) target_semaphore(%arg12 : memref<!tpu.dma_semaphore, #tpu.memory_space<semaphore_mem>>)
        %slice3A_589 = vector.extract_strided_slice %get3A_44 {offsets = [15], sizes = [1], strides = [1]} : vector<16xi32> to vector<1xi32>
        %squeeze3A_590 = vector.extract %slice3A_589[0] : i32 from vector<1xi32>
        %slice3A_591 = vector.extract_strided_slice %get3A_51 {offsets = [15], sizes = [1], strides = [1]} : vector<16xi32> to vector<1xi32>
        %squeeze3A_592 = vector.extract %slice3A_591[0] : i32 from vector<1xi32>
        %mul3A_593 = arith.constant 16 : i32
        %mul3A_594 = arith.muli %scan3A_37, %mul3A_593 : i32
        %add3A_595 = arith.constant 15 : i32
        %add3A_596 = arith.addi %mul3A_594, %add3A_595 : i32
        %dma_start3A_597 = arith.constant 0 : i32
        %dma_start3A_598 = tpu.memref_slice %arg9[%add3A_596, %dma_start3A_597] : memref<256x84xf32, #tpu.memory_space<vmem>> -> memref<1x84xf32, #tpu.memory_space<vmem>>
        %dma_start3A_599 = tpu.memref_squeeze %dma_start3A_598 : memref<1x84xf32, #tpu.memory_space<vmem>> -> memref<84xf32, #tpu.memory_space<vmem>>
        %dma_start3A_600 = arith.constant 0 : i32
        %dma_start3A_601 = tpu.memref_slice %arg4[%squeeze3A_590, %dma_start3A_600] : memref<1000000x84xf32, #tpu.memory_space<hbm>> -> memref<1x84xf32, #tpu.memory_space<hbm>>
        %dma_start3A_602 = tpu.memref_squeeze %dma_start3A_601 : memref<1x84xf32, #tpu.memory_space<hbm>> -> memref<84xf32, #tpu.memory_space<hbm>>
        %dma_start3A_603 = arith.constant 0 : i32
        %dma_start3A_604 = tpu.memref_slice %arg9[%add3A_596, %dma_start3A_603] : memref<256x84xf32, #tpu.memory_space<vmem>> -> memref<1x84xf32, #tpu.memory_space<vmem>>
        %dma_start3A_605 = tpu.memref_squeeze %dma_start3A_604 : memref<1x84xf32, #tpu.memory_space<vmem>> -> memref<84xf32, #tpu.memory_space<vmem>>
        %dma_start3A_606 = arith.constant 0 : i32
        %dma_start3A_607 = tpu.memref_slice %arg4[%squeeze3A_590, %dma_start3A_606] : memref<1000000x84xf32, #tpu.memory_space<hbm>> -> memref<1x84xf32, #tpu.memory_space<hbm>>
        %dma_start3A_608 = tpu.memref_squeeze %dma_start3A_607 : memref<1x84xf32, #tpu.memory_space<hbm>> -> memref<84xf32, #tpu.memory_space<hbm>>
        tpu.enqueue_dma source(%dma_start3A_608 : memref<84xf32, #tpu.memory_space<hbm>>) target(%dma_start3A_605 : memref<84xf32, #tpu.memory_space<vmem>>) target_semaphore(%arg12 : memref<!tpu.dma_semaphore, #tpu.memory_space<semaphore_mem>>)
        %mul3A_609 = arith.constant 16 : i32
        %mul3A_610 = arith.muli %scan3A_37, %mul3A_609 : i32
        %add3A_611 = arith.constant 15 : i32
        %add3A_612 = arith.addi %mul3A_610, %add3A_611 : i32
        %dma_start3A_613 = arith.constant 0 : i32
        %dma_start3A_614 = tpu.memref_slice %arg10[%add3A_612, %dma_start3A_613] : memref<256x84xf32, #tpu.memory_space<vmem>> -> memref<1x84xf32, #tpu.memory_space<vmem>>
        %dma_start3A_615 = tpu.memref_squeeze %dma_start3A_614 : memref<1x84xf32, #tpu.memory_space<vmem>> -> memref<84xf32, #tpu.memory_space<vmem>>
        %dma_start3A_616 = arith.constant 0 : i32
        %dma_start3A_617 = tpu.memref_slice %arg5[%squeeze3A_592, %dma_start3A_616] : memref<1000000x84xf32, #tpu.memory_space<hbm>> -> memref<1x84xf32, #tpu.memory_space<hbm>>
        %dma_start3A_618 = tpu.memref_squeeze %dma_start3A_617 : memref<1x84xf32, #tpu.memory_space<hbm>> -> memref<84xf32, #tpu.memory_space<hbm>>
        %dma_start3A_619 = arith.constant 0 : i32
        %dma_start3A_620 = tpu.memref_slice %arg10[%add3A_612, %dma_start3A_619] : memref<256x84xf32, #tpu.memory_space<vmem>> -> memref<1x84xf32, #tpu.memory_space<vmem>>
        %dma_start3A_621 = tpu.memref_squeeze %dma_start3A_620 : memref<1x84xf32, #tpu.memory_space<vmem>> -> memref<84xf32, #tpu.memory_space<vmem>>
        %dma_start3A_622 = arith.constant 0 : i32
        %dma_start3A_623 = tpu.memref_slice %arg5[%squeeze3A_592, %dma_start3A_622] : memref<1000000x84xf32, #tpu.memory_space<hbm>> -> memref<1x84xf32, #tpu.memory_space<hbm>>
        %dma_start3A_624 = tpu.memref_squeeze %dma_start3A_623 : memref<1x84xf32, #tpu.memory_space<hbm>> -> memref<84xf32, #tpu.memory_space<hbm>>
        tpu.enqueue_dma source(%dma_start3A_624 : memref<84xf32, #tpu.memory_space<hbm>>) target(%dma_start3A_621 : memref<84xf32, #tpu.memory_space<vmem>>) target_semaphore(%arg12 : memref<!tpu.dma_semaphore, #tpu.memory_space<semaphore_mem>>)
        %scan3A_625 = arith.constant 0 : i32
        scf.yield %scan3A_625 : i32
      }
      %scan3A_17 = arith.constant 16 : i32
      %dma_wait3A = arith.constant 0 : i32
      %dma_wait3A_18 = arith.constant 0 : i32
      %dma_wait3A_19 = tpu.memref_slice %arg4[%dma_wait3A, %dma_wait3A_18] : memref<1000000x84xf32, #tpu.memory_space<hbm>> -> memref<256x84xf32, #tpu.memory_space<hbm>>
      %dma_wait3A_20 = arith.constant 0 : i32
      %dma_wait3A_21 = arith.constant 0 : i32
      %dma_wait3A_22 = tpu.memref_slice %arg4[%dma_wait3A_20, %dma_wait3A_21] : memref<1000000x84xf32, #tpu.memory_space<hbm>> -> memref<256x84xf32, #tpu.memory_space<hbm>>
      tpu.wait_dma2 semaphore(%arg12 : memref<!tpu.dma_semaphore, #tpu.memory_space<semaphore_mem>>) src(%dma_wait3A_22 : memref<256x84xf32, #tpu.memory_space<hbm>>) dst(%arg9 : memref<256x84xf32, #tpu.memory_space<vmem>>)
      %dma_wait3A_23 = arith.constant 0 : i32
      %dma_wait3A_24 = arith.constant 0 : i32
      %dma_wait3A_25 = tpu.memref_slice %arg5[%dma_wait3A_23, %dma_wait3A_24] : memref<1000000x84xf32, #tpu.memory_space<hbm>> -> memref<256x84xf32, #tpu.memory_space<hbm>>
      %dma_wait3A_26 = arith.constant 0 : i32
      %dma_wait3A_27 = arith.constant 0 : i32
      %dma_wait3A_28 = tpu.memref_slice %arg5[%dma_wait3A_26, %dma_wait3A_27] : memref<1000000x84xf32, #tpu.memory_space<hbm>> -> memref<256x84xf32, #tpu.memory_space<hbm>>
      tpu.wait_dma2 semaphore(%arg12 : memref<!tpu.dma_semaphore, #tpu.memory_space<semaphore_mem>>) src(%dma_wait3A_28 : memref<256x84xf32, #tpu.memory_space<hbm>>) dst(%arg10 : memref<256x84xf32, #tpu.memory_space<vmem>>)
      %scan3A_29 = arith.constant 0 : i32
      %scan3A_30 = arith.constant 0 : i32
      %scan3A_31 = arith.constant 16 : i32
      %scan3A_32 = arith.addi %scan3A_30, %scan3A_31 : i32
      %scan3A_33 = arith.constant 1 : i32
      %scan3A_34 = scf.for %scan3A_37 = %scan3A_30 to %scan3A_32 step %scan3A_33 iter_args(%scan3A_38 = %scan3A_29) -> (i32)  : i32 {
        %mul3A_39 = arith.constant 16 : i32
        %mul3A_40 = arith.muli %scan3A_37, %mul3A_39 : i32
        %add3A_41 = vector.broadcast %mul3A_40 : i32 to vector<16xi32>
        %add3A_42 = arith.addi %add3A_41, %iota3A : vector<16xi32>
        %broadcast_in_dim3A = arith.constant 0.000000e+00 : f32
        %broadcast_in_dim3A_43 = vector.broadcast %broadcast_in_dim3A : f32 to vector<16xf32>
        %broadcast_in_dim3A_44 = arith.constant 0 : i32
        %broadcast_in_dim3A_45 = vector.broadcast %broadcast_in_dim3A_44 : i32 to vector<16xi32>
        %gather3A = tpu.vector_load_idx %arg9[%add3A_42, %broadcast_in_dim3A_45] : memref<256x84xf32, #tpu.memory_space<vmem>>[vector<16xi32>, vector<16xi32>], vector<16xf32>,
        %gather3A_46 = tpu.vector_load_idx %arg10[%add3A_42, %broadcast_in_dim3A_45] : memref<256x84xf32, #tpu.memory_space<vmem>>[vector<16xi32>, vector<16xi32>], vector<16xf32>,
        %mul3A_47 = arith.mulf %gather3A, %gather3A_46 : vector<16xf32>
        %add3A_48 = arith.addf %broadcast_in_dim3A_43, %mul3A_47 : vector<16xf32>
        %broadcast_in_dim3A_49 = arith.constant 1 : i32
        %broadcast_in_dim3A_50 = vector.broadcast %broadcast_in_dim3A_49 : i32 to vector<16xi32>
        %gather3A_51 = tpu.vector_load_idx %arg9[%add3A_42, %broadcast_in_dim3A_50] : memref<256x84xf32, #tpu.memory_space<vmem>>[vector<16xi32>, vector<16xi32>], vector<16xf32>,
        %gather3A_52 = tpu.vector_load_idx %arg10[%add3A_42, %broadcast_in_dim3A_50] : memref<256x84xf32, #tpu.memory_space<vmem>>[vector<16xi32>, vector<16xi32>], vector<16xf32>,
        %mul3A_53 = arith.mulf %gather3A_51, %gather3A_52 : vector<16xf32>
        %add3A_54 = arith.addf %add3A_48, %mul3A_53 : vector<16xf32>
        %broadcast_in_dim3A_55 = arith.constant 2 : i32
        %broadcast_in_dim3A_56 = vector.broadcast %broadcast_in_dim3A_55 : i32 to vector<16xi32>
        %gather3A_57 = tpu.vector_load_idx %arg9[%add3A_42, %broadcast_in_dim3A_56] : memref<256x84xf32, #tpu.memory_space<vmem>>[vector<16xi32>, vector<16xi32>], vector<16xf32>,
        %gather3A_58 = tpu.vector_load_idx %arg10[%add3A_42, %broadcast_in_dim3A_56] : memref<256x84xf32, #tpu.memory_space<vmem>>[vector<16xi32>, vector<16xi32>], vector<16xf32>,
        %mul3A_59 = arith.mulf %gather3A_57, %gather3A_58 : vector<16xf32>
        %add3A_60 = arith.addf %add3A_54, %mul3A_59 : vector<16xf32>
        %broadcast_in_dim3A_61 = arith.constant 3 : i32
        %broadcast_in_dim3A_62 = vector.broadcast %broadcast_in_dim3A_61 : i32 to vector<16xi32>
        %gather3A_63 = tpu.vector_load_idx %arg9[%add3A_42, %broadcast_in_dim3A_62] : memref<256x84xf32, #tpu.memory_space<vmem>>[vector<16xi32>, vector<16xi32>], vector<16xf32>,
        %gather3A_64 = tpu.vector_load_idx %arg10[%add3A_42, %broadcast_in_dim3A_62] : memref<256x84xf32, #tpu.memory_space<vmem>>[vector<16xi32>, vector<16xi32>], vector<16xf32>,
        %mul3A_65 = arith.mulf %gather3A_63, %gather3A_64 : vector<16xf32>
        %add3A_66 = arith.addf %add3A_60, %mul3A_65 : vector<16xf32>
        %broadcast_in_dim3A_67 = arith.constant 4 : i32
        %broadcast_in_dim3A_68 = vector.broadcast %broadcast_in_dim3A_67 : i32 to vector<16xi32>
        %gather3A_69 = tpu.vector_load_idx %arg9[%add3A_42, %broadcast_in_dim3A_68] : memref<256x84xf32, #tpu.memory_space<vmem>>[vector<16xi32>, vector<16xi32>], vector<16xf32>,
        %gather3A_70 = tpu.vector_load_idx %arg10[%add3A_42, %broadcast_in_dim3A_68] : memref<256x84xf32, #tpu.memory_space<vmem>>[vector<16xi32>, vector<16xi32>], vector<16xf32>,
        %mul3A_71 = arith.mulf %gather3A_69, %gather3A_70 : vector<16xf32>
        %add3A_72 = arith.addf %add3A_66, %mul3A_71 : vector<16xf32>
        %broadcast_in_dim3A_73 = arith.constant 5 : i32
        %broadcast_in_dim3A_74 = vector.broadcast %broadcast_in_dim3A_73 : i32 to vector<16xi32>
        %gather3A_75 = tpu.vector_load_idx %arg9[%add3A_42, %broadcast_in_dim3A_74] : memref<256x84xf32, #tpu.memory_space<vmem>>[vector<16xi32>, vector<16xi32>], vector<16xf32>,
        %gather3A_76 = tpu.vector_load_idx %arg10[%add3A_42, %broadcast_in_dim3A_74] : memref<256x84xf32, #tpu.memory_space<vmem>>[vector<16xi32>, vector<16xi32>], vector<16xf32>,
        %mul3A_77 = arith.mulf %gather3A_75, %gather3A_76 : vector<16xf32>
        %add3A_78 = arith.addf %add3A_72, %mul3A_77 : vector<16xf32>
        %broadcast_in_dim3A_79 = arith.constant 6 : i32
        %broadcast_in_dim3A_80 = vector.broadcast %broadcast_in_dim3A_79 : i32 to vector<16xi32>
        %gather3A_81 = tpu.vector_load_idx %arg9[%add3A_42, %broadcast_in_dim3A_80] : memref<256x84xf32, #tpu.memory_space<vmem>>[vector<16xi32>, vector<16xi32>], vector<16xf32>,
        %gather3A_82 = tpu.vector_load_idx %arg10[%add3A_42, %broadcast_in_dim3A_80] : memref<256x84xf32, #tpu.memory_space<vmem>>[vector<16xi32>, vector<16xi32>], vector<16xf32>,
        %mul3A_83 = arith.mulf %gather3A_81, %gather3A_82 : vector<16xf32>
        %add3A_84 = arith.addf %add3A_78, %mul3A_83 : vector<16xf32>
        %broadcast_in_dim3A_85 = arith.constant 7 : i32
        %broadcast_in_dim3A_86 = vector.broadcast %broadcast_in_dim3A_85 : i32 to vector<16xi32>
        %gather3A_87 = tpu.vector_load_idx %arg9[%add3A_42, %broadcast_in_dim3A_86] : memref<256x84xf32, #tpu.memory_space<vmem>>[vector<16xi32>, vector<16xi32>], vector<16xf32>,
        %gather3A_88 = tpu.vector_load_idx %arg10[%add3A_42, %broadcast_in_dim3A_86] : memref<256x84xf32, #tpu.memory_space<vmem>>[vector<16xi32>, vector<16xi32>], vector<16xf32>,
        %mul3A_89 = arith.mulf %gather3A_87, %gather3A_88 : vector<16xf32>
        %add3A_90 = arith.addf %add3A_84, %mul3A_89 : vector<16xf32>
        %broadcast_in_dim3A_91 = arith.constant 8 : i32
        %broadcast_in_dim3A_92 = vector.broadcast %broadcast_in_dim3A_91 : i32 to vector<16xi32>
        %gather3A_93 = tpu.vector_load_idx %arg9[%add3A_42, %broadcast_in_dim3A_92] : memref<256x84xf32, #tpu.memory_space<vmem>>[vector<16xi32>, vector<16xi32>], vector<16xf32>,
        %gather3A_94 = tpu.vector_load_idx %arg10[%add3A_42, %broadcast_in_dim3A_92] : memref<256x84xf32, #tpu.memory_space<vmem>>[vector<16xi32>, vector<16xi32>], vector<16xf32>,
        %mul3A_95 = arith.mulf %gather3A_93, %gather3A_94 : vector<16xf32>
        %add3A_96 = arith.addf %add3A_90, %mul3A_95 : vector<16xf32>
        %broadcast_in_dim3A_97 = arith.constant 9 : i32
        %broadcast_in_dim3A_98 = vector.broadcast %broadcast_in_dim3A_97 : i32 to vector<16xi32>
        %gather3A_99 = tpu.vector_load_idx %arg9[%add3A_42, %broadcast_in_dim3A_98] : memref<256x84xf32, #tpu.memory_space<vmem>>[vector<16xi32>, vector<16xi32>], vector<16xf32>,
        %gather3A_100 = tpu.vector_load_idx %arg10[%add3A_42, %broadcast_in_dim3A_98] : memref<256x84xf32, #tpu.memory_space<vmem>>[vector<16xi32>, vector<16xi32>], vector<16xf32>,
        %mul3A_101 = arith.mulf %gather3A_99, %gather3A_100 : vector<16xf32>
        %add3A_102 = arith.addf %add3A_96, %mul3A_101 : vector<16xf32>
        %broadcast_in_dim3A_103 = arith.constant 10 : i32
        %broadcast_in_dim3A_104 = vector.broadcast %broadcast_in_dim3A_103 : i32 to vector<16xi32>
        %gather3A_105 = tpu.vector_load_idx %arg9[%add3A_42, %broadcast_in_dim3A_104] : memref<256x84xf32, #tpu.memory_space<vmem>>[vector<16xi32>, vector<16xi32>], vector<16xf32>,
        %gather3A_106 = tpu.vector_load_idx %arg10[%add3A_42, %broadcast_in_dim3A_104] : memref<256x84xf32, #tpu.memory_space<vmem>>[vector<16xi32>, vector<16xi32>], vector<16xf32>,
        %mul3A_107 = arith.mulf %gather3A_105, %gather3A_106 : vector<16xf32>
        %add3A_108 = arith.addf %add3A_102, %mul3A_107 : vector<16xf32>
        %broadcast_in_dim3A_109 = arith.constant 11 : i32
        %broadcast_in_dim3A_110 = vector.broadcast %broadcast_in_dim3A_109 : i32 to vector<16xi32>
        %gather3A_111 = tpu.vector_load_idx %arg9[%add3A_42, %broadcast_in_dim3A_110] : memref<256x84xf32, #tpu.memory_space<vmem>>[vector<16xi32>, vector<16xi32>], vector<16xf32>,
        %gather3A_112 = tpu.vector_load_idx %arg10[%add3A_42, %broadcast_in_dim3A_110] : memref<256x84xf32, #tpu.memory_space<vmem>>[vector<16xi32>, vector<16xi32>], vector<16xf32>,
        %mul3A_113 = arith.mulf %gather3A_111, %gather3A_112 : vector<16xf32>
        %add3A_114 = arith.addf %add3A_108, %mul3A_113 : vector<16xf32>
        %broadcast_in_dim3A_115 = arith.constant 12 : i32
        %broadcast_in_dim3A_116 = vector.broadcast %broadcast_in_dim3A_115 : i32 to vector<16xi32>
        %gather3A_117 = tpu.vector_load_idx %arg9[%add3A_42, %broadcast_in_dim3A_116] : memref<256x84xf32, #tpu.memory_space<vmem>>[vector<16xi32>, vector<16xi32>], vector<16xf32>,
        %gather3A_118 = tpu.vector_load_idx %arg10[%add3A_42, %broadcast_in_dim3A_116] : memref<256x84xf32, #tpu.memory_space<vmem>>[vector<16xi32>, vector<16xi32>], vector<16xf32>,
        %mul3A_119 = arith.mulf %gather3A_117, %gather3A_118 : vector<16xf32>
        %add3A_120 = arith.addf %add3A_114, %mul3A_119 : vector<16xf32>
        %broadcast_in_dim3A_121 = arith.constant 13 : i32
        %broadcast_in_dim3A_122 = vector.broadcast %broadcast_in_dim3A_121 : i32 to vector<16xi32>
        %gather3A_123 = tpu.vector_load_idx %arg9[%add3A_42, %broadcast_in_dim3A_122] : memref<256x84xf32, #tpu.memory_space<vmem>>[vector<16xi32>, vector<16xi32>], vector<16xf32>,
        %gather3A_124 = tpu.vector_load_idx %arg10[%add3A_42, %broadcast_in_dim3A_122] : memref<256x84xf32, #tpu.memory_space<vmem>>[vector<16xi32>, vector<16xi32>], vector<16xf32>,
        %mul3A_125 = arith.mulf %gather3A_123, %gather3A_124 : vector<16xf32>
        %add3A_126 = arith.addf %add3A_120, %mul3A_125 : vector<16xf32>
        %broadcast_in_dim3A_127 = arith.constant 14 : i32
        %broadcast_in_dim3A_128 = vector.broadcast %broadcast_in_dim3A_127 : i32 to vector<16xi32>
        %gather3A_129 = tpu.vector_load_idx %arg9[%add3A_42, %broadcast_in_dim3A_128] : memref<256x84xf32, #tpu.memory_space<vmem>>[vector<16xi32>, vector<16xi32>], vector<16xf32>,
        %gather3A_130 = tpu.vector_load_idx %arg10[%add3A_42, %broadcast_in_dim3A_128] : memref<256x84xf32, #tpu.memory_space<vmem>>[vector<16xi32>, vector<16xi32>], vector<16xf32>,
        %mul3A_131 = arith.mulf %gather3A_129, %gather3A_130 : vector<16xf32>
        %add3A_132 = arith.addf %add3A_126, %mul3A_131 : vector<16xf32>
        %broadcast_in_dim3A_133 = arith.constant 15 : i32
        %broadcast_in_dim3A_134 = vector.broadcast %broadcast_in_dim3A_133 : i32 to vector<16xi32>
        %gather3A_135 = tpu.vector_load_idx %arg9[%add3A_42, %broadcast_in_dim3A_134] : memref<256x84xf32, #tpu.memory_space<vmem>>[vector<16xi32>, vector<16xi32>], vector<16xf32>,
        %gather3A_136 = tpu.vector_load_idx %arg10[%add3A_42, %broadcast_in_dim3A_134] : memref<256x84xf32, #tpu.memory_space<vmem>>[vector<16xi32>, vector<16xi32>], vector<16xf32>,
        %mul3A_137 = arith.mulf %gather3A_135, %gather3A_136 : vector<16xf32>
        %add3A_138 = arith.addf %add3A_132, %mul3A_137 : vector<16xf32>
        %broadcast_in_dim3A_139 = arith.constant 16 : i32
        %broadcast_in_dim3A_140 = vector.broadcast %broadcast_in_dim3A_139 : i32 to vector<16xi32>
        %gather3A_141 = tpu.vector_load_idx %arg9[%add3A_42, %broadcast_in_dim3A_140] : memref<256x84xf32, #tpu.memory_space<vmem>>[vector<16xi32>, vector<16xi32>], vector<16xf32>,
        %gather3A_142 = tpu.vector_load_idx %arg10[%add3A_42, %broadcast_in_dim3A_140] : memref<256x84xf32, #tpu.memory_space<vmem>>[vector<16xi32>, vector<16xi32>], vector<16xf32>,
        %mul3A_143 = arith.mulf %gather3A_141, %gather3A_142 : vector<16xf32>
        %add3A_144 = arith.addf %add3A_138, %mul3A_143 : vector<16xf32>
        %broadcast_in_dim3A_145 = arith.constant 17 : i32
        %broadcast_in_dim3A_146 = vector.broadcast %broadcast_in_dim3A_145 : i32 to vector<16xi32>
        %gather3A_147 = tpu.vector_load_idx %arg9[%add3A_42, %broadcast_in_dim3A_146] : memref<256x84xf32, #tpu.memory_space<vmem>>[vector<16xi32>, vector<16xi32>], vector<16xf32>,
        %gather3A_148 = tpu.vector_load_idx %arg10[%add3A_42, %broadcast_in_dim3A_146] : memref<256x84xf32, #tpu.memory_space<vmem>>[vector<16xi32>, vector<16xi32>], vector<16xf32>,
        %mul3A_149 = arith.mulf %gather3A_147, %gather3A_148 : vector<16xf32>
        %add3A_150 = arith.addf %add3A_144, %mul3A_149 : vector<16xf32>
        %broadcast_in_dim3A_151 = arith.constant 18 : i32
        %broadcast_in_dim3A_152 = vector.broadcast %broadcast_in_dim3A_151 : i32 to vector<16xi32>
        %gather3A_153 = tpu.vector_load_idx %arg9[%add3A_42, %broadcast_in_dim3A_152] : memref<256x84xf32, #tpu.memory_space<vmem>>[vector<16xi32>, vector<16xi32>], vector<16xf32>,
        %gather3A_154 = tpu.vector_load_idx %arg10[%add3A_42, %broadcast_in_dim3A_152] : memref<256x84xf32, #tpu.memory_space<vmem>>[vector<16xi32>, vector<16xi32>], vector<16xf32>,
        %mul3A_155 = arith.mulf %gather3A_153, %gather3A_154 : vector<16xf32>
        %add3A_156 = arith.addf %add3A_150, %mul3A_155 : vector<16xf32>
        %broadcast_in_dim3A_157 = arith.constant 19 : i32
        %broadcast_in_dim3A_158 = vector.broadcast %broadcast_in_dim3A_157 : i32 to vector<16xi32>
        %gather3A_159 = tpu.vector_load_idx %arg9[%add3A_42, %broadcast_in_dim3A_158] : memref<256x84xf32, #tpu.memory_space<vmem>>[vector<16xi32>, vector<16xi32>], vector<16xf32>,
        %gather3A_160 = tpu.vector_load_idx %arg10[%add3A_42, %broadcast_in_dim3A_158] : memref<256x84xf32, #tpu.memory_space<vmem>>[vector<16xi32>, vector<16xi32>], vector<16xf32>,
        %mul3A_161 = arith.mulf %gather3A_159, %gather3A_160 : vector<16xf32>
        %add3A_162 = arith.addf %add3A_156, %mul3A_161 : vector<16xf32>
        %broadcast_in_dim3A_163 = arith.constant 20 : i32
        %broadcast_in_dim3A_164 = vector.broadcast %broadcast_in_dim3A_163 : i32 to vector<16xi32>
        %gather3A_165 = tpu.vector_load_idx %arg9[%add3A_42, %broadcast_in_dim3A_164] : memref<256x84xf32, #tpu.memory_space<vmem>>[vector<16xi32>, vector<16xi32>], vector<16xf32>,
        %gather3A_166 = tpu.vector_load_idx %arg10[%add3A_42, %broadcast_in_dim3A_164] : memref<256x84xf32, #tpu.memory_space<vmem>>[vector<16xi32>, vector<16xi32>], vector<16xf32>,
        %mul3A_167 = arith.mulf %gather3A_165, %gather3A_166 : vector<16xf32>
        %add3A_168 = arith.addf %add3A_162, %mul3A_167 : vector<16xf32>
        %broadcast_in_dim3A_169 = arith.constant 21 : i32
        %broadcast_in_dim3A_170 = vector.broadcast %broadcast_in_dim3A_169 : i32 to vector<16xi32>
        %gather3A_171 = tpu.vector_load_idx %arg9[%add3A_42, %broadcast_in_dim3A_170] : memref<256x84xf32, #tpu.memory_space<vmem>>[vector<16xi32>, vector<16xi32>], vector<16xf32>,
        %gather3A_172 = tpu.vector_load_idx %arg10[%add3A_42, %broadcast_in_dim3A_170] : memref<256x84xf32, #tpu.memory_space<vmem>>[vector<16xi32>, vector<16xi32>], vector<16xf32>,
        %mul3A_173 = arith.mulf %gather3A_171, %gather3A_172 : vector<16xf32>
        %add3A_174 = arith.addf %add3A_168, %mul3A_173 : vector<16xf32>
        %broadcast_in_dim3A_175 = arith.constant 22 : i32
        %broadcast_in_dim3A_176 = vector.broadcast %broadcast_in_dim3A_175 : i32 to vector<16xi32>
        %gather3A_177 = tpu.vector_load_idx %arg9[%add3A_42, %broadcast_in_dim3A_176] : memref<256x84xf32, #tpu.memory_space<vmem>>[vector<16xi32>, vector<16xi32>], vector<16xf32>,
        %gather3A_178 = tpu.vector_load_idx %arg10[%add3A_42, %broadcast_in_dim3A_176] : memref<256x84xf32, #tpu.memory_space<vmem>>[vector<16xi32>, vector<16xi32>], vector<16xf32>,
        %mul3A_179 = arith.mulf %gather3A_177, %gather3A_178 : vector<16xf32>
        %add3A_180 = arith.addf %add3A_174, %mul3A_179 : vector<16xf32>
        %broadcast_in_dim3A_181 = arith.constant 23 : i32
        %broadcast_in_dim3A_182 = vector.broadcast %broadcast_in_dim3A_181 : i32 to vector<16xi32>
        %gather3A_183 = tpu.vector_load_idx %arg9[%add3A_42, %broadcast_in_dim3A_182] : memref<256x84xf32, #tpu.memory_space<vmem>>[vector<16xi32>, vector<16xi32>], vector<16xf32>,
        %gather3A_184 = tpu.vector_load_idx %arg10[%add3A_42, %broadcast_in_dim3A_182] : memref<256x84xf32, #tpu.memory_space<vmem>>[vector<16xi32>, vector<16xi32>], vector<16xf32>,
        %mul3A_185 = arith.mulf %gather3A_183, %gather3A_184 : vector<16xf32>
        %add3A_186 = arith.addf %add3A_180, %mul3A_185 : vector<16xf32>
        %broadcast_in_dim3A_187 = arith.constant 24 : i32
        %broadcast_in_dim3A_188 = vector.broadcast %broadcast_in_dim3A_187 : i32 to vector<16xi32>
        %gather3A_189 = tpu.vector_load_idx %arg9[%add3A_42, %broadcast_in_dim3A_188] : memref<256x84xf32, #tpu.memory_space<vmem>>[vector<16xi32>, vector<16xi32>], vector<16xf32>,
        %gather3A_190 = tpu.vector_load_idx %arg10[%add3A_42, %broadcast_in_dim3A_188] : memref<256x84xf32, #tpu.memory_space<vmem>>[vector<16xi32>, vector<16xi32>], vector<16xf32>,
        %mul3A_191 = arith.mulf %gather3A_189, %gather3A_190 : vector<16xf32>
        %add3A_192 = arith.addf %add3A_186, %mul3A_191 : vector<16xf32>
        %broadcast_in_dim3A_193 = arith.constant 25 : i32
        %broadcast_in_dim3A_194 = vector.broadcast %broadcast_in_dim3A_193 : i32 to vector<16xi32>
        %gather3A_195 = tpu.vector_load_idx %arg9[%add3A_42, %broadcast_in_dim3A_194] : memref<256x84xf32, #tpu.memory_space<vmem>>[vector<16xi32>, vector<16xi32>], vector<16xf32>,
        %gather3A_196 = tpu.vector_load_idx %arg10[%add3A_42, %broadcast_in_dim3A_194] : memref<256x84xf32, #tpu.memory_space<vmem>>[vector<16xi32>, vector<16xi32>], vector<16xf32>,
        %mul3A_197 = arith.mulf %gather3A_195, %gather3A_196 : vector<16xf32>
        %add3A_198 = arith.addf %add3A_192, %mul3A_197 : vector<16xf32>
        %broadcast_in_dim3A_199 = arith.constant 26 : i32
        %broadcast_in_dim3A_200 = vector.broadcast %broadcast_in_dim3A_199 : i32 to vector<16xi32>
        %gather3A_201 = tpu.vector_load_idx %arg9[%add3A_42, %broadcast_in_dim3A_200] : memref<256x84xf32, #tpu.memory_space<vmem>>[vector<16xi32>, vector<16xi32>], vector<16xf32>,
        %gather3A_202 = tpu.vector_load_idx %arg10[%add3A_42, %broadcast_in_dim3A_200] : memref<256x84xf32, #tpu.memory_space<vmem>>[vector<16xi32>, vector<16xi32>], vector<16xf32>,
        %mul3A_203 = arith.mulf %gather3A_201, %gather3A_202 : vector<16xf32>
        %add3A_204 = arith.addf %add3A_198, %mul3A_203 : vector<16xf32>
        %broadcast_in_dim3A_205 = arith.constant 27 : i32
        %broadcast_in_dim3A_206 = vector.broadcast %broadcast_in_dim3A_205 : i32 to vector<16xi32>
        %gather3A_207 = tpu.vector_load_idx %arg9[%add3A_42, %broadcast_in_dim3A_206] : memref<256x84xf32, #tpu.memory_space<vmem>>[vector<16xi32>, vector<16xi32>], vector<16xf32>,
        %gather3A_208 = tpu.vector_load_idx %arg10[%add3A_42, %broadcast_in_dim3A_206] : memref<256x84xf32, #tpu.memory_space<vmem>>[vector<16xi32>, vector<16xi32>], vector<16xf32>,
        %mul3A_209 = arith.mulf %gather3A_207, %gather3A_208 : vector<16xf32>
        %add3A_210 = arith.addf %add3A_204, %mul3A_209 : vector<16xf32>
        %broadcast_in_dim3A_211 = arith.constant 28 : i32
        %broadcast_in_dim3A_212 = vector.broadcast %broadcast_in_dim3A_211 : i32 to vector<16xi32>
        %gather3A_213 = tpu.vector_load_idx %arg9[%add3A_42, %broadcast_in_dim3A_212] : memref<256x84xf32, #tpu.memory_space<vmem>>[vector<16xi32>, vector<16xi32>], vector<16xf32>,
        %gather3A_214 = tpu.vector_load_idx %arg10[%add3A_42, %broadcast_in_dim3A_212] : memref<256x84xf32, #tpu.memory_space<vmem>>[vector<16xi32>, vector<16xi32>], vector<16xf32>,
        %mul3A_215 = arith.mulf %gather3A_213, %gather3A_214 : vector<16xf32>
        %add3A_216 = arith.addf %add3A_210, %mul3A_215 : vector<16xf32>
        %broadcast_in_dim3A_217 = arith.constant 29 : i32
        %broadcast_in_dim3A_218 = vector.broadcast %broadcast_in_dim3A_217 : i32 to vector<16xi32>
        %gather3A_219 = tpu.vector_load_idx %arg9[%add3A_42, %broadcast_in_dim3A_218] : memref<256x84xf32, #tpu.memory_space<vmem>>[vector<16xi32>, vector<16xi32>], vector<16xf32>,
        %gather3A_220 = tpu.vector_load_idx %arg10[%add3A_42, %broadcast_in_dim3A_218] : memref<256x84xf32, #tpu.memory_space<vmem>>[vector<16xi32>, vector<16xi32>], vector<16xf32>,
        %mul3A_221 = arith.mulf %gather3A_219, %gather3A_220 : vector<16xf32>
        %add3A_222 = arith.addf %add3A_216, %mul3A_221 : vector<16xf32>
        %broadcast_in_dim3A_223 = arith.constant 30 : i32
        %broadcast_in_dim3A_224 = vector.broadcast %broadcast_in_dim3A_223 : i32 to vector<16xi32>
        %gather3A_225 = tpu.vector_load_idx %arg9[%add3A_42, %broadcast_in_dim3A_224] : memref<256x84xf32, #tpu.memory_space<vmem>>[vector<16xi32>, vector<16xi32>], vector<16xf32>,
        %gather3A_226 = tpu.vector_load_idx %arg10[%add3A_42, %broadcast_in_dim3A_224] : memref<256x84xf32, #tpu.memory_space<vmem>>[vector<16xi32>, vector<16xi32>], vector<16xf32>,
        %mul3A_227 = arith.mulf %gather3A_225, %gather3A_226 : vector<16xf32>
        %add3A_228 = arith.addf %add3A_222, %mul3A_227 : vector<16xf32>
        %broadcast_in_dim3A_229 = arith.constant 31 : i32
        %broadcast_in_dim3A_230 = vector.broadcast %broadcast_in_dim3A_229 : i32 to vector<16xi32>
        %gather3A_231 = tpu.vector_load_idx %arg9[%add3A_42, %broadcast_in_dim3A_230] : memref<256x84xf32, #tpu.memory_space<vmem>>[vector<16xi32>, vector<16xi32>], vector<16xf32>,
        %gather3A_232 = tpu.vector_load_idx %arg10[%add3A_42, %broadcast_in_dim3A_230] : memref<256x84xf32, #tpu.memory_space<vmem>>[vector<16xi32>, vector<16xi32>], vector<16xf32>,
        %mul3A_233 = arith.mulf %gather3A_231, %gather3A_232 : vector<16xf32>
        %add3A_234 = arith.addf %add3A_228, %mul3A_233 : vector<16xf32>
        %broadcast_in_dim3A_235 = arith.constant 32 : i32
        %broadcast_in_dim3A_236 = vector.broadcast %broadcast_in_dim3A_235 : i32 to vector<16xi32>
        %gather3A_237 = tpu.vector_load_idx %arg9[%add3A_42, %broadcast_in_dim3A_236] : memref<256x84xf32, #tpu.memory_space<vmem>>[vector<16xi32>, vector<16xi32>], vector<16xf32>,
        %gather3A_238 = tpu.vector_load_idx %arg10[%add3A_42, %broadcast_in_dim3A_236] : memref<256x84xf32, #tpu.memory_space<vmem>>[vector<16xi32>, vector<16xi32>], vector<16xf32>,
        %mul3A_239 = arith.mulf %gather3A_237, %gather3A_238 : vector<16xf32>
        %add3A_240 = arith.addf %add3A_234, %mul3A_239 : vector<16xf32>
        %broadcast_in_dim3A_241 = arith.constant 33 : i32
        %broadcast_in_dim3A_242 = vector.broadcast %broadcast_in_dim3A_241 : i32 to vector<16xi32>
        %gather3A_243 = tpu.vector_load_idx %arg9[%add3A_42, %broadcast_in_dim3A_242] : memref<256x84xf32, #tpu.memory_space<vmem>>[vector<16xi32>, vector<16xi32>], vector<16xf32>,
        %gather3A_244 = tpu.vector_load_idx %arg10[%add3A_42, %broadcast_in_dim3A_242] : memref<256x84xf32, #tpu.memory_space<vmem>>[vector<16xi32>, vector<16xi32>], vector<16xf32>,
        %mul3A_245 = arith.mulf %gather3A_243, %gather3A_244 : vector<16xf32>
        %add3A_246 = arith.addf %add3A_240, %mul3A_245 : vector<16xf32>
        %broadcast_in_dim3A_247 = arith.constant 34 : i32
        %broadcast_in_dim3A_248 = vector.broadcast %broadcast_in_dim3A_247 : i32 to vector<16xi32>
        %gather3A_249 = tpu.vector_load_idx %arg9[%add3A_42, %broadcast_in_dim3A_248] : memref<256x84xf32, #tpu.memory_space<vmem>>[vector<16xi32>, vector<16xi32>], vector<16xf32>,
        %gather3A_250 = tpu.vector_load_idx %arg10[%add3A_42, %broadcast_in_dim3A_248] : memref<256x84xf32, #tpu.memory_space<vmem>>[vector<16xi32>, vector<16xi32>], vector<16xf32>,
        %mul3A_251 = arith.mulf %gather3A_249, %gather3A_250 : vector<16xf32>
        %add3A_252 = arith.addf %add3A_246, %mul3A_251 : vector<16xf32>
        %broadcast_in_dim3A_253 = arith.constant 35 : i32
        %broadcast_in_dim3A_254 = vector.broadcast %broadcast_in_dim3A_253 : i32 to vector<16xi32>
        %gather3A_255 = tpu.vector_load_idx %arg9[%add3A_42, %broadcast_in_dim3A_254] : memref<256x84xf32, #tpu.memory_space<vmem>>[vector<16xi32>, vector<16xi32>], vector<16xf32>,
        %gather3A_256 = tpu.vector_load_idx %arg10[%add3A_42, %broadcast_in_dim3A_254] : memref<256x84xf32, #tpu.memory_space<vmem>>[vector<16xi32>, vector<16xi32>], vector<16xf32>,
        %mul3A_257 = arith.mulf %gather3A_255, %gather3A_256 : vector<16xf32>
        %add3A_258 = arith.addf %add3A_252, %mul3A_257 : vector<16xf32>
        %broadcast_in_dim3A_259 = arith.constant 36 : i32
        %broadcast_in_dim3A_260 = vector.broadcast %broadcast_in_dim3A_259 : i32 to vector<16xi32>
        %gather3A_261 = tpu.vector_load_idx %arg9[%add3A_42, %broadcast_in_dim3A_260] : memref<256x84xf32, #tpu.memory_space<vmem>>[vector<16xi32>, vector<16xi32>], vector<16xf32>,
        %gather3A_262 = tpu.vector_load_idx %arg10[%add3A_42, %broadcast_in_dim3A_260] : memref<256x84xf32, #tpu.memory_space<vmem>>[vector<16xi32>, vector<16xi32>], vector<16xf32>,
        %mul3A_263 = arith.mulf %gather3A_261, %gather3A_262 : vector<16xf32>
        %add3A_264 = arith.addf %add3A_258, %mul3A_263 : vector<16xf32>
        %broadcast_in_dim3A_265 = arith.constant 37 : i32
        %broadcast_in_dim3A_266 = vector.broadcast %broadcast_in_dim3A_265 : i32 to vector<16xi32>
        %gather3A_267 = tpu.vector_load_idx %arg9[%add3A_42, %broadcast_in_dim3A_266] : memref<256x84xf32, #tpu.memory_space<vmem>>[vector<16xi32>, vector<16xi32>], vector<16xf32>,
        %gather3A_268 = tpu.vector_load_idx %arg10[%add3A_42, %broadcast_in_dim3A_266] : memref<256x84xf32, #tpu.memory_space<vmem>>[vector<16xi32>, vector<16xi32>], vector<16xf32>,
        %mul3A_269 = arith.mulf %gather3A_267, %gather3A_268 : vector<16xf32>
        %add3A_270 = arith.addf %add3A_264, %mul3A_269 : vector<16xf32>
        %broadcast_in_dim3A_271 = arith.constant 38 : i32
        %broadcast_in_dim3A_272 = vector.broadcast %broadcast_in_dim3A_271 : i32 to vector<16xi32>
        %gather3A_273 = tpu.vector_load_idx %arg9[%add3A_42, %broadcast_in_dim3A_272] : memref<256x84xf32, #tpu.memory_space<vmem>>[vector<16xi32>, vector<16xi32>], vector<16xf32>,
        %gather3A_274 = tpu.vector_load_idx %arg10[%add3A_42, %broadcast_in_dim3A_272] : memref<256x84xf32, #tpu.memory_space<vmem>>[vector<16xi32>, vector<16xi32>], vector<16xf32>,
        %mul3A_275 = arith.mulf %gather3A_273, %gather3A_274 : vector<16xf32>
        %add3A_276 = arith.addf %add3A_270, %mul3A_275 : vector<16xf32>
        %broadcast_in_dim3A_277 = arith.constant 39 : i32
        %broadcast_in_dim3A_278 = vector.broadcast %broadcast_in_dim3A_277 : i32 to vector<16xi32>
        %gather3A_279 = tpu.vector_load_idx %arg9[%add3A_42, %broadcast_in_dim3A_278] : memref<256x84xf32, #tpu.memory_space<vmem>>[vector<16xi32>, vector<16xi32>], vector<16xf32>,
        %gather3A_280 = tpu.vector_load_idx %arg10[%add3A_42, %broadcast_in_dim3A_278] : memref<256x84xf32, #tpu.memory_space<vmem>>[vector<16xi32>, vector<16xi32>], vector<16xf32>,
        %mul3A_281 = arith.mulf %gather3A_279, %gather3A_280 : vector<16xf32>
        %add3A_282 = arith.addf %add3A_276, %mul3A_281 : vector<16xf32>
        %broadcast_in_dim3A_283 = arith.constant 40 : i32
        %broadcast_in_dim3A_284 = vector.broadcast %broadcast_in_dim3A_283 : i32 to vector<16xi32>
        %gather3A_285 = tpu.vector_load_idx %arg9[%add3A_42, %broadcast_in_dim3A_284] : memref<256x84xf32, #tpu.memory_space<vmem>>[vector<16xi32>, vector<16xi32>], vector<16xf32>,
        %gather3A_286 = tpu.vector_load_idx %arg10[%add3A_42, %broadcast_in_dim3A_284] : memref<256x84xf32, #tpu.memory_space<vmem>>[vector<16xi32>, vector<16xi32>], vector<16xf32>,
        %mul3A_287 = arith.mulf %gather3A_285, %gather3A_286 : vector<16xf32>
        %add3A_288 = arith.addf %add3A_282, %mul3A_287 : vector<16xf32>
        %broadcast_in_dim3A_289 = arith.constant 41 : i32
        %broadcast_in_dim3A_290 = vector.broadcast %broadcast_in_dim3A_289 : i32 to vector<16xi32>
        %gather3A_291 = tpu.vector_load_idx %arg9[%add3A_42, %broadcast_in_dim3A_290] : memref<256x84xf32, #tpu.memory_space<vmem>>[vector<16xi32>, vector<16xi32>], vector<16xf32>,
        %gather3A_292 = tpu.vector_load_idx %arg10[%add3A_42, %broadcast_in_dim3A_290] : memref<256x84xf32, #tpu.memory_space<vmem>>[vector<16xi32>, vector<16xi32>], vector<16xf32>,
        %mul3A_293 = arith.mulf %gather3A_291, %gather3A_292 : vector<16xf32>
        %add3A_294 = arith.addf %add3A_288, %mul3A_293 : vector<16xf32>
        %broadcast_in_dim3A_295 = arith.constant 42 : i32
        %broadcast_in_dim3A_296 = vector.broadcast %broadcast_in_dim3A_295 : i32 to vector<16xi32>
        %gather3A_297 = tpu.vector_load_idx %arg9[%add3A_42, %broadcast_in_dim3A_296] : memref<256x84xf32, #tpu.memory_space<vmem>>[vector<16xi32>, vector<16xi32>], vector<16xf32>,
        %gather3A_298 = tpu.vector_load_idx %arg10[%add3A_42, %broadcast_in_dim3A_296] : memref<256x84xf32, #tpu.memory_space<vmem>>[vector<16xi32>, vector<16xi32>], vector<16xf32>,
        %mul3A_299 = arith.mulf %gather3A_297, %gather3A_298 : vector<16xf32>
        %add3A_300 = arith.addf %add3A_294, %mul3A_299 : vector<16xf32>
        %broadcast_in_dim3A_301 = arith.constant 43 : i32
        %broadcast_in_dim3A_302 = vector.broadcast %broadcast_in_dim3A_301 : i32 to vector<16xi32>
        %gather3A_303 = tpu.vector_load_idx %arg9[%add3A_42, %broadcast_in_dim3A_302] : memref<256x84xf32, #tpu.memory_space<vmem>>[vector<16xi32>, vector<16xi32>], vector<16xf32>,
        %gather3A_304 = tpu.vector_load_idx %arg10[%add3A_42, %broadcast_in_dim3A_302] : memref<256x84xf32, #tpu.memory_space<vmem>>[vector<16xi32>, vector<16xi32>], vector<16xf32>,
        %mul3A_305 = arith.mulf %gather3A_303, %gather3A_304 : vector<16xf32>
        %add3A_306 = arith.addf %add3A_300, %mul3A_305 : vector<16xf32>
        %broadcast_in_dim3A_307 = arith.constant 44 : i32
        %broadcast_in_dim3A_308 = vector.broadcast %broadcast_in_dim3A_307 : i32 to vector<16xi32>
        %gather3A_309 = tpu.vector_load_idx %arg9[%add3A_42, %broadcast_in_dim3A_308] : memref<256x84xf32, #tpu.memory_space<vmem>>[vector<16xi32>, vector<16xi32>], vector<16xf32>,
        %gather3A_310 = tpu.vector_load_idx %arg10[%add3A_42, %broadcast_in_dim3A_308] : memref<256x84xf32, #tpu.memory_space<vmem>>[vector<16xi32>, vector<16xi32>], vector<16xf32>,
        %mul3A_311 = arith.mulf %gather3A_309, %gather3A_310 : vector<16xf32>
        %add3A_312 = arith.addf %add3A_306, %mul3A_311 : vector<16xf32>
        %broadcast_in_dim3A_313 = arith.constant 45 : i32
        %broadcast_in_dim3A_314 = vector.broadcast %broadcast_in_dim3A_313 : i32 to vector<16xi32>
        %gather3A_315 = tpu.vector_load_idx %arg9[%add3A_42, %broadcast_in_dim3A_314] : memref<256x84xf32, #tpu.memory_space<vmem>>[vector<16xi32>, vector<16xi32>], vector<16xf32>,
        %gather3A_316 = tpu.vector_load_idx %arg10[%add3A_42, %broadcast_in_dim3A_314] : memref<256x84xf32, #tpu.memory_space<vmem>>[vector<16xi32>, vector<16xi32>], vector<16xf32>,
        %mul3A_317 = arith.mulf %gather3A_315, %gather3A_316 : vector<16xf32>
        %add3A_318 = arith.addf %add3A_312, %mul3A_317 : vector<16xf32>
        %broadcast_in_dim3A_319 = arith.constant 46 : i32
        %broadcast_in_dim3A_320 = vector.broadcast %broadcast_in_dim3A_319 : i32 to vector<16xi32>
        %gather3A_321 = tpu.vector_load_idx %arg9[%add3A_42, %broadcast_in_dim3A_320] : memref<256x84xf32, #tpu.memory_space<vmem>>[vector<16xi32>, vector<16xi32>], vector<16xf32>,
        %gather3A_322 = tpu.vector_load_idx %arg10[%add3A_42, %broadcast_in_dim3A_320] : memref<256x84xf32, #tpu.memory_space<vmem>>[vector<16xi32>, vector<16xi32>], vector<16xf32>,
        %mul3A_323 = arith.mulf %gather3A_321, %gather3A_322 : vector<16xf32>
        %add3A_324 = arith.addf %add3A_318, %mul3A_323 : vector<16xf32>
        %broadcast_in_dim3A_325 = arith.constant 47 : i32
        %broadcast_in_dim3A_326 = vector.broadcast %broadcast_in_dim3A_325 : i32 to vector<16xi32>
        %gather3A_327 = tpu.vector_load_idx %arg9[%add3A_42, %broadcast_in_dim3A_326] : memref<256x84xf32, #tpu.memory_space<vmem>>[vector<16xi32>, vector<16xi32>], vector<16xf32>,
        %gather3A_328 = tpu.vector_load_idx %arg10[%add3A_42, %broadcast_in_dim3A_326] : memref<256x84xf32, #tpu.memory_space<vmem>>[vector<16xi32>, vector<16xi32>], vector<16xf32>,
        %mul3A_329 = arith.mulf %gather3A_327, %gather3A_328 : vector<16xf32>
        %add3A_330 = arith.addf %add3A_324, %mul3A_329 : vector<16xf32>
        %broadcast_in_dim3A_331 = arith.constant 48 : i32
        %broadcast_in_dim3A_332 = vector.broadcast %broadcast_in_dim3A_331 : i32 to vector<16xi32>
        %gather3A_333 = tpu.vector_load_idx %arg9[%add3A_42, %broadcast_in_dim3A_332] : memref<256x84xf32, #tpu.memory_space<vmem>>[vector<16xi32>, vector<16xi32>], vector<16xf32>,
        %gather3A_334 = tpu.vector_load_idx %arg10[%add3A_42, %broadcast_in_dim3A_332] : memref<256x84xf32, #tpu.memory_space<vmem>>[vector<16xi32>, vector<16xi32>], vector<16xf32>,
        %mul3A_335 = arith.mulf %gather3A_333, %gather3A_334 : vector<16xf32>
        %add3A_336 = arith.addf %add3A_330, %mul3A_335 : vector<16xf32>
        %broadcast_in_dim3A_337 = arith.constant 49 : i32
        %broadcast_in_dim3A_338 = vector.broadcast %broadcast_in_dim3A_337 : i32 to vector<16xi32>
        %gather3A_339 = tpu.vector_load_idx %arg9[%add3A_42, %broadcast_in_dim3A_338] : memref<256x84xf32, #tpu.memory_space<vmem>>[vector<16xi32>, vector<16xi32>], vector<16xf32>,
        %gather3A_340 = tpu.vector_load_idx %arg10[%add3A_42, %broadcast_in_dim3A_338] : memref<256x84xf32, #tpu.memory_space<vmem>>[vector<16xi32>, vector<16xi32>], vector<16xf32>,
        %mul3A_341 = arith.mulf %gather3A_339, %gather3A_340 : vector<16xf32>
        %add3A_342 = arith.addf %add3A_336, %mul3A_341 : vector<16xf32>
        %broadcast_in_dim3A_343 = arith.constant 50 : i32
        %broadcast_in_dim3A_344 = vector.broadcast %broadcast_in_dim3A_343 : i32 to vector<16xi32>
        %gather3A_345 = tpu.vector_load_idx %arg9[%add3A_42, %broadcast_in_dim3A_344] : memref<256x84xf32, #tpu.memory_space<vmem>>[vector<16xi32>, vector<16xi32>], vector<16xf32>,
        %gather3A_346 = tpu.vector_load_idx %arg10[%add3A_42, %broadcast_in_dim3A_344] : memref<256x84xf32, #tpu.memory_space<vmem>>[vector<16xi32>, vector<16xi32>], vector<16xf32>,
        %mul3A_347 = arith.mulf %gather3A_345, %gather3A_346 : vector<16xf32>
        %add3A_348 = arith.addf %add3A_342, %mul3A_347 : vector<16xf32>
        %broadcast_in_dim3A_349 = arith.constant 51 : i32
        %broadcast_in_dim3A_350 = vector.broadcast %broadcast_in_dim3A_349 : i32 to vector<16xi32>
        %gather3A_351 = tpu.vector_load_idx %arg9[%add3A_42, %broadcast_in_dim3A_350] : memref<256x84xf32, #tpu.memory_space<vmem>>[vector<16xi32>, vector<16xi32>], vector<16xf32>,
        %gather3A_352 = tpu.vector_load_idx %arg10[%add3A_42, %broadcast_in_dim3A_350] : memref<256x84xf32, #tpu.memory_space<vmem>>[vector<16xi32>, vector<16xi32>], vector<16xf32>,
        %mul3A_353 = arith.mulf %gather3A_351, %gather3A_352 : vector<16xf32>
        %add3A_354 = arith.addf %add3A_348, %mul3A_353 : vector<16xf32>
        %broadcast_in_dim3A_355 = arith.constant 52 : i32
        %broadcast_in_dim3A_356 = vector.broadcast %broadcast_in_dim3A_355 : i32 to vector<16xi32>
        %gather3A_357 = tpu.vector_load_idx %arg9[%add3A_42, %broadcast_in_dim3A_356] : memref<256x84xf32, #tpu.memory_space<vmem>>[vector<16xi32>, vector<16xi32>], vector<16xf32>,
        %gather3A_358 = tpu.vector_load_idx %arg10[%add3A_42, %broadcast_in_dim3A_356] : memref<256x84xf32, #tpu.memory_space<vmem>>[vector<16xi32>, vector<16xi32>], vector<16xf32>,
        %mul3A_359 = arith.mulf %gather3A_357, %gather3A_358 : vector<16xf32>
        %add3A_360 = arith.addf %add3A_354, %mul3A_359 : vector<16xf32>
        %broadcast_in_dim3A_361 = arith.constant 53 : i32
        %broadcast_in_dim3A_362 = vector.broadcast %broadcast_in_dim3A_361 : i32 to vector<16xi32>
        %gather3A_363 = tpu.vector_load_idx %arg9[%add3A_42, %broadcast_in_dim3A_362] : memref<256x84xf32, #tpu.memory_space<vmem>>[vector<16xi32>, vector<16xi32>], vector<16xf32>,
        %gather3A_364 = tpu.vector_load_idx %arg10[%add3A_42, %broadcast_in_dim3A_362] : memref<256x84xf32, #tpu.memory_space<vmem>>[vector<16xi32>, vector<16xi32>], vector<16xf32>,
        %mul3A_365 = arith.mulf %gather3A_363, %gather3A_364 : vector<16xf32>
        %add3A_366 = arith.addf %add3A_360, %mul3A_365 : vector<16xf32>
        %broadcast_in_dim3A_367 = arith.constant 54 : i32
        %broadcast_in_dim3A_368 = vector.broadcast %broadcast_in_dim3A_367 : i32 to vector<16xi32>
        %gather3A_369 = tpu.vector_load_idx %arg9[%add3A_42, %broadcast_in_dim3A_368] : memref<256x84xf32, #tpu.memory_space<vmem>>[vector<16xi32>, vector<16xi32>], vector<16xf32>,
        %gather3A_370 = tpu.vector_load_idx %arg10[%add3A_42, %broadcast_in_dim3A_368] : memref<256x84xf32, #tpu.memory_space<vmem>>[vector<16xi32>, vector<16xi32>], vector<16xf32>,
        %mul3A_371 = arith.mulf %gather3A_369, %gather3A_370 : vector<16xf32>
        %add3A_372 = arith.addf %add3A_366, %mul3A_371 : vector<16xf32>
        %broadcast_in_dim3A_373 = arith.constant 55 : i32
        %broadcast_in_dim3A_374 = vector.broadcast %broadcast_in_dim3A_373 : i32 to vector<16xi32>
        %gather3A_375 = tpu.vector_load_idx %arg9[%add3A_42, %broadcast_in_dim3A_374] : memref<256x84xf32, #tpu.memory_space<vmem>>[vector<16xi32>, vector<16xi32>], vector<16xf32>,
        %gather3A_376 = tpu.vector_load_idx %arg10[%add3A_42, %broadcast_in_dim3A_374] : memref<256x84xf32, #tpu.memory_space<vmem>>[vector<16xi32>, vector<16xi32>], vector<16xf32>,
        %mul3A_377 = arith.mulf %gather3A_375, %gather3A_376 : vector<16xf32>
        %add3A_378 = arith.addf %add3A_372, %mul3A_377 : vector<16xf32>
        %broadcast_in_dim3A_379 = arith.constant 56 : i32
        %broadcast_in_dim3A_380 = vector.broadcast %broadcast_in_dim3A_379 : i32 to vector<16xi32>
        %gather3A_381 = tpu.vector_load_idx %arg9[%add3A_42, %broadcast_in_dim3A_380] : memref<256x84xf32, #tpu.memory_space<vmem>>[vector<16xi32>, vector<16xi32>], vector<16xf32>,
        %gather3A_382 = tpu.vector_load_idx %arg10[%add3A_42, %broadcast_in_dim3A_380] : memref<256x84xf32, #tpu.memory_space<vmem>>[vector<16xi32>, vector<16xi32>], vector<16xf32>,
        %mul3A_383 = arith.mulf %gather3A_381, %gather3A_382 : vector<16xf32>
        %add3A_384 = arith.addf %add3A_378, %mul3A_383 : vector<16xf32>
        %broadcast_in_dim3A_385 = arith.constant 57 : i32
        %broadcast_in_dim3A_386 = vector.broadcast %broadcast_in_dim3A_385 : i32 to vector<16xi32>
        %gather3A_387 = tpu.vector_load_idx %arg9[%add3A_42, %broadcast_in_dim3A_386] : memref<256x84xf32, #tpu.memory_space<vmem>>[vector<16xi32>, vector<16xi32>], vector<16xf32>,
        %gather3A_388 = tpu.vector_load_idx %arg10[%add3A_42, %broadcast_in_dim3A_386] : memref<256x84xf32, #tpu.memory_space<vmem>>[vector<16xi32>, vector<16xi32>], vector<16xf32>,
        %mul3A_389 = arith.mulf %gather3A_387, %gather3A_388 : vector<16xf32>
        %add3A_390 = arith.addf %add3A_384, %mul3A_389 : vector<16xf32>
        %broadcast_in_dim3A_391 = arith.constant 58 : i32
        %broadcast_in_dim3A_392 = vector.broadcast %broadcast_in_dim3A_391 : i32 to vector<16xi32>
        %gather3A_393 = tpu.vector_load_idx %arg9[%add3A_42, %broadcast_in_dim3A_392] : memref<256x84xf32, #tpu.memory_space<vmem>>[vector<16xi32>, vector<16xi32>], vector<16xf32>,
        %gather3A_394 = tpu.vector_load_idx %arg10[%add3A_42, %broadcast_in_dim3A_392] : memref<256x84xf32, #tpu.memory_space<vmem>>[vector<16xi32>, vector<16xi32>], vector<16xf32>,
        %mul3A_395 = arith.mulf %gather3A_393, %gather3A_394 : vector<16xf32>
        %add3A_396 = arith.addf %add3A_390, %mul3A_395 : vector<16xf32>
        %broadcast_in_dim3A_397 = arith.constant 59 : i32
        %broadcast_in_dim3A_398 = vector.broadcast %broadcast_in_dim3A_397 : i32 to vector<16xi32>
        %gather3A_399 = tpu.vector_load_idx %arg9[%add3A_42, %broadcast_in_dim3A_398] : memref<256x84xf32, #tpu.memory_space<vmem>>[vector<16xi32>, vector<16xi32>], vector<16xf32>,
        %gather3A_400 = tpu.vector_load_idx %arg10[%add3A_42, %broadcast_in_dim3A_398] : memref<256x84xf32, #tpu.memory_space<vmem>>[vector<16xi32>, vector<16xi32>], vector<16xf32>,
        %mul3A_401 = arith.mulf %gather3A_399, %gather3A_400 : vector<16xf32>
        %add3A_402 = arith.addf %add3A_396, %mul3A_401 : vector<16xf32>
        %broadcast_in_dim3A_403 = arith.constant 60 : i32
        %broadcast_in_dim3A_404 = vector.broadcast %broadcast_in_dim3A_403 : i32 to vector<16xi32>
        %gather3A_405 = tpu.vector_load_idx %arg9[%add3A_42, %broadcast_in_dim3A_404] : memref<256x84xf32, #tpu.memory_space<vmem>>[vector<16xi32>, vector<16xi32>], vector<16xf32>,
        %gather3A_406 = tpu.vector_load_idx %arg10[%add3A_42, %broadcast_in_dim3A_404] : memref<256x84xf32, #tpu.memory_space<vmem>>[vector<16xi32>, vector<16xi32>], vector<16xf32>,
        %mul3A_407 = arith.mulf %gather3A_405, %gather3A_406 : vector<16xf32>
        %add3A_408 = arith.addf %add3A_402, %mul3A_407 : vector<16xf32>
        %broadcast_in_dim3A_409 = arith.constant 61 : i32
        %broadcast_in_dim3A_410 = vector.broadcast %broadcast_in_dim3A_409 : i32 to vector<16xi32>
        %gather3A_411 = tpu.vector_load_idx %arg9[%add3A_42, %broadcast_in_dim3A_410] : memref<256x84xf32, #tpu.memory_space<vmem>>[vector<16xi32>, vector<16xi32>], vector<16xf32>,
        %gather3A_412 = tpu.vector_load_idx %arg10[%add3A_42, %broadcast_in_dim3A_410] : memref<256x84xf32, #tpu.memory_space<vmem>>[vector<16xi32>, vector<16xi32>], vector<16xf32>,
        %mul3A_413 = arith.mulf %gather3A_411, %gather3A_412 : vector<16xf32>
        %add3A_414 = arith.addf %add3A_408, %mul3A_413 : vector<16xf32>
        %broadcast_in_dim3A_415 = arith.constant 62 : i32
        %broadcast_in_dim3A_416 = vector.broadcast %broadcast_in_dim3A_415 : i32 to vector<16xi32>
        %gather3A_417 = tpu.vector_load_idx %arg9[%add3A_42, %broadcast_in_dim3A_416] : memref<256x84xf32, #tpu.memory_space<vmem>>[vector<16xi32>, vector<16xi32>], vector<16xf32>,
        %gather3A_418 = tpu.vector_load_idx %arg10[%add3A_42, %broadcast_in_dim3A_416] : memref<256x84xf32, #tpu.memory_space<vmem>>[vector<16xi32>, vector<16xi32>], vector<16xf32>,
        %mul3A_419 = arith.mulf %gather3A_417, %gather3A_418 : vector<16xf32>
        %add3A_420 = arith.addf %add3A_414, %mul3A_419 : vector<16xf32>
        %broadcast_in_dim3A_421 = arith.constant 63 : i32
        %broadcast_in_dim3A_422 = vector.broadcast %broadcast_in_dim3A_421 : i32 to vector<16xi32>
        %gather3A_423 = tpu.vector_load_idx %arg9[%add3A_42, %broadcast_in_dim3A_422] : memref<256x84xf32, #tpu.memory_space<vmem>>[vector<16xi32>, vector<16xi32>], vector<16xf32>,
        %gather3A_424 = tpu.vector_load_idx %arg10[%add3A_42, %broadcast_in_dim3A_422] : memref<256x84xf32, #tpu.memory_space<vmem>>[vector<16xi32>, vector<16xi32>], vector<16xf32>,
        %mul3A_425 = arith.mulf %gather3A_423, %gather3A_424 : vector<16xf32>
        %add3A_426 = arith.addf %add3A_420, %mul3A_425 : vector<16xf32>
        %broadcast_in_dim3A_427 = arith.constant 64 : i32
        %broadcast_in_dim3A_428 = vector.broadcast %broadcast_in_dim3A_427 : i32 to vector<16xi32>
        %gather3A_429 = tpu.vector_load_idx %arg9[%add3A_42, %broadcast_in_dim3A_428] : memref<256x84xf32, #tpu.memory_space<vmem>>[vector<16xi32>, vector<16xi32>], vector<16xf32>,
        %gather3A_430 = tpu.vector_load_idx %arg10[%add3A_42, %broadcast_in_dim3A_428] : memref<256x84xf32, #tpu.memory_space<vmem>>[vector<16xi32>, vector<16xi32>], vector<16xf32>,
        %mul3A_431 = arith.mulf %gather3A_429, %gather3A_430 : vector<16xf32>
        %add3A_432 = arith.addf %add3A_426, %mul3A_431 : vector<16xf32>
        %broadcast_in_dim3A_433 = arith.constant 65 : i32
        %broadcast_in_dim3A_434 = vector.broadcast %broadcast_in_dim3A_433 : i32 to vector<16xi32>
        %gather3A_435 = tpu.vector_load_idx %arg9[%add3A_42, %broadcast_in_dim3A_434] : memref<256x84xf32, #tpu.memory_space<vmem>>[vector<16xi32>, vector<16xi32>], vector<16xf32>,
        %gather3A_436 = tpu.vector_load_idx %arg10[%add3A_42, %broadcast_in_dim3A_434] : memref<256x84xf32, #tpu.memory_space<vmem>>[vector<16xi32>, vector<16xi32>], vector<16xf32>,
        %mul3A_437 = arith.mulf %gather3A_435, %gather3A_436 : vector<16xf32>
        %add3A_438 = arith.addf %add3A_432, %mul3A_437 : vector<16xf32>
        %broadcast_in_dim3A_439 = arith.constant 66 : i32
        %broadcast_in_dim3A_440 = vector.broadcast %broadcast_in_dim3A_439 : i32 to vector<16xi32>
        %gather3A_441 = tpu.vector_load_idx %arg9[%add3A_42, %broadcast_in_dim3A_440] : memref<256x84xf32, #tpu.memory_space<vmem>>[vector<16xi32>, vector<16xi32>], vector<16xf32>,
        %gather3A_442 = tpu.vector_load_idx %arg10[%add3A_42, %broadcast_in_dim3A_440] : memref<256x84xf32, #tpu.memory_space<vmem>>[vector<16xi32>, vector<16xi32>], vector<16xf32>,
        %mul3A_443 = arith.mulf %gather3A_441, %gather3A_442 : vector<16xf32>
        %add3A_444 = arith.addf %add3A_438, %mul3A_443 : vector<16xf32>
        %broadcast_in_dim3A_445 = arith.constant 67 : i32
        %broadcast_in_dim3A_446 = vector.broadcast %broadcast_in_dim3A_445 : i32 to vector<16xi32>
        %gather3A_447 = tpu.vector_load_idx %arg9[%add3A_42, %broadcast_in_dim3A_446] : memref<256x84xf32, #tpu.memory_space<vmem>>[vector<16xi32>, vector<16xi32>], vector<16xf32>,
        %gather3A_448 = tpu.vector_load_idx %arg10[%add3A_42, %broadcast_in_dim3A_446] : memref<256x84xf32, #tpu.memory_space<vmem>>[vector<16xi32>, vector<16xi32>], vector<16xf32>,
        %mul3A_449 = arith.mulf %gather3A_447, %gather3A_448 : vector<16xf32>
        %add3A_450 = arith.addf %add3A_444, %mul3A_449 : vector<16xf32>
        %broadcast_in_dim3A_451 = arith.constant 68 : i32
        %broadcast_in_dim3A_452 = vector.broadcast %broadcast_in_dim3A_451 : i32 to vector<16xi32>
        %gather3A_453 = tpu.vector_load_idx %arg9[%add3A_42, %broadcast_in_dim3A_452] : memref<256x84xf32, #tpu.memory_space<vmem>>[vector<16xi32>, vector<16xi32>], vector<16xf32>,
        %gather3A_454 = tpu.vector_load_idx %arg10[%add3A_42, %broadcast_in_dim3A_452] : memref<256x84xf32, #tpu.memory_space<vmem>>[vector<16xi32>, vector<16xi32>], vector<16xf32>,
        %mul3A_455 = arith.mulf %gather3A_453, %gather3A_454 : vector<16xf32>
        %add3A_456 = arith.addf %add3A_450, %mul3A_455 : vector<16xf32>
        %broadcast_in_dim3A_457 = arith.constant 69 : i32
        %broadcast_in_dim3A_458 = vector.broadcast %broadcast_in_dim3A_457 : i32 to vector<16xi32>
        %gather3A_459 = tpu.vector_load_idx %arg9[%add3A_42, %broadcast_in_dim3A_458] : memref<256x84xf32, #tpu.memory_space<vmem>>[vector<16xi32>, vector<16xi32>], vector<16xf32>,
        %gather3A_460 = tpu.vector_load_idx %arg10[%add3A_42, %broadcast_in_dim3A_458] : memref<256x84xf32, #tpu.memory_space<vmem>>[vector<16xi32>, vector<16xi32>], vector<16xf32>,
        %mul3A_461 = arith.mulf %gather3A_459, %gather3A_460 : vector<16xf32>
        %add3A_462 = arith.addf %add3A_456, %mul3A_461 : vector<16xf32>
        %broadcast_in_dim3A_463 = arith.constant 70 : i32
        %broadcast_in_dim3A_464 = vector.broadcast %broadcast_in_dim3A_463 : i32 to vector<16xi32>
        %gather3A_465 = tpu.vector_load_idx %arg9[%add3A_42, %broadcast_in_dim3A_464] : memref<256x84xf32, #tpu.memory_space<vmem>>[vector<16xi32>, vector<16xi32>], vector<16xf32>,
        %gather3A_466 = tpu.vector_load_idx %arg10[%add3A_42, %broadcast_in_dim3A_464] : memref<256x84xf32, #tpu.memory_space<vmem>>[vector<16xi32>, vector<16xi32>], vector<16xf32>,
        %mul3A_467 = arith.mulf %gather3A_465, %gather3A_466 : vector<16xf32>
        %add3A_468 = arith.addf %add3A_462, %mul3A_467 : vector<16xf32>
        %broadcast_in_dim3A_469 = arith.constant 71 : i32
        %broadcast_in_dim3A_470 = vector.broadcast %broadcast_in_dim3A_469 : i32 to vector<16xi32>
        %gather3A_471 = tpu.vector_load_idx %arg9[%add3A_42, %broadcast_in_dim3A_470] : memref<256x84xf32, #tpu.memory_space<vmem>>[vector<16xi32>, vector<16xi32>], vector<16xf32>,
        %gather3A_472 = tpu.vector_load_idx %arg10[%add3A_42, %broadcast_in_dim3A_470] : memref<256x84xf32, #tpu.memory_space<vmem>>[vector<16xi32>, vector<16xi32>], vector<16xf32>,
        %mul3A_473 = arith.mulf %gather3A_471, %gather3A_472 : vector<16xf32>
        %add3A_474 = arith.addf %add3A_468, %mul3A_473 : vector<16xf32>
        %broadcast_in_dim3A_475 = arith.constant 72 : i32
        %broadcast_in_dim3A_476 = vector.broadcast %broadcast_in_dim3A_475 : i32 to vector<16xi32>
        %gather3A_477 = tpu.vector_load_idx %arg9[%add3A_42, %broadcast_in_dim3A_476] : memref<256x84xf32, #tpu.memory_space<vmem>>[vector<16xi32>, vector<16xi32>], vector<16xf32>,
        %gather3A_478 = tpu.vector_load_idx %arg10[%add3A_42, %broadcast_in_dim3A_476] : memref<256x84xf32, #tpu.memory_space<vmem>>[vector<16xi32>, vector<16xi32>], vector<16xf32>,
        %mul3A_479 = arith.mulf %gather3A_477, %gather3A_478 : vector<16xf32>
        %add3A_480 = arith.addf %add3A_474, %mul3A_479 : vector<16xf32>
        %broadcast_in_dim3A_481 = arith.constant 73 : i32
        %broadcast_in_dim3A_482 = vector.broadcast %broadcast_in_dim3A_481 : i32 to vector<16xi32>
        %gather3A_483 = tpu.vector_load_idx %arg9[%add3A_42, %broadcast_in_dim3A_482] : memref<256x84xf32, #tpu.memory_space<vmem>>[vector<16xi32>, vector<16xi32>], vector<16xf32>,
        %gather3A_484 = tpu.vector_load_idx %arg10[%add3A_42, %broadcast_in_dim3A_482] : memref<256x84xf32, #tpu.memory_space<vmem>>[vector<16xi32>, vector<16xi32>], vector<16xf32>,
        %mul3A_485 = arith.mulf %gather3A_483, %gather3A_484 : vector<16xf32>
        %add3A_486 = arith.addf %add3A_480, %mul3A_485 : vector<16xf32>
        %broadcast_in_dim3A_487 = arith.constant 74 : i32
        %broadcast_in_dim3A_488 = vector.broadcast %broadcast_in_dim3A_487 : i32 to vector<16xi32>
        %gather3A_489 = tpu.vector_load_idx %arg9[%add3A_42, %broadcast_in_dim3A_488] : memref<256x84xf32, #tpu.memory_space<vmem>>[vector<16xi32>, vector<16xi32>], vector<16xf32>,
        %gather3A_490 = tpu.vector_load_idx %arg10[%add3A_42, %broadcast_in_dim3A_488] : memref<256x84xf32, #tpu.memory_space<vmem>>[vector<16xi32>, vector<16xi32>], vector<16xf32>,
        %mul3A_491 = arith.mulf %gather3A_489, %gather3A_490 : vector<16xf32>
        %add3A_492 = arith.addf %add3A_486, %mul3A_491 : vector<16xf32>
        %broadcast_in_dim3A_493 = arith.constant 75 : i32
        %broadcast_in_dim3A_494 = vector.broadcast %broadcast_in_dim3A_493 : i32 to vector<16xi32>
        %gather3A_495 = tpu.vector_load_idx %arg9[%add3A_42, %broadcast_in_dim3A_494] : memref<256x84xf32, #tpu.memory_space<vmem>>[vector<16xi32>, vector<16xi32>], vector<16xf32>,
        %gather3A_496 = tpu.vector_load_idx %arg10[%add3A_42, %broadcast_in_dim3A_494] : memref<256x84xf32, #tpu.memory_space<vmem>>[vector<16xi32>, vector<16xi32>], vector<16xf32>,
        %mul3A_497 = arith.mulf %gather3A_495, %gather3A_496 : vector<16xf32>
        %add3A_498 = arith.addf %add3A_492, %mul3A_497 : vector<16xf32>
        %broadcast_in_dim3A_499 = arith.constant 76 : i32
        %broadcast_in_dim3A_500 = vector.broadcast %broadcast_in_dim3A_499 : i32 to vector<16xi32>
        %gather3A_501 = tpu.vector_load_idx %arg9[%add3A_42, %broadcast_in_dim3A_500] : memref<256x84xf32, #tpu.memory_space<vmem>>[vector<16xi32>, vector<16xi32>], vector<16xf32>,
        %gather3A_502 = tpu.vector_load_idx %arg10[%add3A_42, %broadcast_in_dim3A_500] : memref<256x84xf32, #tpu.memory_space<vmem>>[vector<16xi32>, vector<16xi32>], vector<16xf32>,
        %mul3A_503 = arith.mulf %gather3A_501, %gather3A_502 : vector<16xf32>
        %add3A_504 = arith.addf %add3A_498, %mul3A_503 : vector<16xf32>
        %broadcast_in_dim3A_505 = arith.constant 77 : i32
        %broadcast_in_dim3A_506 = vector.broadcast %broadcast_in_dim3A_505 : i32 to vector<16xi32>
        %gather3A_507 = tpu.vector_load_idx %arg9[%add3A_42, %broadcast_in_dim3A_506] : memref<256x84xf32, #tpu.memory_space<vmem>>[vector<16xi32>, vector<16xi32>], vector<16xf32>,
        %gather3A_508 = tpu.vector_load_idx %arg10[%add3A_42, %broadcast_in_dim3A_506] : memref<256x84xf32, #tpu.memory_space<vmem>>[vector<16xi32>, vector<16xi32>], vector<16xf32>,
        %mul3A_509 = arith.mulf %gather3A_507, %gather3A_508 : vector<16xf32>
        %add3A_510 = arith.addf %add3A_504, %mul3A_509 : vector<16xf32>
        %broadcast_in_dim3A_511 = arith.constant 78 : i32
        %broadcast_in_dim3A_512 = vector.broadcast %broadcast_in_dim3A_511 : i32 to vector<16xi32>
        %gather3A_513 = tpu.vector_load_idx %arg9[%add3A_42, %broadcast_in_dim3A_512] : memref<256x84xf32, #tpu.memory_space<vmem>>[vector<16xi32>, vector<16xi32>], vector<16xf32>,
        %gather3A_514 = tpu.vector_load_idx %arg10[%add3A_42, %broadcast_in_dim3A_512] : memref<256x84xf32, #tpu.memory_space<vmem>>[vector<16xi32>, vector<16xi32>], vector<16xf32>,
        %mul3A_515 = arith.mulf %gather3A_513, %gather3A_514 : vector<16xf32>
        %add3A_516 = arith.addf %add3A_510, %mul3A_515 : vector<16xf32>
        %broadcast_in_dim3A_517 = arith.constant 79 : i32
        %broadcast_in_dim3A_518 = vector.broadcast %broadcast_in_dim3A_517 : i32 to vector<16xi32>
        %gather3A_519 = tpu.vector_load_idx %arg9[%add3A_42, %broadcast_in_dim3A_518] : memref<256x84xf32, #tpu.memory_space<vmem>>[vector<16xi32>, vector<16xi32>], vector<16xf32>,
        %gather3A_520 = tpu.vector_load_idx %arg10[%add3A_42, %broadcast_in_dim3A_518] : memref<256x84xf32, #tpu.memory_space<vmem>>[vector<16xi32>, vector<16xi32>], vector<16xf32>,
        %mul3A_521 = arith.mulf %gather3A_519, %gather3A_520 : vector<16xf32>
        %add3A_522 = arith.addf %add3A_516, %mul3A_521 : vector<16xf32>
        %broadcast_in_dim3A_523 = arith.constant 80 : i32
        %broadcast_in_dim3A_524 = vector.broadcast %broadcast_in_dim3A_523 : i32 to vector<16xi32>
        %gather3A_525 = tpu.vector_load_idx %arg9[%add3A_42, %broadcast_in_dim3A_524] : memref<256x84xf32, #tpu.memory_space<vmem>>[vector<16xi32>, vector<16xi32>], vector<16xf32>,
        %gather3A_526 = tpu.vector_load_idx %arg10[%add3A_42, %broadcast_in_dim3A_524] : memref<256x84xf32, #tpu.memory_space<vmem>>[vector<16xi32>, vector<16xi32>], vector<16xf32>,
        %mul3A_527 = arith.mulf %gather3A_525, %gather3A_526 : vector<16xf32>
        %add3A_528 = arith.addf %add3A_522, %mul3A_527 : vector<16xf32>
        %broadcast_in_dim3A_529 = arith.constant 81 : i32
        %broadcast_in_dim3A_530 = vector.broadcast %broadcast_in_dim3A_529 : i32 to vector<16xi32>
        %gather3A_531 = tpu.vector_load_idx %arg9[%add3A_42, %broadcast_in_dim3A_530] : memref<256x84xf32, #tpu.memory_space<vmem>>[vector<16xi32>, vector<16xi32>], vector<16xf32>,
        %gather3A_532 = tpu.vector_load_idx %arg10[%add3A_42, %broadcast_in_dim3A_530] : memref<256x84xf32, #tpu.memory_space<vmem>>[vector<16xi32>, vector<16xi32>], vector<16xf32>,
        %mul3A_533 = arith.mulf %gather3A_531, %gather3A_532 : vector<16xf32>
        %add3A_534 = arith.addf %add3A_528, %mul3A_533 : vector<16xf32>
        %broadcast_in_dim3A_535 = arith.constant 82 : i32
        %broadcast_in_dim3A_536 = vector.broadcast %broadcast_in_dim3A_535 : i32 to vector<16xi32>
        %gather3A_537 = tpu.vector_load_idx %arg9[%add3A_42, %broadcast_in_dim3A_536] : memref<256x84xf32, #tpu.memory_space<vmem>>[vector<16xi32>, vector<16xi32>], vector<16xf32>,
        %gather3A_538 = tpu.vector_load_idx %arg10[%add3A_42, %broadcast_in_dim3A_536] : memref<256x84xf32, #tpu.memory_space<vmem>>[vector<16xi32>, vector<16xi32>], vector<16xf32>,
        %mul3A_539 = arith.mulf %gather3A_537, %gather3A_538 : vector<16xf32>
        %add3A_540 = arith.addf %add3A_534, %mul3A_539 : vector<16xf32>
        %broadcast_in_dim3A_541 = arith.constant 83 : i32
        %broadcast_in_dim3A_542 = vector.broadcast %broadcast_in_dim3A_541 : i32 to vector<16xi32>
        %gather3A_543 = tpu.vector_load_idx %arg9[%add3A_42, %broadcast_in_dim3A_542] : memref<256x84xf32, #tpu.memory_space<vmem>>[vector<16xi32>, vector<16xi32>], vector<16xf32>,
        %gather3A_544 = tpu.vector_load_idx %arg10[%add3A_42, %broadcast_in_dim3A_542] : memref<256x84xf32, #tpu.memory_space<vmem>>[vector<16xi32>, vector<16xi32>], vector<16xf32>,
        %mul3A_545 = arith.mulf %gather3A_543, %gather3A_544 : vector<16xf32>
        %add3A_546 = arith.addf %add3A_540, %mul3A_545 : vector<16xf32>
        %mul3A_547 = arith.constant 256 : i32
        %mul3A_548 = arith.muli %scan3A_9, %mul3A_547 : i32
        %mul3A_549 = arith.constant 16 : i32
        %mul3A_550 = arith.muli %scan3A_37, %mul3A_549 : i32
        %add3A_551 = arith.addi %mul3A_548, %mul3A_550 : i32
        %swap3A = arith.index_cast %add3A_551 : i32 to index
        %swap3A_552 = tpu.vector_load %arg11[%swap3A] {strides = array<i32>} : memref<512xf32, #tpu.memory_space<vmem>>, vector<16xf32>,
        tpu.vector_store %arg11[%swap3A], %add3A_546 {strides = array<i32>} : memref<512xf32, #tpu.memory_space<vmem>>, vector<16xf32>,
        %scan3A_553 = arith.constant 0 : i32
        scf.yield %scan3A_553 : i32
      }
      %scan3A_35 = arith.constant 16 : i32
      %scan3A_36 = arith.constant 0 : i32
      scf.yield %scan3A_36 : i32
    }
    %scan3A_8 = arith.constant 2 : i32
    "tpu.region"() ({
      %run_scoped3A = tpu.sem_alloc : memref<!tpu.dma_semaphore, #tpu.memory_space<semaphore_mem>>
      %dma_start3A = tpu.memref_slice %arg6[%mul3A_2] : memref<16384xf32, #tpu.memory_space<hbm>> -> memref<512xf32, #tpu.memory_space<hbm>>
      %dma_start3A_9 = tpu.memref_slice %arg6[%mul3A_2] : memref<16384xf32, #tpu.memory_space<hbm>> -> memref<512xf32, #tpu.memory_space<hbm>>
      tpu.enqueue_dma source(%arg11 : memref<512xf32, #tpu.memory_space<vmem>>) target(%dma_start3A_9 : memref<512xf32, #tpu.memory_space<hbm>>) target_semaphore(%run_scoped3A : memref<!tpu.dma_semaphore, #tpu.memory_space<semaphore_mem>>)
      %dma_wait3A = tpu.memref_slice %arg6[%mul3A_2] : memref<16384xf32, #tpu.memory_space<hbm>> -> memref<512xf32, #tpu.memory_space<hbm>>
      %dma_wait3A_10 = tpu.memref_slice %arg6[%mul3A_2] : memref<16384xf32, #tpu.memory_space<hbm>> -> memref<512xf32, #tpu.memory_space<hbm>>
      tpu.wait_dma2 semaphore(%run_scoped3A : memref<!tpu.dma_semaphore, #tpu.memory_space<semaphore_mem>>) src(%arg11 : memref<512xf32, #tpu.memory_space<vmem>>) dst(%dma_wait3A_10 : memref<512xf32, #tpu.memory_space<hbm>>)
      tpu.yield
    }) : () -> ()
    return
  }
}

</mosaic_0001>

<sc_bundles>
// kernel: kernel.3.cloned.1.call-start
scs
__scs_entry_jumppad:
0x0: {  	(pc) =	sbr.rel $0x88, $3  }
0x1: {  	(tag) =	ssettag $0x0;
	lr =	simm.s32 $0x1  }
0x2: {  	[smem:$0x3F9D] =	sst lr;
	_ =	strace $0xD0000000  }
0x3: {  	_ = 	snop  }
0x4: {  	_ = 	snop  }
0x5: {  	_ = 	snop  }
0x6: {  	_ = 	snop  }
0x7: {  	_ = 	snop  }
__scs_overlays_trampoline_lowered:
0x8: {  	[smem:$0x3FAC] =	sst s0  }
0x9: {  	[smem:$0x3FAD] =	sst s1  }
0xa: {  	[smem:$0x3FAE] =	sst s2  }
0xb: {  	[smem:$0x3FAF] =	sst s3  }
0xc: {  	[smem:$0x3FB0] =	sst s4  }
0xd: {  	[smem:$0x3FB1] =	sst s5  }
0xe: {  	[smem:$0x3FB2] =	sst s6  }
0xf: {  	[smem:$0x3FB3] =	sst s7  }
0x10: {  	[smem:$0x3FB4] =	sst s8  }
0x11: {  	[smem:$0x3FB5] =	sst s9;
	s0 =	simm.s32 @!p0 $0x0  }
0x12: {  	s1 =	sld [smem:$0x3F9B];
	s0 =	simm.s32 @p0 $0x1  }
0x13: {  	[smem:$0x3FB6] =	sst s0;
	s0 =	simm.s32 @!p1 $0x0  }
0x14: {  	s2 =	sld [smem:$0x3F9A];
	s0 =	simm.s32 @p1 $0x1  }
0x15: {  	[smem:$0x3FB7] =	sst s0;
	s0 =	simm.s32 @!p2 $0x0  }
0x16: {  	s3 =	sld [smem:$0x3FDB];
	s0 =	simm.s32 @p2 $0x1  }
0x17: {  	s4 =	simm.s32 $0x1BF5;
	[smem:$0x3FB9] =	sst s0  }
0x18: {  	s0 =	sld [smem:$0x3F9C];
	_ =	swait.ge [sflag:s4], $0x0  }
0x19: {  	s7 =	sld [smem:$0x3F9D]  }
0x1a: {  	s8 =	sadd.s32 $0xFFFFE003, lr  }
0x1b: {  	s9 =	sadd.s32 $0xFFFFFEF7, lr;
	s5 =	simm.s32 $0xFFFFFFFF;
	p2 =	slt.u32 s8, $0xFFFFF086  }
0x1c: {  	p1 =	slt.u32 s9, $0xF7A;
	s5 =	simm.s32 @!p2 $0x0  }
0x1d: {  	s5 =	simm.s32 @p1 $0x1;
	p0 =	seq.s32 s7, s2  }
0x1e: {  	s7 =	smul.u32 @!p0 $0xF7A, s2;
	p2 =	seq.s32 @!p0 s5, $0x0  }
0x1f: {  	s9 =	smul.u32 $0xF7A, s1;
	s8 =	simm.s32 @!p0 $0x1BF5;
	p2 =	por !p2, p0  }
0x20: {  	[sflag:s8] =	ssyncset.s32 @!p0 $0xFFFFF086;
	s6 =	sadd.s32 @!p0 s3, s7;
	s7 =	simm.s32 @!p0 $0x108  }
0x21: {  	s3 =	sadd.s32 s3, s9;
	s6 =	sadd.s32 @!p0 $0x88, s6;
	s7 =	simm.s32 @p2 $0x1082  }
0x22: {  	[simem:s7], [sflag:s8] =	dma.local @!p0 [hbm:s6], $0xF7A  }
0x23: {  	s9 =	sor.u32 $0xD0000000, s2;
	s6 =	simm.s32 $0x108;
	_ =	swait.ge @!p0 [sflag:s8], $0x0  }
0x24: {  	s3 =	sadd.s32 $0x88, s3;
	s6 =	simm.s32 @!p1 $0x1082;
	[sflag:s4] =	ssyncset.s32 $0xFFFFF086  }
0x25: {  	[simem:s6], [sflag:s4] =	dma.local [hbm:s3], $0xF7A  }
0x26: {  	[smem:$0x3F9D] =	sst s1;
	(tag) =	ssettag s2;
	_ =	strace s9  }
0x27: {  	s1 =	sld [smem:$0x3FAD]  }
0x28: {  	s2 =	sld [smem:$0x3FAE]  }
0x29: {  	s4 =	sld [smem:$0x3FB0]  }
0x2a: {  	p0 =	seq.s32 s5, $0x0;
	s5 =	sld [smem:$0x3FB1]  }
0x2b: {  	s6 =	sld [smem:$0x3FB2]  }
0x2c: {  	s7 =	sld [smem:$0x3FB3]  }
0x2d: {  	s3 =	simm.s32 $0x108;
	s8 =	sld [smem:$0x3FB4]  }
0x2e: {  	s3 =	simm.s32 @!p0 $0x1082;
	s9 =	sld [smem:$0x3FB5]  }
0x2f: {  	lr =	sadd.s32 s0, s3;
	s0 =	sld [smem:$0x3FAC]  }
0x30: {  	s3 =	sld [smem:$0x3FAF]  }
0x31: {  	[smem:$0x3FB8] =	sst s10  }
0x32: {  	s10 =	sld [smem:$0x3FB6];
	_ =	sdelay $0x3  }
0x33: {  	p0 =	seq.s32 s10, $0x1;
	s10 =	sld [smem:$0x3FB8];
	_ =	sdelay $0x3  }
0x34: {  	[smem:$0x3FB8] =	sst s10  }
0x35: {  	s10 =	sld [smem:$0x3FB7];
	_ =	sdelay $0x3  }
0x36: {  	p1 =	seq.s32 s10, $0x1;
	s10 =	sld [smem:$0x3FB8];
	_ =	sdelay $0x3  }
0x37: {  	[smem:$0x3FB8] =	sst s10  }
0x38: {  	s10 =	sld [smem:$0x3FB9]  }
0x39: {  	_ = 	snop;
	(pc) =	sbr.ind lr, $3  }
0x3a: {  	_ = 	snop  }
0x3b: {  	_ = 	snop  }
0x3c: {  	p2 =	seq.s32 s10, $0x1;
	s10 =	sld [smem:$0x3FB8]  }
0x3d: {  	_ =	shalt  }
0x3e: {  	_ =	shalt  }
0x3f: {  	_ =	shalt  }
0x40: {  	_ =	shalt  }
0x41: {  	_ =	shalt  }
0x42: {  	_ =	shalt  }
0x43: {  	_ =	shalt  }
0x44: {  	_ =	shalt  }
0x45: {  	_ =	shalt  }
0x46: {  	_ =	shalt  }
0x47: {  	_ =	shalt  }
0x48: {  	_ =	shalt  }
0x49: {  	_ =	shalt  }
0x4a: {  	_ =	shalt  }
0x4b: {  	_ =	shalt  }
0x4c: {  	_ =	shalt  }
0x4d: {  	_ =	shalt  }
0x4e: {  	_ =	shalt  }
0x4f: {  	_ =	shalt  }
0x50: {  	_ =	shalt  }
0x51: {  	_ =	shalt  }
0x52: {  	_ =	shalt  }
0x53: {  	_ =	shalt  }
0x54: {  	_ =	shalt  }
0x55: {  	_ =	shalt  }
0x56: {  	_ =	shalt  }
0x57: {  	_ =	shalt  }
0x58: {  	_ =	shalt  }
0x59: {  	_ =	shalt  }
0x5a: {  	_ =	shalt  }
0x5b: {  	_ =	shalt  }
0x5c: {  	_ =	shalt  }
0x5d: {  	_ =	shalt  }
0x5e: {  	_ =	shalt  }
0x5f: {  	_ =	shalt  }
0x60: {  	_ =	shalt  }
0x61: {  	_ =	shalt  }
0x62: {  	_ =	shalt  }
0x63: {  	_ =	shalt  }
0x64: {  	_ =	shalt  }
0x65: {  	_ =	shalt  }
0x66: {  	_ =	shalt  }
0x67: {  	_ =	shalt  }
0x68: {  	_ =	shalt  }
0x69: {  	_ =	shalt  }
0x6a: {  	_ =	shalt  }
0x6b: {  	_ =	shalt  }
0x6c: {  	_ =	shalt  }
0x6d: {  	_ =	shalt  }
0x6e: {  	_ =	shalt  }
0x6f: {  	_ =	shalt  }
0x70: {  	_ =	shalt  }
0x71: {  	_ =	shalt  }
0x72: {  	_ =	shalt  }
0x73: {  	_ =	shalt  }
0x74: {  	_ =	shalt  }
0x75: {  	_ =	shalt  }
0x76: {  	_ =	shalt  }
0x77: {  	_ =	shalt  }
0x78: {  	_ =	shalt  }
0x79: {  	_ =	shalt  }
0x7a: {  	_ =	shalt  }
0x7b: {  	_ =	shalt  }
0x7c: {  	_ =	shalt  }
0x7d: {  	_ =	shalt  }
0x7e: {  	_ =	shalt  }
0x7f: {  	_ =	shalt  }
0x80: {  	_ =	shalt  }
0x81: {  	_ =	shalt  }
0x82: {  	_ =	shalt  }
0x83: {  	_ =	shalt  }
0x84: {  	_ =	shalt  }
0x85: {  	_ =	shalt  }
0x86: {  	_ =	shalt  }
0x87: {  	_ =	shalt  }
.Lfunc_end0:
.L_simem_size_0:
called_computation_lowered:
.L_overlay_start_0:
0x88: {  	s2 =	sld [smem:$0x3FD9]  }
0x89: {  	s3 =	sld [smem:$0x3FFE];
	_ =	sdelay $0x1  }
0x8a: {  	s1 =	srdreg.scid  }
0x8b: {  	s0 =	sand.u32 $0x1, s1  }
0x8c: {  	s17 =	sshll.u32 s0, $0xA;
	s2 =	sadd.s32 s3, s2  }
0x8d: {  	s2 =	sadd.s32 s2, s17  }
0x8e: {  	[smem:$0x3FC4] =	sst s2  }
0x8f: {  	_ = 	snop  }
0x90: {  	s2 =	sld [smem:$0x3FC9]  }
0x91: {  	s18 =	sld [smem:$0x3FC8]  }
0x92: {  	s4 =	sld [smem:$0x3FD0];
	(tm) =	ssettm $0x1  }
0x93: {  	s5 =	sld [smem:$0x3FFB];
	_ =	sdelay $0x3  }
0x94: {  	_ =	strace s5  }
0x95: {  	s5 =	sld [smem:$0x3FFC];
	_ =	sdelay $0x3  }
0x96: {  	_ =	strace s5  }
0x97: {  	s5 =	sld [smem:$0x3FFD];
	_ =	sdelay $0x3  }
0x98: {  	_ =	strace s5  }
0x99: {  	_ =	strace $0x8FFFFFFF  }
0x9a: {  	s19 =	sld [smem:$0x3FDB];
	_ =	sdelay $0x1  }
0x9b: {  	s6 =	simm.s32 $_scs_section_size  }
0x9c: {  	s7 =	simm.s32 $_size__tile_overlayer_lowered;
	s8 =	simm.s32 $_tile_overlayer_lowered  }
0x9d: {  	s22 =	simm.s32 $0x1BFF;
	s21 =	sshll.u32 s8, $0x1;
	s5 =	sadd.s32 s6, s19  }
0x9e: {  	s9 =	simm.s32 $0x0;
	s20 =	sshll.u32 s7, $0x1;
	s7 =	sadd.s32 s21, s5  }
0x9f: {  	[timem:s9], [sflag:s22] =	dma.local [hbm:s7], s20  }
0xa0: {  	_ =	swait.ge [sflag:s22], s20  }
0xa1: {  	s6 =	ssub.s32 $0x0, s20;
	[sflag:s22] =	ssyncset.done $0x0  }
0xa2: {  	[sflag:s22] =	ssyncadd.s32 s6;
	_ =	sdelay $0x1  }
0xa3: {  	s23 =	simm.s32 $0x1B8B  }
0xa4: {  	_ =	swait.ge [sflag:s23], $0x1  }
0xa5: {  	[sflag:s23] =	ssyncset.done $0x0  }
0xa6: {  	s25 =	simm.s32 $0x1B8E;
	s24 =	sld [smem:$0x3FFE];
	[sflag:s23] =	ssyncadd.s32 $0xFFFFFFFF  }
0xa7: {  	s26 =	simm.s32 $execute0_lowered;
	[smem:$0x3FD2] =	sst s25  }
0xa8: {  	s7 =	sshll.u32 s26, $0x1;
	_ =	strace $0x80000046;
	[dreg:$0x1] =	wrdreg $0xFFFFFFFF  }
0xa9: {  	s28 =	simm.s32 $_size_execute0_lowered;
	s5 =	sadd.s32 s5, s7;
	[dreg:$0x0] =	wrdreg $0x0  }
0xaa: {  	s7 =	sshll.u32 s28, $0x1;
	[dreg:$0x2] =	wrdreg s5  }
0xab: {  	[dreg:$0x3] =	wrdreg s7  }
0xac: {  	[dreg:$0x4] =	wrdreg $0xC0  }
0xad: {  	_ =	task [dreg:s9], $0x5FFFF  }
0xae: {  	[dreg:$0x1] =	wrdreg $0xFFFFFFFF  }
0xaf: {  	[dreg:$0x0] =	wrdreg $0x60  }
0xb0: {  	[dreg:$0x2] =	wrdreg s2  }
0xb1: {  	[dreg:$0x3] =	wrdreg s18  }
0xb2: {  	[dreg:$0x4] =	wrdreg s24  }
0xb3: {  	[dreg:$0x5] =	wrdreg s4  }
0xb4: {  	[dreg:$0x6] =	wrdreg $0x9  }
0xb5: {  	_ =	task.clear_ibuf [dreg:s9], $0x7FFFF;
	_ =	strace $0x90000046  }
0xb6: {  	s29 =	simm.s32 $0x9;
	_ =	strace $0x80000048  }
0xb7: {  	_ =	swait.ge [sflag:s29], $0x1  }
0xb8: {  	[sflag:s29] =	ssyncadd.s32 $0xFFFFFFFF  }
0xb9: {  	_ =	strace $0x90000048  }
0xba: {  	_ =	sfence  }
0xbb: {  	s30 =	sld [smem:$0x0];
	_ =	sdelay $0x2  }
0xbc: {  	s31 =	sshll.u32 s1, $0xD;
	s1 =	sshrl.u32 s1, $0x2  }
0xbd: {  	s3 =	sand.u32 $0x4000, s31;
	s1 =	sadd.s32 s1, s30  }
0xbe: {  	s0 =	sor.u32 s3, s0;
	s1 =	sshll.u32 s1, $0x11  }
0xbf: {  	s0 =	sor.u32 s1, s0  }
0xc0: {  	s0 =	sadd.s32 $0x8F2B, s0  }
0xc1: {  	[sflag:s0] =	ssyncadd.remote.s32 $0x1  }
0xc2: {  	_ =	sfence.sel $0xFFFF  }
0xc3: {  	[dreg:$0x0] =	wrdreg $0xFFFFFFFF;
	(pc) =	sbr.abs _section_cstart, $3  }
0xc4: {  	[dreg:$0x1] =	wrdreg $0xFFFFFFFF  }
0xc5: {  	_ =	task.clear_ibuf [dreg:s9], $0x2FFFF;
	_ =	strace $0x9FFFFFFF  }
0xc6: {  	(tm) =	ssettm $0x7FFFFFFF  }
0xc7: {  	_ =	shalt  }
tec
execute0_lowered:
.L_overlay_start_1:
0x0: {  	(tag) =	ssettag $0x1  }
0x1: {  	s0 =	rddreg [dreg:$0x0]  }
0x2: {  	s1 =	rddreg [dreg:$0x1]  }
0x3: {  	s2 =	rddreg [dreg:$0x2]  }
0x4: {  	s3 =	rddreg [dreg:$0x3];
	s11 =	simm.s32 $0x0;
	s4 =	srdreg.scid  }
0x5: {  	s6 =	stileid.u32;
	s12 =	simm.s32 $0x400;
	s4 =	sand.u32 $0x1, s4  }
0x6: {  	s6 =	sshll.u32 s6, $0x7;
	s5 =	ssub.s32 $0x2, s4;
	s4 =	sshll.u32 s4, $0x6  }
0x7: {  	[smem:$0x7FF] =	sst s11;
	s14 =	sadd.s32 $0x400, s2;
	s4 =	sor.u32 s4, s6  }
0x8: {  	s15 =	sadd.s32 $0xF42800, s2;
	_ =	strace $0x80000047;
	s0 =	sadd.s32 s0, s4  }
0x9: {  	s28 =	sshrl.u32 s5, $0x1;
	s29 =	sadd.s32 s1, s4;
	[dreg:$0x10] =	wrdreg s0  }
0xa: {  	v0 =	vlaneseq.u32;
	s2 =	ssub.s32 s5, s28;
	s30 =	sadd.s32 s3, s4;
	[dreg:$0x11] =	wrdreg s29  }
0xb: {  	s13 =	simm.s32 $0x8400;
	v0 =	vmul.u32 $0x80, v0;
	[dreg:$0x12] =	wrdreg s30;
	s31 =	smax.u32 s2, $0x1  }
0xc: {  	s1 =	simm.s32 $0x2;
	s2 =	simm.s32 $0x0;
	[dreg:$0x13] =	wrdreg s31  }
.LBB2_1:
0xd: {  	[dreg:$0x14] =	wrdreg s2  }
0xe: {  	s0 =	rddreg [dreg:$0x10]  }
0xf: {  	[tilespmem:s11], [sflag:$0x2] =	stream.linear.gather [hbm4b:s0+s11], $0x200, $0x38;
	[tilespmem:$0x10600] =	vst v63  }
0x10: {  	_ =	swait.ge [sflag:s1], $0x200  }
0x11: {  	[sflag:s1] =	ssyncset.done $0x0  }
0x12: {  	s31 =	simm.s32 $0x200;
	s30 =	rddreg [dreg:$0x11];
	[sflag:s1] =	ssyncadd.s32 $0xFFFFFE00  }
0x13: {  	[tilespmem:s31], [sflag:$0x2] =	stream.linear.gather [hbm4b:s30+s11], $0x200, $0x38;
	[tilespmem:$0x10600] =	vst v63  }
0x14: {  	_ =	swait.ge [sflag:s1], $0x200  }
0x15: {  	[sflag:s1] =	ssyncset.done $0x0  }
0x16: {  	p1 =	por $0x1, $0x1;
	s0 =	simm.s32 $0x0;
	[sflag:s1] =	ssyncadd.s32 $0xFFFFFE00  }
.LBB2_2:
0x17: {  	s0 =	sshll.u32 s0, $0x8  }
0x18: {  	s18 =	sand.u32 $0x3FFFFF00, s0  }
0x19: {  	s0 =	sadd.s32 $0x200, s18;
	v1 =	vld [tilespmem:s18+$0x0]  }
0x1a: {  	v3 =	vld [tilespmem:s0+$0x0];
	_ =	sdelay $0x3  }
0x1b: {  	v2 =	vshll.u32 v1, $0x4  }
0x1c: {  	v1 =	vshll.u32 v3, $0x4;
	(v2sf) =	vpush v2, $0x0  }
0x1d: {  	(v2sf) =	vpush v1, $0x0  }
0x1e: {  	(v2sf) =	vpush v2, $0x1;
	_ =	sdelay $0x1  }
0x1f: {  	(v2sf) =	vpush v1, $0x1  }
0x20: {  	(v2sf) =	vpush v2, $0x2;
	_ =	sdelay $0x3  }
0x21: {  	(v2sf) =	vpush v1, $0x2;
	_ =	sdelay $0x1  }
0x22: {  	(v2sf) =	vpush v2, $0x3  }
0x23: {  	s17 =	simm.s32 $0x2000;
	s16 =	simm.s32 $0x0;
	s3 =	simm.s32 $0x8400  }
0x24: {  	s1 =	simm.s32 $0x680;
	s5 =	simm.s32 $0x880;
	s4 =	simm.s32 $0x400  }
0x25: {  	s6 =	simm.s32 $0x600;
	s28 =	simm.s32 $0x580;
	s30 =	simm.s32 $0x480  }
0x26: {  	s10 =	simm.s32 $0x500;
	s20 =	simm.s32 $0x8500;
	(v2sf) =	vpush v1, $0x3;
	s2 =	spop (v2sf)  }
0x27: {  	s23 =	simm.s32 $0x8580;
	s7 =	sand.u32 $0x1FFFFFF0, s2;
	s8 =	spop (v2sf)  }
0x28: {  	p0 =	por p1, p1;
	(v2sf) =	vpush v2, $0x4;
	s7 =	sadd.s32 s14, s7;
	s29 =	spop (v2sf)  }
0x29: {  	[tilespmem:s4], [sflag:$0x1] =	stream.linear.gather [hbm4b:s7+s11], $0x80, $0x38;
	[tilespmem:$0x10600] =	vst v63  }
0x2a: {  	[dreg:$0x15] =	wrdreg s18;
	s8 =	sand.u32 $0x1FFFFFF0, s8;
	s31 =	spop (v2sf)  }
0x2b: {  	(v2sf) =	vpush v1, $0x4;
	s8 =	sadd.s32 s15, s8;
	s7 =	sand.u32 $0x1FFFFFF0, s29;
	s9 =	spop (v2sf)  }
0x2c: {  	(v2sf) =	vpush v2, $0x5;
	[tilespmem:s3], [sflag:$0x1] =	stream.linear.gather [hbm4b:s8+s11], $0x80, $0x38;
	[tilespmem:$0x10600] =	vst v63  }
0x2d: {  	(v2sf) =	vpush v1, $0x5;
	s7 =	sadd.s32 s14, s7;
	s8 =	sand.u32 $0x1FFFFFF0, s31;
	s9 =	sand.u32 $0x1FFFFFF0, s9  }
0x2e: {  	[tilespmem:s30], [sflag:$0x1] =	stream.linear.gather [hbm4b:s7+s11], $0x80, $0x38;
	[tilespmem:$0x10600] =	vst v63  }
0x2f: {  	(v2sf) =	vpush v2, $0x6;
	s19 =	spop (v2sf);
	s8 =	sadd.s32 s15, s8;
	s7 =	simm.s32 $0x8480  }
0x30: {  	[tilespmem:s7], [sflag:$0x1] =	stream.linear.gather [hbm4b:s8+s11], $0x80, $0x38;
	[tilespmem:$0x10600] =	vst v63  }
0x31: {  	s21 =	spop (v2sf);
	s8 =	sadd.s32 s14, s9;
	s7 =	sand.u32 $0x1FFFFFF0, s19  }
0x32: {  	[tilespmem:s10], [sflag:$0x1] =	stream.linear.gather [hbm4b:s8+s11], $0x80, $0x38;
	[tilespmem:$0x10600] =	vst v63  }
0x33: {  	s2 =	simm.s32 $0x8900;
	(v2sf) =	vpush v1, $0x6;
	s7 =	sadd.s32 s15, s7;
	s8 =	sand.u32 $0x1FFFFFF0, s21  }
0x34: {  	[tilespmem:s20], [sflag:$0x1] =	stream.linear.gather [hbm4b:s7+s11], $0x80, $0x38;
	[tilespmem:$0x10600] =	vst v63  }
0x35: {  	s29 =	simm.s32 $0x8600;
	(v2sf) =	vpush v2, $0x7;
	s22 =	spop (v2sf);
	s24 =	sadd.s32 s14, s8  }
0x36: {  	[tilespmem:s28], [sflag:$0x1] =	stream.linear.gather [hbm4b:s24+s11], $0x80, $0x38;
	[tilespmem:$0x10600] =	vst v63  }
0x37: {  	s25 =	sand.u32 $0x1FFFFFF0, s22;
	s9 =	simm.s32 $0x8A00;
	s26 =	spop (v2sf)  }
0x38: {  	s10 =	simm.s32 $0xA80;
	s28 =	sadd.s32 s15, s25;
	s4 =	sand.u32 $0x1FFFFFF0, s26  }
0x39: {  	(v2sf) =	vpush v1, $0x7;
	[tilespmem:s23], [sflag:$0x1] =	stream.linear.gather [hbm4b:s28+s11], $0x80, $0x38;
	[tilespmem:$0x10600] =	vst v63  }
0x3a: {  	s21 =	simm.s32 $0x8680;
	(v2sf) =	vpush v2, $0x8;
	s30 =	spop (v2sf);
	s4 =	sadd.s32 s14, s4  }
0x3b: {  	s7 =	sand.u32 $0x1FFFFFF0, s30;
	s31 =	spop (v2sf);
	s23 =	simm.s32 $0x700  }
0x3c: {  	(v2sf) =	vpush v1, $0x8;
	s30 =	simm.s32 $0x8700;
	s19 =	sadd.s32 s15, s7;
	s22 =	spop (v2sf)  }
0x3d: {  	[tilespmem:s6], [sflag:$0x1] =	stream.linear.gather [hbm4b:s4+s11], $0x80, $0x38;
	[tilespmem:$0x10600] =	vst v63  }
0x3e: {  	s20 =	sand.u32 $0x1FFFFFF0, s31;
	(v2sf) =	vpush v2, $0x9;
	s7 =	simm.s32 $0x780;
	s25 =	spop (v2sf)  }
0x3f: {  	(v2sf) =	vpush v1, $0x9;
	[tilespmem:s29], [sflag:$0x1] =	stream.linear.gather [hbm4b:s19+s11], $0x80, $0x38;
	[tilespmem:$0x10600] =	vst v63  }
0x40: {  	s6 =	sadd.s32 s14, s20;
	s24 =	sand.u32 $0x1FFFFFF0, s22;
	s4 =	sand.u32 $0x1FFFFFF0, s25  }
0x41: {  	(v2sf) =	vpush v2, $0xA;
	[tilespmem:s1], [sflag:$0x1] =	stream.linear.gather [hbm4b:s6+s11], $0x80, $0x38;
	[tilespmem:$0x10600] =	vst v63  }
0x42: {  	s26 =	spop (v2sf);
	s28 =	sadd.s32 s14, s4;
	(v2sf) =	vpush v1, $0xA;
	s1 =	sadd.s32 s15, s24  }
0x43: {  	[tilespmem:s21], [sflag:$0x1] =	stream.linear.gather [hbm4b:s1+s11], $0x80, $0x38;
	[tilespmem:$0x10600] =	vst v63  }
0x44: {  	s29 =	sand.u32 $0x1FFFFFF0, s26;
	s31 =	spop (v2sf);
	s26 =	simm.s32 $0x8800;
	(v2sf) =	vpush v2, $0xB  }
0x45: {  	[tilespmem:s23], [sflag:$0x1] =	stream.linear.gather [hbm4b:s28+s11], $0x80, $0x38;
	[tilespmem:$0x10600] =	vst v63  }
0x46: {  	s4 =	sadd.s32 s15, s29;
	s8 =	sand.u32 $0x1FFFFFF0, s31;
	s24 =	simm.s32 $0x800  }
0x47: {  	[tilespmem:s30], [sflag:$0x1] =	stream.linear.gather [hbm4b:s4+s11], $0x80, $0x38;
	[tilespmem:$0x10600] =	vst v63  }
0x48: {  	s1 =	simm.s32 $0x8980;
	s21 =	simm.s32 $0x8780;
	s19 =	spop (v2sf)  }
0x49: {  	s4 =	sadd.s32 s14, s8;
	s6 =	sand.u32 $0x1FFFFFF0, s19;
	s20 =	spop (v2sf)  }
0x4a: {  	(v2sf) =	vpush v1, $0xB;
	[tilespmem:s7], [sflag:$0x1] =	stream.linear.gather [hbm4b:s4+s11], $0x80, $0x38;
	[tilespmem:$0x10600] =	vst v63  }
0x4b: {  	s7 =	simm.s32 $0x8A80;
	s22 =	sadd.s32 s15, s6;
	s25 =	spop (v2sf)  }
0x4c: {  	[tilespmem:s21], [sflag:$0x1] =	stream.linear.gather [hbm4b:s22+s11], $0x80, $0x38;
	[tilespmem:$0x10600] =	vst v63  }
0x4d: {  	s19 =	simm.s32 $0x900;
	s23 =	sand.u32 $0x1FFFFFF0, s20;
	s28 =	spop (v2sf)  }
0x4e: {  	(v2sf) =	vpush v2, $0xC;
	s6 =	sadd.s32 s14, s23;
	s4 =	sand.u32 $0x1FFFFFF0, s25;
	s29 =	spop (v2sf)  }
0x4f: {  	[tilespmem:s24], [sflag:$0x1] =	stream.linear.gather [hbm4b:s6+s11], $0x80, $0x38;
	[tilespmem:$0x10600] =	vst v63  }
0x50: {  	s4 =	sadd.s32 s15, s4;
	(v2sf) =	vpush v1, $0xC;
	s6 =	sand.u32 $0x1FFFFFF0, s28;
	s8 =	spop (v2sf)  }
0x51: {  	s31 =	sand.u32 $0x1FFFFFF0, s29;
	s30 =	sadd.s32 s14, s6;
	s21 =	spop (v2sf)  }
0x52: {  	[tilespmem:s26], [sflag:$0x1] =	stream.linear.gather [hbm4b:s4+s11], $0x80, $0x38;
	[tilespmem:$0x10600] =	vst v63  }
0x53: {  	s6 =	simm.s32 $0x8880;
	s20 =	sand.u32 $0x1FFFFFF0, s8;
	s22 =	spop (v2sf)  }
0x54: {  	[tilespmem:s5], [sflag:$0x1] =	stream.linear.gather [hbm4b:s30+s11], $0x80, $0x38;
	[tilespmem:$0x10600] =	vst v63  }
0x55: {  	s4 =	sadd.s32 s15, s31;
	s26 =	simm.s32 $0x980;
	s24 =	sand.u32 $0x1FFFFFF0, s22  }
0x56: {  	[tilespmem:s6], [sflag:$0x1] =	stream.linear.gather [hbm4b:s4+s11], $0x80, $0x38;
	[tilespmem:$0x10600] =	vst v63  }
0x57: {  	s22 =	sadd.s32 $0x10, s0;
	s5 =	sand.u32 $0x1FFFFFF0, s21;
	s4 =	sadd.s32 s14, s20  }
0x58: {  	[tilespmem:s19], [sflag:$0x1] =	stream.linear.gather [hbm4b:s4+s11], $0x80, $0x38;
	[tilespmem:$0x10600] =	vst v63  }
0x59: {  	s28 =	sadd.s32 s14, s24;
	s23 =	sadd.s32 s15, s5;
	s25 =	spop (v2sf)  }
0x5a: {  	[tilespmem:s2], [sflag:$0x1] =	stream.linear.gather [hbm4b:s23+s11], $0x80, $0x38;
	(v2sf) =	vpush v2, $0xD;
	[tilespmem:$0x10600] =	vst v63  }
0x5b: {  	s21 =	sadd.s32 $0x10, s18;
	s24 =	simm.s32 $0x8B00;
	s29 =	sand.u32 $0x1FFFFFF0, s25;
	(v2sf) =	vpush v1, $0xD  }
0x5c: {  	[tilespmem:s26], [sflag:$0x1] =	stream.linear.gather [hbm4b:s28+s11], $0x80, $0x38;
	(v2sf) =	vpush v2, $0xE;
	[tilespmem:$0x10600] =	vst v63  }
0x5d: {  	s25 =	simm.s32 $0xB00;
	s31 =	spop (v2sf);
	s30 =	sadd.s32 s15, s29;
	(v2sf) =	vpush v1, $0xE  }
0x5e: {  	[tilespmem:s1], [sflag:$0x1] =	stream.linear.gather [hbm4b:s30+s11], $0x80, $0x38;
	(v2sf) =	vpush v2, $0xF;
	[tilespmem:$0x10600] =	vst v63  }
0x5f: {  	s26 =	simm.s32 $0xA00;
	s0 =	sand.u32 $0x1FFFFFF0, s31;
	s1 =	spop (v2sf);
	(v2sf) =	vpush v1, $0xF  }
.LBB2_3:
0x60: {  	_ =	sdelay $0x4  }
0x61: {  	s0 =	sadd.s32 s14, s0;
	s1 =	sand.u32 $0x1FFFFFF0, s1  }
0x62: {  	[tilespmem:s26], [sflag:$0x1] =	stream.linear.gather [hbm4b:s0+s11], $0x80, $0x38;
	[tilespmem:$0x10600] =	vst v63  }
0x63: {  	s23 =	sadd.s32 s15, s1  }
0x64: {  	[tilespmem:s9], [sflag:$0x1] =	stream.linear.gather [hbm4b:s23+s11], $0x80, $0x38;
	[tilespmem:$0x10600] =	vst v63  }
0x65: {  	s2 =	spop (v2sf)  }
0x66: {  	s26 =	sand.u32 $0x1FFFFFF0, s2;
	s28 =	spop (v2sf)  }
0x67: {  	s29 =	sadd.s32 s14, s26;
	s30 =	sand.u32 $0x1FFFFFF0, s28;
	s31 =	spop (v2sf)  }
0x68: {  	[tilespmem:s10], [sflag:$0x1] =	stream.linear.gather [hbm4b:s29+s11], $0x80, $0x38;
	[tilespmem:$0x10600] =	vst v63  }
0x69: {  	s1 =	sadd.s32 s15, s30;
	s2 =	sand.u32 $0x1FFFFFF0, s31;
	s3 =	spop (v2sf)  }
0x6a: {  	[tilespmem:s7], [sflag:$0x1] =	stream.linear.gather [hbm4b:s1+s11], $0x80, $0x38;
	[tilespmem:$0x10600] =	vst v63  }
0x6b: {  	s4 =	sadd.s32 s14, s2;
	s5 =	sand.u32 $0x1FFFFFF0, s3;
	s6 =	spop (v2sf)  }
0x6c: {  	[tilespmem:s25], [sflag:$0x1] =	stream.linear.gather [hbm4b:s4+s11], $0x80, $0x38;
	[tilespmem:$0x10600] =	vst v63  }
0x6d: {  	s7 =	sadd.s32 s15, s5;
	s8 =	sand.u32 $0x1FFFFFF0, s6;
	s9 =	spop (v2sf)  }
0x6e: {  	[tilespmem:s24], [sflag:$0x1] =	stream.linear.gather [hbm4b:s7+s11], $0x80, $0x38;
	[tilespmem:$0x10600] =	vst v63  }
0x6f: {  	s10 =	sadd.s32 $0xB80, s16;
	s1 =	sadd.s32 s14, s8;
	s2 =	sand.u32 $0x1FFFFFF0, s9  }
0x70: {  	[tilespmem:s10], [sflag:$0x1] =	stream.linear.gather [hbm4b:s1+s11], $0x80, $0x38;
	[tilespmem:$0x10600] =	vst v63  }
0x71: {  	s18 =	sadd.s32 $0x8B80, s16;
	s19 =	sadd.s32 s15, s2  }
0x72: {  	[tilespmem:s18], [sflag:$0x1] =	stream.linear.gather [hbm4b:s19+s11], $0x80, $0x38;
	[tilespmem:$0x10600] =	vst v63  }
0x73: {  	v1 =	vld [tilespmem:s21+$0x0]  }
0x74: {  	v3 =	vld [tilespmem:s22+$0x0];
	_ =	sdelay $0x3  }
0x75: {  	s20 =	smov.u32 s17;
	v2 =	vshll.u32 v1, $0x4  }
0x76: {  	s16 =	sshra.s32 s20, $0x2;
	v1 =	vshll.u32 v3, $0x4;
	(v2sf) =	vpush v2, $0x0  }
0x77: {  	p1 =	sne.s32 s17, $0x1E000;
	s0 =	sadd.s32 $0x680, s16;
	(v2sf) =	vpush v1, $0x0  }
0x78: {  	s17 =	sadd.s32 $0x2000, s17;
	s23 =	sadd.s32 $0x880, s16;
	[dreg:$0xd] =	wrdreg s0;
	(v2sf) =	vpush v2, $0x1  }
0x79: {  	s30 =	sadd.s32 $0x400, s16;
	s26 =	sadd.s32 $0x8980, s16;
	[dreg:$0x7] =	wrdreg s23  }
0x7a: {  	s3 =	sadd.s32 $0x580, s16;
	s28 =	sadd.s32 $0x8880, s16;
	[dreg:$0x6] =	wrdreg s26;
	(v2sf) =	vpush v1, $0x1  }
0x7b: {  	s29 =	sadd.s32 $0x8480, s16;
	s31 =	sadd.s32 $0x900, s16;
	[dreg:$0x9] =	wrdreg s28  }
0x7c: {  	s20 =	sadd.s32 $0x780, s16;
	s5 =	simm.s32 $0x0;
	[dreg:$0x8] =	wrdreg s31;
	(v2sf) =	vpush v2, $0x2  }
0x7d: {  	s0 =	sadd.s32 $0x500, s16;
	s6 =	sadd.s32 $0x8680, s16;
	[dreg:$0xf] =	wrdreg s20  }
0x7e: {  	s23 =	sadd.s32 $0x8800, s16;
	s26 =	sadd.s32 $0xA00, s16;
	s31 =	sadd.s32 $0x480, s16;
	(v2sf) =	vpush v1, $0x2  }
0x7f: {  	s9 =	sadd.s32 $0x700, s16;
	s8 =	sadd.s32 $0x8700, s16;
	[dreg:$0xa] =	wrdreg s23  }
0x80: {  	s25 =	sadd.s32 $0x8A00, s16;
	s4 =	sadd.s32 $0x8500, s16;
	s2 =	sadd.s32 $0x980, s16;
	(v2sf) =	vpush v2, $0x3  }
0x81: {  	[dreg:$0xb] =	wrdreg s25;
	s25 =	sadd.s32 $0x800, s16;
	s24 =	sadd.s32 $0x8900, s16  }
0x82: {  	s7 =	sadd.s32 $0x8A80, s16;
	[dreg:$0xc] =	wrdreg s25;
	s25 =	sadd.s32 $0xB00, s16;
	(v2sf) =	vpush v1, $0x3  }
0x83: {  	[dreg:$0x5] =	wrdreg s24;
	s24 =	sadd.s32 $0x8780, s16;
	s1 =	sadd.s32 $0x8580, s16  }
0x84: {  	s10 =	sadd.s32 $0xA80, s16;
	[dreg:$0xe] =	wrdreg s24;
	s24 =	sadd.s32 $0x8B00, s16;
	(v2sf) =	vpush v2, $0x4  }
0x85: {  	s19 =	sadd.s32 $0x8400, s16;
	s11 =	sadd.s32 $0x600, s16;
	s28 =	spop (v2sf)  }
0x86: {  	s18 =	sadd.s32 $0x8600, s16;
	s28 =	sand.u32 $0x1FFFFFF0, s28;
	s20 =	spop (v2sf)  }
0x87: {  	s28 =	sadd.s32 s14, s28;
	s20 =	sand.u32 $0x1FFFFFF0, s20;
	s23 =	spop (v2sf)  }
0x88: {  	(v2sf) =	vpush v1, $0x4;
	[tilespmem:s30], [sflag:$0x1] =	stream.linear.gather [hbm4b:s28+s5], $0x80, $0x38;
	[tilespmem:$0x10600] =	vst v63  }
0x89: {  	(v2sf) =	vpush v2, $0x5;
	s20 =	sadd.s32 s15, s20;
	s23 =	sand.u32 $0x1FFFFFF0, s23;
	s30 =	spop (v2sf)  }
0x8a: {  	(v2sf) =	vpush v1, $0x5;
	[tilespmem:s19], [sflag:$0x1] =	stream.linear.gather [hbm4b:s20+s5], $0x80, $0x38;
	[tilespmem:$0x10600] =	vst v63  }
0x8b: {  	s23 =	sadd.s32 s14, s23;
	s28 =	sand.u32 $0x1FFFFFF0, s30;
	s30 =	spop (v2sf)  }
0x8c: {  	(v2sf) =	vpush v2, $0x6;
	[tilespmem:s31], [sflag:$0x1] =	stream.linear.gather [hbm4b:s23+s5], $0x80, $0x38;
	[tilespmem:$0x10600] =	vst v63  }
0x8d: {  	s28 =	sadd.s32 s15, s28;
	s30 =	sand.u32 $0x1FFFFFF0, s30;
	s31 =	spop (v2sf)  }
0x8e: {  	(v2sf) =	vpush v1, $0x6;
	[tilespmem:s29], [sflag:$0x1] =	stream.linear.gather [hbm4b:s28+s5], $0x80, $0x38;
	[tilespmem:$0x10600] =	vst v63  }
0x8f: {  	s20 =	sadd.s32 s14, s30;
	s23 =	sand.u32 $0x1FFFFFF0, s31;
	s28 =	spop (v2sf)  }
0x90: {  	(v2sf) =	vpush v2, $0x7;
	[tilespmem:s0], [sflag:$0x1] =	stream.linear.gather [hbm4b:s20+s5], $0x80, $0x38;
	[tilespmem:$0x10600] =	vst v63  }
0x91: {  	s29 =	sadd.s32 s15, s23;
	s30 =	sand.u32 $0x1FFFFFF0, s28;
	s31 =	spop (v2sf)  }
0x92: {  	(v2sf) =	vpush v1, $0x7;
	[tilespmem:s4], [sflag:$0x1] =	stream.linear.gather [hbm4b:s29+s5], $0x80, $0x38;
	[tilespmem:$0x10600] =	vst v63  }
0x93: {  	s19 =	sadd.s32 s14, s30;
	s23 =	sand.u32 $0x1FFFFFF0, s31;
	s28 =	spop (v2sf)  }
0x94: {  	[tilespmem:s3], [sflag:$0x1] =	stream.linear.gather [hbm4b:s19+s5], $0x80, $0x38;
	[tilespmem:$0x10600] =	vst v63  }
0x95: {  	s21 =	sadd.s32 $0x10, s21;
	(v2sf) =	vpush v2, $0x8;
	s30 =	sand.u32 $0x1FFFFFF0, s28;
	s29 =	sadd.s32 s15, s23  }
0x96: {  	[tilespmem:s1], [sflag:$0x1] =	stream.linear.gather [hbm4b:s29+s5], $0x80, $0x38;
	[tilespmem:$0x10600] =	vst v63  }
0x97: {  	s22 =	sadd.s32 $0x10, s22;
	s31 =	spop (v2sf);
	s1 =	sadd.s32 s14, s30  }
0x98: {  	s3 =	sand.u32 $0x1FFFFFF0, s31;
	s4 =	spop (v2sf);
	s31 =	rddreg [dreg:$0xd]  }
0x99: {  	(v2sf) =	vpush v1, $0x8;
	s19 =	sadd.s32 s15, s3;
	s20 =	sand.u32 $0x1FFFFFF0, s4;
	s23 =	spop (v2sf)  }
0x9a: {  	(v2sf) =	vpush v2, $0x9;
	[tilespmem:s11], [sflag:$0x1] =	stream.linear.gather [hbm4b:s1+s5], $0x80, $0x38;
	[tilespmem:$0x10600] =	vst v63  }
0x9b: {  	s11 =	simm.s32 $0x0;
	s29 =	sand.u32 $0x1FFFFFF0, s23;
	s30 =	spop (v2sf)  }
0x9c: {  	(v2sf) =	vpush v1, $0x9;
	[tilespmem:s18], [sflag:$0x1] =	stream.linear.gather [hbm4b:s19+s11], $0x80, $0x38;
	[tilespmem:$0x10600] =	vst v63  }
0x9d: {  	s28 =	sadd.s32 s14, s20;
	s5 =	sadd.s32 s15, s29;
	s19 =	spop (v2sf)  }
0x9e: {  	[tilespmem:s31], [sflag:$0x1] =	stream.linear.gather [hbm4b:s28+s11], $0x80, $0x38;
	[tilespmem:$0x10600] =	vst v63  }
0x9f: {  	s18 =	sand.u32 $0x1FFFFFF0, s30;
	s23 =	sand.u32 $0x1FFFFFF0, s19;
	s28 =	spop (v2sf)  }
0xa0: {  	(v2sf) =	vpush v2, $0xA;
	[tilespmem:s6], [sflag:$0x1] =	stream.linear.gather [hbm4b:s5+s11], $0x80, $0x38;
	[tilespmem:$0x10600] =	vst v63  }
0xa1: {  	s29 =	sadd.s32 s15, s23;
	s23 =	rddreg [dreg:$0xe];
	s31 =	spop (v2sf)  }
0xa2: {  	(v2sf) =	vpush v1, $0xA;
	s20 =	sadd.s32 s14, s18;
	s5 =	sand.u32 $0x1FFFFFF0, s31;
	s31 =	rddreg [dreg:$0xc]  }
0xa3: {  	[tilespmem:s9], [sflag:$0x1] =	stream.linear.gather [hbm4b:s20+s11], $0x80, $0x38;
	[tilespmem:$0x10600] =	vst v63  }
0xa4: {  	(v2sf) =	vpush v2, $0xB;
	s30 =	sand.u32 $0x1FFFFFF0, s28;
	s6 =	spop (v2sf);
	s9 =	rddreg [dreg:$0xb]  }
0xa5: {  	[tilespmem:s8], [sflag:$0x1] =	stream.linear.gather [hbm4b:s29+s11], $0x80, $0x38;
	[tilespmem:$0x10600] =	vst v63  }
0xa6: {  	s4 =	sadd.s32 s14, s30;
	s19 =	sand.u32 $0x1FFFFFF0, s6;
	s8 =	rddreg [dreg:$0xf]  }
0xa7: {  	[tilespmem:s8], [sflag:$0x1] =	stream.linear.gather [hbm4b:s4+s11], $0x80, $0x38;
	[tilespmem:$0x10600] =	vst v63  }
0xa8: {  	(v2sf) =	vpush v1, $0xB;
	s18 =	sadd.s32 s15, s5;
	s28 =	sadd.s32 s14, s19;
	s20 =	spop (v2sf)  }
0xa9: {  	(v2sf) =	vpush v2, $0xC;
	s8 =	rddreg [dreg:$0xa];
	s29 =	sand.u32 $0x1FFFFFF0, s20;
	s30 =	spop (v2sf)  }
0xaa: {  	[tilespmem:s23], [sflag:$0x1] =	stream.linear.gather [hbm4b:s18+s11], $0x80, $0x38;
	[tilespmem:$0x10600] =	vst v63  }
0xab: {  	(v2sf) =	vpush v1, $0xC;
	s4 =	sadd.s32 s15, s29;
	s5 =	sand.u32 $0x1FFFFFF0, s30;
	s6 =	spop (v2sf)  }
0xac: {  	[tilespmem:s31], [sflag:$0x1] =	stream.linear.gather [hbm4b:s28+s11], $0x80, $0x38;
	[tilespmem:$0x10600] =	vst v63  }
0xad: {  	s23 =	rddreg [dreg:$0x7];
	s18 =	sadd.s32 s14, s5;
	s19 =	sand.u32 $0x1FFFFFF0, s6  }
0xae: {  	[tilespmem:s8], [sflag:$0x1] =	stream.linear.gather [hbm4b:s4+s11], $0x80, $0x38;
	[tilespmem:$0x10600] =	vst v63  }
0xaf: {  	s20 =	spop (v2sf);
	s6 =	rddreg [dreg:$0x8];
	s28 =	sadd.s32 s15, s19  }
0xb0: {  	[tilespmem:s23], [sflag:$0x1] =	stream.linear.gather [hbm4b:s18+s11], $0x80, $0x38;
	[tilespmem:$0x10600] =	vst v63  }
0xb1: {  	s29 =	sand.u32 $0x1FFFFFF0, s20;
	s31 =	rddreg [dreg:$0x9];
	s30 =	spop (v2sf)  }
0xb2: {  	[tilespmem:s31], [sflag:$0x1] =	stream.linear.gather [hbm4b:s28+s11], $0x80, $0x38;
	[tilespmem:$0x10600] =	vst v63  }
0xb3: {  	s1 =	sadd.s32 s14, s29;
	s3 =	sand.u32 $0x1FFFFFF0, s30;
	s5 =	spop (v2sf)  }
0xb4: {  	[tilespmem:s6], [sflag:$0x1] =	stream.linear.gather [hbm4b:s1+s11], $0x80, $0x38;
	[tilespmem:$0x10600] =	vst v63  }
0xb5: {  	s20 =	rddreg [dreg:$0x5];
	s8 =	sadd.s32 s15, s3;
	s18 =	sand.u32 $0x1FFFFFF0, s5  }
0xb6: {  	(v2sf) =	vpush v2, $0xD;
	[tilespmem:s20], [sflag:$0x1] =	stream.linear.gather [hbm4b:s8+s11], $0x80, $0x38;
	[tilespmem:$0x10600] =	vst v63  }
.Ltmp0:
0xb7: {  	(v2sf) =	vpush v1, $0xD;
	s19 =	spop (v2sf);
	s23 =	sadd.s32 s14, s18;
	(pc) =	sbr.rel @p1 .LBB2_3-.Ltmp0, $4  }
0xb8: {  	(v2sf) =	vpush v2, $0xE;
	s28 =	sand.u32 $0x1FFFFFF0, s19;
	s29 =	spop (v2sf);
	s31 =	rddreg [dreg:$0x6]  }
0xb9: {  	(v2sf) =	vpush v1, $0xE;
	[tilespmem:s2], [sflag:$0x1] =	stream.linear.gather [hbm4b:s23+s11], $0x80, $0x38;
	[tilespmem:$0x10600] =	vst v63  }
0xba: {  	(v2sf) =	vpush v2, $0xF;
	s30 =	sadd.s32 s15, s28;
	s0 =	sand.u32 $0x1FFFFFF0, s29;
	s1 =	spop (v2sf)  }
0xbb: {  	(v2sf) =	vpush v1, $0xF;
	[tilespmem:s31], [sflag:$0x1] =	stream.linear.gather [hbm4b:s30+s11], $0x80, $0x38;
	[tilespmem:$0x10600] =	vst v63  }
0xbc: {  	_ =	sdelay $0x4  }
0xbd: {  	s0 =	sadd.s32 s14, s0;
	s1 =	sand.u32 $0x1FFFFFF0, s1  }
0xbe: {  	[tilespmem:s26], [sflag:$0x1] =	stream.linear.gather [hbm4b:s0+s11], $0x80, $0x38;
	[tilespmem:$0x10600] =	vst v63  }
0xbf: {  	s3 =	sadd.s32 s15, s1  }
0xc0: {  	[tilespmem:s9], [sflag:$0x1] =	stream.linear.gather [hbm4b:s3+s11], $0x80, $0x38;
	[tilespmem:$0x10600] =	vst v63  }
0xc1: {  	s2 =	spop (v2sf)  }
0xc2: {  	s28 =	sadd.s32 $0x8B80, s16;
	s4 =	sand.u32 $0x1FFFFFF0, s2;
	s5 =	spop (v2sf)  }
0xc3: {  	s6 =	sadd.s32 s14, s4;
	s8 =	sand.u32 $0x1FFFFFF0, s5;
	s9 =	spop (v2sf)  }
0xc4: {  	[tilespmem:s10], [sflag:$0x1] =	stream.linear.gather [hbm4b:s6+s11], $0x80, $0x38;
	[tilespmem:$0x10600] =	vst v63  }
0xc5: {  	s10 =	sadd.s32 s15, s8;
	s17 =	sand.u32 $0x1FFFFFF0, s9;
	s18 =	spop (v2sf)  }
0xc6: {  	[tilespmem:s7], [sflag:$0x1] =	stream.linear.gather [hbm4b:s10+s11], $0x80, $0x38;
	[tilespmem:$0x10600] =	vst v63  }
0xc7: {  	s19 =	sadd.s32 s14, s17;
	s20 =	sand.u32 $0x1FFFFFF0, s18;
	s21 =	spop (v2sf)  }
0xc8: {  	[tilespmem:s25], [sflag:$0x1] =	stream.linear.gather [hbm4b:s19+s11], $0x80, $0x38;
	[tilespmem:$0x10600] =	vst v63  }
0xc9: {  	s22 =	sadd.s32 s15, s20;
	s23 =	sand.u32 $0x1FFFFFF0, s21;
	s25 =	spop (v2sf)  }
0xca: {  	[tilespmem:s24], [sflag:$0x1] =	stream.linear.gather [hbm4b:s22+s11], $0x80, $0x38;
	[tilespmem:$0x10600] =	vst v63  }
0xcb: {  	s26 =	sadd.s32 $0xB80, s16;
	s1 =	sadd.s32 s14, s23;
	s2 =	sand.u32 $0x1FFFFFF0, s25  }
0xcc: {  	[tilespmem:s26], [sflag:$0x1] =	stream.linear.gather [hbm4b:s1+s11], $0x80, $0x38;
	[tilespmem:$0x10600] =	vst v63  }
0xcd: {  	s30 =	simm.s32 $0x1;
	s17 =	simm.s32 $0x0;
	s29 =	sadd.s32 s15, s2  }
0xce: {  	v1 =	vmov s17;
	[tilespmem:s28], [sflag:$0x1] =	stream.linear.gather [hbm4b:s29+s11], $0x80, $0x38;
	[tilespmem:$0x10600] =	vst v63  }
0xcf: {  	v1 =	vshll.u32 v1, $0x7;
	_ =	swait.ge [sflag:s30], $0x8000  }
0xd0: {  	v1 =	vor.u32 v0, v1;
	[sflag:s30] =	ssyncset.done $0x0  }
0xd1: {  	[sflag:s30] =	ssyncadd.s32 $0xFFFF8000  }
0xd2: {  	v2 =	vor.u32 $0x1, v1;
	_ =	swait.ge [sflag:s30], $0x8000  }
0xd3: {  	[sflag:s30] =	ssyncset.done $0x0  }
0xd4: {  	v3 =	vor.u32 $0x2, v1;
	[sflag:s30] =	ssyncadd.s32 $0xFFFF8000  }
0xd5: {  	v4 =	vld.idx.msk [tilespmem:v1+s13+$0x0], $0xffff  }
0xd6: {  	v6 =	vor.u32 $0x3, v1;
	v5 =	vld.idx.msk [tilespmem:v1+s12+$0x0], $0xffff  }
0xd7: {  	v7 =	vld.idx.msk [tilespmem:v2+s12+$0x0], $0xffff  }
0xd8: {  	v8 =	vor.u32 $0x4, v1;
	v2 =	vld.idx.msk [tilespmem:v2+s13+$0x0], $0xffff  }
0xd9: {  	v9 =	vld.idx.msk [tilespmem:v3+s12+$0x0], $0xffff  }
0xda: {  	v10 =	vor.u32 $0x5, v1;
	v3 =	vld.idx.msk [tilespmem:v3+s13+$0x0], $0xffff  }
0xdb: {  	v11 =	vld.idx.msk [tilespmem:v6+s12+$0x0], $0xffff;
	v4 =	vmul.f32 v4, v5  }
0xdc: {  	v5 =	vld.idx.msk [tilespmem:v6+s13+$0x0], $0xffff;
	v6 =	vor.u32 $0x6, v1  }
0xdd: {  	v12 =	vld.idx.msk [tilespmem:v8+s12+$0x0], $0xffff;
	v2 =	vmul.f32 v2, v7;
	v4 =	vadd.f32 $0.0e+00, v4  }
0xde: {  	v32 =	vor.u32 $0x7, v1;
	v7 =	vld.idx.msk [tilespmem:v8+s13+$0x0], $0xffff  }
0xdf: {  	v13 =	vld.idx.msk [tilespmem:v10+s12+$0x0], $0xffff;
	v3 =	vmul.f32 v3, v9;
	v2 =	vadd.f32 v2, v4  }
0xe0: {  	v33 =	vor.u32 $0x8, v1;
	v4 =	vld.idx.msk [tilespmem:v10+s13+$0x0], $0xffff  }
0xe1: {  	v34 =	vld.idx.msk [tilespmem:v6+s12+$0x0], $0xffff;
	v2 =	vadd.f32 v3, v2;
	v3 =	vmul.f32 v5, v11  }
0xe2: {  	v5 =	vld.idx.msk [tilespmem:v6+s13+$0x0], $0xffff;
	v6 =	vor.u32 $0x9, v1  }
0xe3: {  	v35 =	vld.idx.msk [tilespmem:v32+s12+$0x0], $0xffff;
	v2 =	vadd.f32 v3, v2;
	v3 =	vmul.f32 v7, v12  }
0xe4: {  	v36 =	vor.u32 $0xA, v1;
	v7 =	vld.idx.msk [tilespmem:v32+s13+$0x0], $0xffff  }
0xe5: {  	v37 =	vld.idx.msk [tilespmem:v33+s12+$0x0], $0xffff;
	v2 =	vadd.f32 v3, v2;
	v3 =	vmul.f32 v4, v13  }
0xe6: {  	v38 =	vor.u32 $0xB, v1;
	v4 =	vld.idx.msk [tilespmem:v33+s13+$0x0], $0xffff  }
0xe7: {  	v39 =	vld.idx.msk [tilespmem:v6+s12+$0x0], $0xffff;
	v2 =	vadd.f32 v3, v2;
	v3 =	vmul.f32 v5, v34  }
0xe8: {  	v5 =	vld.idx.msk [tilespmem:v6+s13+$0x0], $0xffff;
	v6 =	vor.u32 $0xC, v1  }
0xe9: {  	v40 =	vld.idx.msk [tilespmem:v36+s12+$0x0], $0xffff;
	v2 =	vadd.f32 v3, v2;
	v3 =	vmul.f32 v7, v35  }
0xea: {  	v41 =	vor.u32 $0xD, v1;
	v7 =	vld.idx.msk [tilespmem:v36+s13+$0x0], $0xffff  }
0xeb: {  	v42 =	vld.idx.msk [tilespmem:v38+s12+$0x0], $0xffff;
	v2 =	vadd.f32 v3, v2;
	v3 =	vmul.f32 v4, v37  }
0xec: {  	v43 =	vor.u32 $0xE, v1;
	v4 =	vld.idx.msk [tilespmem:v38+s13+$0x0], $0xffff  }
0xed: {  	v44 =	vld.idx.msk [tilespmem:v6+s12+$0x0], $0xffff;
	v2 =	vadd.f32 v3, v2;
	v3 =	vmul.f32 v5, v39  }
0xee: {  	v5 =	vld.idx.msk [tilespmem:v6+s13+$0x0], $0xffff;
	v6 =	vor.u32 $0xF, v1  }
0xef: {  	v45 =	vld.idx.msk [tilespmem:v41+s12+$0x0], $0xffff;
	v2 =	vadd.f32 v3, v2;
	v3 =	vmul.f32 v7, v40  }
0xf0: {  	v46 =	vor.u32 $0x10, v1;
	v7 =	vld.idx.msk [tilespmem:v41+s13+$0x0], $0xffff  }
0xf1: {  	v47 =	vld.idx.msk [tilespmem:v43+s12+$0x0], $0xffff;
	v2 =	vadd.f32 v3, v2;
	v3 =	vmul.f32 v4, v42  }
0xf2: {  	v48 =	vor.u32 $0x11, v1;
	v4 =	vld.idx.msk [tilespmem:v43+s13+$0x0], $0xffff  }
0xf3: {  	v49 =	vld.idx.msk [tilespmem:v6+s12+$0x0], $0xffff;
	v2 =	vadd.f32 v3, v2;
	v3 =	vmul.f32 v5, v44  }
0xf4: {  	v5 =	vld.idx.msk [tilespmem:v6+s13+$0x0], $0xffff;
	v6 =	vor.u32 $0x12, v1  }
0xf5: {  	v50 =	vld.idx.msk [tilespmem:v46+s12+$0x0], $0xffff;
	v2 =	vadd.f32 v3, v2;
	v3 =	vmul.f32 v7, v45  }
0xf6: {  	v51 =	vor.u32 $0x13, v1;
	v7 =	vld.idx.msk [tilespmem:v46+s13+$0x0], $0xffff  }
0xf7: {  	v52 =	vld.idx.msk [tilespmem:v48+s12+$0x0], $0xffff;
	v2 =	vadd.f32 v3, v2;
	v3 =	vmul.f32 v4, v47  }
0xf8: {  	v53 =	vor.u32 $0x14, v1;
	v4 =	vld.idx.msk [tilespmem:v48+s13+$0x0], $0xffff  }
0xf9: {  	v54 =	vld.idx.msk [tilespmem:v6+s12+$0x0], $0xffff;
	v2 =	vadd.f32 v3, v2;
	v3 =	vmul.f32 v5, v49  }
0xfa: {  	v5 =	vld.idx.msk [tilespmem:v6+s13+$0x0], $0xffff;
	v6 =	vor.u32 $0x15, v1  }
0xfb: {  	v55 =	vld.idx.msk [tilespmem:v51+s12+$0x0], $0xffff;
	v2 =	vadd.f32 v3, v2;
	v3 =	vmul.f32 v7, v50  }
0xfc: {  	v56 =	vor.u32 $0x16, v1;
	v7 =	vld.idx.msk [tilespmem:v51+s13+$0x0], $0xffff  }
0xfd: {  	v57 =	vld.idx.msk [tilespmem:v53+s12+$0x0], $0xffff;
	v2 =	vadd.f32 v3, v2;
	v3 =	vmul.f32 v4, v52  }
0xfe: {  	v58 =	vor.u32 $0x17, v1;
	v4 =	vld.idx.msk [tilespmem:v53+s13+$0x0], $0xffff  }
0xff: {  	v59 =	vld.idx.msk [tilespmem:v6+s12+$0x0], $0xffff;
	v2 =	vadd.f32 v3, v2;
	v3 =	vmul.f32 v5, v54  }
0x100: {  	v5 =	vld.idx.msk [tilespmem:v6+s13+$0x0], $0xffff;
	v6 =	vor.u32 $0x18, v1  }
0x101: {  	v60 =	vld.idx.msk [tilespmem:v56+s12+$0x0], $0xffff;
	v2 =	vadd.f32 v3, v2;
	v3 =	vmul.f32 v7, v55  }
0x102: {  	v61 =	vor.u32 $0x19, v1;
	v7 =	vld.idx.msk [tilespmem:v56+s13+$0x0], $0xffff  }
0x103: {  	v62 =	vld.idx.msk [tilespmem:v58+s12+$0x0], $0xffff;
	v2 =	vadd.f32 v3, v2;
	v3 =	vmul.f32 v4, v57  }
0x104: {  	v63 =	vor.u32 $0x1A, v1;
	v4 =	vld.idx.msk [tilespmem:v58+s13+$0x0], $0xffff  }
0x105: {  	v16 =	vld.idx.msk [tilespmem:v6+s12+$0x0], $0xffff;
	v2 =	vadd.f32 v3, v2;
	v3 =	vmul.f32 v5, v59  }
0x106: {  	v5 =	vld.idx.msk [tilespmem:v6+s13+$0x0], $0xffff;
	v6 =	vor.u32 $0x1B, v1  }
0x107: {  	v17 =	vld.idx.msk [tilespmem:v61+s12+$0x0], $0xffff;
	v2 =	vadd.f32 v3, v2;
	v3 =	vmul.f32 v7, v60  }
0x108: {  	v18 =	vor.u32 $0x1C, v1;
	v7 =	vld.idx.msk [tilespmem:v61+s13+$0x0], $0xffff  }
0x109: {  	v19 =	vld.idx.msk [tilespmem:v63+s12+$0x0], $0xffff;
	v2 =	vadd.f32 v3, v2;
	v3 =	vmul.f32 v4, v62  }
0x10a: {  	v20 =	vor.u32 $0x1D, v1;
	v4 =	vld.idx.msk [tilespmem:v63+s13+$0x0], $0xffff  }
0x10b: {  	v21 =	vld.idx.msk [tilespmem:v6+s12+$0x0], $0xffff;
	v2 =	vadd.f32 v3, v2;
	v3 =	vmul.f32 v5, v16  }
0x10c: {  	v5 =	vld.idx.msk [tilespmem:v6+s13+$0x0], $0xffff;
	v6 =	vor.u32 $0x1E, v1  }
0x10d: {  	v22 =	vld.idx.msk [tilespmem:v18+s12+$0x0], $0xffff;
	v2 =	vadd.f32 v3, v2;
	v3 =	vmul.f32 v7, v17  }
0x10e: {  	v23 =	vor.u32 $0x1F, v1;
	v7 =	vld.idx.msk [tilespmem:v18+s13+$0x0], $0xffff  }
0x10f: {  	v24 =	vld.idx.msk [tilespmem:v20+s12+$0x0], $0xffff;
	v2 =	vadd.f32 v3, v2;
	v3 =	vmul.f32 v4, v19  }
0x110: {  	v25 =	vor.u32 $0x20, v1;
	v4 =	vld.idx.msk [tilespmem:v20+s13+$0x0], $0xffff  }
0x111: {  	v26 =	vld.idx.msk [tilespmem:v6+s12+$0x0], $0xffff;
	v2 =	vadd.f32 v3, v2;
	v3 =	vmul.f32 v5, v21  }
0x112: {  	v5 =	vld.idx.msk [tilespmem:v6+s13+$0x0], $0xffff;
	v6 =	vor.u32 $0x21, v1  }
0x113: {  	v27 =	vld.idx.msk [tilespmem:v23+s12+$0x0], $0xffff;
	v2 =	vadd.f32 v3, v2;
	v3 =	vmul.f32 v7, v22  }
0x114: {  	v28 =	vor.u32 $0x22, v1;
	v7 =	vld.idx.msk [tilespmem:v23+s13+$0x0], $0xffff  }
0x115: {  	v29 =	vld.idx.msk [tilespmem:v25+s12+$0x0], $0xffff;
	v2 =	vadd.f32 v3, v2;
	v3 =	vmul.f32 v4, v24  }
0x116: {  	v30 =	vor.u32 $0x23, v1;
	v4 =	vld.idx.msk [tilespmem:v25+s13+$0x0], $0xffff  }
0x117: {  	v31 =	vld.idx.msk [tilespmem:v6+s12+$0x0], $0xffff;
	v2 =	vadd.f32 v3, v2;
	v3 =	vmul.f32 v5, v26  }
0x118: {  	v5 =	vld.idx.msk [tilespmem:v6+s13+$0x0], $0xffff;
	v6 =	vor.u32 $0x24, v1  }
0x119: {  	v32 =	vld.idx.msk [tilespmem:v28+s12+$0x0], $0xffff;
	v2 =	vadd.f32 v3, v2;
	v3 =	vmul.f32 v7, v27  }
0x11a: {  	v33 =	vor.u32 $0x25, v1;
	v7 =	vld.idx.msk [tilespmem:v28+s13+$0x0], $0xffff  }
0x11b: {  	v34 =	vld.idx.msk [tilespmem:v30+s12+$0x0], $0xffff;
	v2 =	vadd.f32 v3, v2;
	v3 =	vmul.f32 v4, v29  }
0x11c: {  	v35 =	vor.u32 $0x26, v1;
	v4 =	vld.idx.msk [tilespmem:v30+s13+$0x0], $0xffff  }
0x11d: {  	v36 =	vld.idx.msk [tilespmem:v6+s12+$0x0], $0xffff;
	v2 =	vadd.f32 v3, v2;
	v3 =	vmul.f32 v5, v31  }
0x11e: {  	v5 =	vld.idx.msk [tilespmem:v6+s13+$0x0], $0xffff;
	v6 =	vor.u32 $0x27, v1  }
0x11f: {  	v37 =	vld.idx.msk [tilespmem:v33+s12+$0x0], $0xffff;
	v2 =	vadd.f32 v3, v2;
	v3 =	vmul.f32 v7, v32  }
0x120: {  	v38 =	vor.u32 $0x28, v1;
	v7 =	vld.idx.msk [tilespmem:v33+s13+$0x0], $0xffff  }
0x121: {  	v39 =	vld.idx.msk [tilespmem:v35+s12+$0x0], $0xffff;
	v2 =	vadd.f32 v3, v2;
	v3 =	vmul.f32 v4, v34  }
0x122: {  	v40 =	vor.u32 $0x29, v1;
	v4 =	vld.idx.msk [tilespmem:v35+s13+$0x0], $0xffff  }
0x123: {  	v41 =	vld.idx.msk [tilespmem:v6+s12+$0x0], $0xffff;
	v2 =	vadd.f32 v3, v2;
	v3 =	vmul.f32 v5, v36  }
0x124: {  	v5 =	vld.idx.msk [tilespmem:v6+s13+$0x0], $0xffff;
	v6 =	vor.u32 $0x2A, v1  }
0x125: {  	v42 =	vld.idx.msk [tilespmem:v38+s12+$0x0], $0xffff;
	v2 =	vadd.f32 v3, v2;
	v3 =	vmul.f32 v7, v37  }
0x126: {  	v43 =	vor.u32 $0x2B, v1;
	v7 =	vld.idx.msk [tilespmem:v38+s13+$0x0], $0xffff  }
0x127: {  	v44 =	vld.idx.msk [tilespmem:v40+s12+$0x0], $0xffff;
	v2 =	vadd.f32 v3, v2;
	v3 =	vmul.f32 v4, v39  }
0x128: {  	v45 =	vor.u32 $0x2C, v1;
	v4 =	vld.idx.msk [tilespmem:v40+s13+$0x0], $0xffff  }
0x129: {  	v46 =	vld.idx.msk [tilespmem:v6+s12+$0x0], $0xffff;
	v2 =	vadd.f32 v3, v2;
	v3 =	vmul.f32 v5, v41  }
0x12a: {  	v5 =	vld.idx.msk [tilespmem:v6+s13+$0x0], $0xffff;
	v6 =	vor.u32 $0x2D, v1  }
0x12b: {  	v47 =	vld.idx.msk [tilespmem:v43+s12+$0x0], $0xffff;
	v2 =	vadd.f32 v3, v2;
	v3 =	vmul.f32 v7, v42  }
0x12c: {  	v48 =	vor.u32 $0x2E, v1;
	v7 =	vld.idx.msk [tilespmem:v43+s13+$0x0], $0xffff  }
0x12d: {  	v49 =	vld.idx.msk [tilespmem:v45+s12+$0x0], $0xffff;
	v2 =	vadd.f32 v3, v2;
	v3 =	vmul.f32 v4, v44  }
0x12e: {  	v50 =	vor.u32 $0x2F, v1;
	v4 =	vld.idx.msk [tilespmem:v45+s13+$0x0], $0xffff  }
0x12f: {  	v51 =	vld.idx.msk [tilespmem:v6+s12+$0x0], $0xffff;
	v2 =	vadd.f32 v3, v2;
	v3 =	vmul.f32 v5, v46  }
0x130: {  	v5 =	vld.idx.msk [tilespmem:v6+s13+$0x0], $0xffff;
	v6 =	vor.u32 $0x30, v1  }
0x131: {  	v52 =	vld.idx.msk [tilespmem:v48+s12+$0x0], $0xffff;
	v2 =	vadd.f32 v3, v2;
	v3 =	vmul.f32 v7, v47  }
0x132: {  	v53 =	vor.u32 $0x31, v1;
	v7 =	vld.idx.msk [tilespmem:v48+s13+$0x0], $0xffff  }
0x133: {  	v54 =	vld.idx.msk [tilespmem:v50+s12+$0x0], $0xffff;
	v2 =	vadd.f32 v3, v2;
	v3 =	vmul.f32 v4, v49  }
0x134: {  	v55 =	vor.u32 $0x32, v1;
	v4 =	vld.idx.msk [tilespmem:v50+s13+$0x0], $0xffff  }
0x135: {  	v56 =	vld.idx.msk [tilespmem:v6+s12+$0x0], $0xffff;
	v2 =	vadd.f32 v3, v2;
	v3 =	vmul.f32 v5, v51  }
0x136: {  	v5 =	vld.idx.msk [tilespmem:v6+s13+$0x0], $0xffff;
	v6 =	vor.u32 $0x33, v1  }
0x137: {  	v57 =	vld.idx.msk [tilespmem:v53+s12+$0x0], $0xffff;
	v2 =	vadd.f32 v3, v2;
	v3 =	vmul.f32 v7, v52  }
0x138: {  	v58 =	vor.u32 $0x34, v1;
	v7 =	vld.idx.msk [tilespmem:v53+s13+$0x0], $0xffff  }
0x139: {  	v59 =	vld.idx.msk [tilespmem:v55+s12+$0x0], $0xffff;
	v2 =	vadd.f32 v3, v2;
	v3 =	vmul.f32 v4, v54  }
0x13a: {  	v60 =	vor.u32 $0x35, v1;
	v4 =	vld.idx.msk [tilespmem:v55+s13+$0x0], $0xffff  }
0x13b: {  	v61 =	vld.idx.msk [tilespmem:v6+s12+$0x0], $0xffff;
	v2 =	vadd.f32 v3, v2;
	v3 =	vmul.f32 v5, v56  }
0x13c: {  	v5 =	vld.idx.msk [tilespmem:v6+s13+$0x0], $0xffff;
	v6 =	vor.u32 $0x36, v1  }
0x13d: {  	v62 =	vld.idx.msk [tilespmem:v58+s12+$0x0], $0xffff;
	v2 =	vadd.f32 v3, v2;
	v3 =	vmul.f32 v7, v57  }
0x13e: {  	v63 =	vor.u32 $0x37, v1;
	v7 =	vld.idx.msk [tilespmem:v58+s13+$0x0], $0xffff  }
0x13f: {  	v16 =	vld.idx.msk [tilespmem:v60+s12+$0x0], $0xffff;
	v2 =	vadd.f32 v3, v2;
	v3 =	vmul.f32 v4, v59  }
0x140: {  	v17 =	vor.u32 $0x38, v1;
	v4 =	vld.idx.msk [tilespmem:v60+s13+$0x0], $0xffff  }
0x141: {  	v18 =	vld.idx.msk [tilespmem:v6+s12+$0x0], $0xffff;
	v2 =	vadd.f32 v3, v2;
	v3 =	vmul.f32 v5, v61  }
0x142: {  	v5 =	vld.idx.msk [tilespmem:v6+s13+$0x0], $0xffff;
	v6 =	vor.u32 $0x39, v1  }
0x143: {  	v19 =	vld.idx.msk [tilespmem:v63+s12+$0x0], $0xffff;
	v2 =	vadd.f32 v3, v2;
	v3 =	vmul.f32 v7, v62  }
0x144: {  	v20 =	vor.u32 $0x3A, v1;
	v7 =	vld.idx.msk [tilespmem:v63+s13+$0x0], $0xffff  }
0x145: {  	v21 =	vld.idx.msk [tilespmem:v17+s12+$0x0], $0xffff;
	v2 =	vadd.f32 v3, v2;
	v3 =	vmul.f32 v4, v16  }
0x146: {  	v22 =	vor.u32 $0x3B, v1;
	v4 =	vld.idx.msk [tilespmem:v17+s13+$0x0], $0xffff  }
0x147: {  	v23 =	vld.idx.msk [tilespmem:v6+s12+$0x0], $0xffff;
	v2 =	vadd.f32 v3, v2;
	v3 =	vmul.f32 v5, v18  }
0x148: {  	v5 =	vld.idx.msk [tilespmem:v6+s13+$0x0], $0xffff;
	v6 =	vor.u32 $0x3C, v1  }
0x149: {  	v24 =	vld.idx.msk [tilespmem:v20+s12+$0x0], $0xffff;
	v2 =	vadd.f32 v3, v2;
	v3 =	vmul.f32 v7, v19  }
0x14a: {  	v25 =	vor.u32 $0x3D, v1;
	v7 =	vld.idx.msk [tilespmem:v20+s13+$0x0], $0xffff  }
0x14b: {  	v26 =	vld.idx.msk [tilespmem:v22+s12+$0x0], $0xffff;
	v2 =	vadd.f32 v3, v2;
	v3 =	vmul.f32 v4, v21  }
0x14c: {  	v27 =	vor.u32 $0x3E, v1;
	v4 =	vld.idx.msk [tilespmem:v22+s13+$0x0], $0xffff  }
0x14d: {  	v28 =	vld.idx.msk [tilespmem:v6+s12+$0x0], $0xffff;
	v2 =	vadd.f32 v3, v2;
	v3 =	vmul.f32 v5, v23  }
0x14e: {  	v5 =	vld.idx.msk [tilespmem:v6+s13+$0x0], $0xffff;
	v6 =	vor.u32 $0x3F, v1  }
0x14f: {  	v29 =	vld.idx.msk [tilespmem:v25+s12+$0x0], $0xffff;
	v2 =	vadd.f32 v3, v2;
	v3 =	vmul.f32 v7, v24  }
0x150: {  	v30 =	vor.u32 $0x40, v1;
	v7 =	vld.idx.msk [tilespmem:v25+s13+$0x0], $0xffff  }
0x151: {  	v31 =	vld.idx.msk [tilespmem:v27+s12+$0x0], $0xffff;
	v2 =	vadd.f32 v3, v2;
	v3 =	vmul.f32 v4, v26  }
0x152: {  	v32 =	vor.u32 $0x41, v1;
	v4 =	vld.idx.msk [tilespmem:v27+s13+$0x0], $0xffff  }
0x153: {  	v33 =	vld.idx.msk [tilespmem:v6+s12+$0x0], $0xffff;
	v2 =	vadd.f32 v3, v2;
	v3 =	vmul.f32 v5, v28  }
0x154: {  	v5 =	vld.idx.msk [tilespmem:v6+s13+$0x0], $0xffff;
	v6 =	vor.u32 $0x42, v1  }
0x155: {  	v34 =	vld.idx.msk [tilespmem:v30+s12+$0x0], $0xffff;
	v2 =	vadd.f32 v3, v2;
	v3 =	vmul.f32 v7, v29  }
0x156: {  	v35 =	vor.u32 $0x43, v1;
	v7 =	vld.idx.msk [tilespmem:v30+s13+$0x0], $0xffff  }
0x157: {  	v36 =	vld.idx.msk [tilespmem:v32+s12+$0x0], $0xffff;
	v2 =	vadd.f32 v3, v2;
	v3 =	vmul.f32 v4, v31  }
0x158: {  	v37 =	vor.u32 $0x44, v1;
	v4 =	vld.idx.msk [tilespmem:v32+s13+$0x0], $0xffff  }
0x159: {  	v38 =	vld.idx.msk [tilespmem:v6+s12+$0x0], $0xffff;
	v2 =	vadd.f32 v3, v2;
	v3 =	vmul.f32 v5, v33  }
0x15a: {  	v5 =	vld.idx.msk [tilespmem:v6+s13+$0x0], $0xffff;
	v6 =	vor.u32 $0x45, v1  }
0x15b: {  	v39 =	vld.idx.msk [tilespmem:v35+s12+$0x0], $0xffff;
	v2 =	vadd.f32 v3, v2;
	v3 =	vmul.f32 v7, v34  }
0x15c: {  	v40 =	vor.u32 $0x46, v1;
	v7 =	vld.idx.msk [tilespmem:v35+s13+$0x0], $0xffff  }
0x15d: {  	v41 =	vld.idx.msk [tilespmem:v37+s12+$0x0], $0xffff;
	v2 =	vadd.f32 v3, v2;
	v3 =	vmul.f32 v4, v36  }
0x15e: {  	v42 =	vor.u32 $0x47, v1;
	v4 =	vld.idx.msk [tilespmem:v37+s13+$0x0], $0xffff  }
0x15f: {  	v43 =	vld.idx.msk [tilespmem:v6+s12+$0x0], $0xffff;
	v2 =	vadd.f32 v3, v2;
	v3 =	vmul.f32 v5, v38  }
0x160: {  	v5 =	vld.idx.msk [tilespmem:v6+s13+$0x0], $0xffff;
	v6 =	vor.u32 $0x48, v1  }
0x161: {  	v44 =	vld.idx.msk [tilespmem:v40+s12+$0x0], $0xffff;
	v2 =	vadd.f32 v3, v2;
	v3 =	vmul.f32 v7, v39  }
0x162: {  	v45 =	vor.u32 $0x49, v1;
	v7 =	vld.idx.msk [tilespmem:v40+s13+$0x0], $0xffff  }
0x163: {  	v46 =	vld.idx.msk [tilespmem:v42+s12+$0x0], $0xffff;
	v2 =	vadd.f32 v3, v2;
	v3 =	vmul.f32 v4, v41  }
0x164: {  	v47 =	vor.u32 $0x4A, v1;
	v4 =	vld.idx.msk [tilespmem:v42+s13+$0x0], $0xffff  }
0x165: {  	v48 =	vld.idx.msk [tilespmem:v6+s12+$0x0], $0xffff;
	v2 =	vadd.f32 v3, v2;
	v3 =	vmul.f32 v5, v43  }
0x166: {  	v5 =	vld.idx.msk [tilespmem:v6+s13+$0x0], $0xffff;
	v6 =	vor.u32 $0x4B, v1  }
0x167: {  	v49 =	vld.idx.msk [tilespmem:v45+s12+$0x0], $0xffff;
	v2 =	vadd.f32 v3, v2;
	v3 =	vmul.f32 v7, v44  }
0x168: {  	v50 =	vor.u32 $0x4C, v1;
	v7 =	vld.idx.msk [tilespmem:v45+s13+$0x0], $0xffff  }
0x169: {  	v51 =	vld.idx.msk [tilespmem:v47+s12+$0x0], $0xffff;
	v2 =	vadd.f32 v3, v2;
	v3 =	vmul.f32 v4, v46  }
0x16a: {  	v52 =	vor.u32 $0x4D, v1;
	v4 =	vld.idx.msk [tilespmem:v47+s13+$0x0], $0xffff  }
0x16b: {  	v53 =	vld.idx.msk [tilespmem:v6+s12+$0x0], $0xffff;
	v2 =	vadd.f32 v3, v2;
	v3 =	vmul.f32 v5, v48  }
0x16c: {  	v5 =	vld.idx.msk [tilespmem:v6+s13+$0x0], $0xffff;
	v6 =	vor.u32 $0x4E, v1  }
0x16d: {  	v54 =	vld.idx.msk [tilespmem:v50+s12+$0x0], $0xffff;
	v2 =	vadd.f32 v3, v2;
	v3 =	vmul.f32 v7, v49  }
0x16e: {  	v55 =	vor.u32 $0x4F, v1;
	v7 =	vld.idx.msk [tilespmem:v50+s13+$0x0], $0xffff  }
0x16f: {  	v56 =	vld.idx.msk [tilespmem:v52+s12+$0x0], $0xffff;
	v2 =	vadd.f32 v3, v2;
	v3 =	vmul.f32 v4, v51  }
0x170: {  	v57 =	vor.u32 $0x50, v1;
	v4 =	vld.idx.msk [tilespmem:v52+s13+$0x0], $0xffff  }
0x171: {  	v58 =	vld.idx.msk [tilespmem:v6+s12+$0x0], $0xffff;
	v2 =	vadd.f32 v3, v2;
	v3 =	vmul.f32 v5, v53  }
0x172: {  	v5 =	vld.idx.msk [tilespmem:v6+s13+$0x0], $0xffff  }
0x173: {  	v59 =	vld.idx.msk [tilespmem:v55+s12+$0x0], $0xffff;
	v2 =	vadd.f32 v3, v2;
	v3 =	vmul.f32 v7, v54  }
0x174: {  	v6 =	vor.u32 $0x51, v1;
	v7 =	vld.idx.msk [tilespmem:v55+s13+$0x0], $0xffff  }
0x175: {  	v61 =	vld.idx.msk [tilespmem:v57+s12+$0x0], $0xffff;
	v2 =	vadd.f32 v3, v2;
	v3 =	vmul.f32 v4, v56  }
0x176: {  	v60 =	vor.u32 $0x52, v1;
	v4 =	vld.idx.msk [tilespmem:v57+s13+$0x0], $0xffff  }
0x177: {  	v2 =	vadd.f32 v3, v2;
	v3 =	vmul.f32 v5, v58  }
0x178: {  	v1 =	vor.u32 $0x53, v1  }
0x179: {  	v62 =	vld.idx.msk [tilespmem:v6+s12+$0x0], $0xffff;
	v2 =	vadd.f32 v3, v2;
	v3 =	vmul.f32 v7, v59  }
0x17a: {  	v5 =	vld.idx.msk [tilespmem:v6+s13+$0x0], $0xffff  }
0x17b: {  	v6 =	vld.idx.msk [tilespmem:v60+s12+$0x0], $0xffff;
	v2 =	vadd.f32 v3, v2;
	v3 =	vmul.f32 v4, v61  }
0x17c: {  	v7 =	vld.idx.msk [tilespmem:v60+s13+$0x0], $0xffff  }
0x17d: {  	v4 =	vadd.f32 v3, v2;
	v2 =	vld.idx.msk [tilespmem:v1+s12+$0x0], $0xffff  }
0x17e: {  	v3 =	vld.idx.msk [tilespmem:v1+s13+$0x0], $0xffff  }
0x17f: {  	v5 =	vmul.f32 v5, v62  }
0x180: {  	s16 =	simm.s32 $0x10  }
0x181: {  	s31 =	rddreg [dreg:$0x15];
	v63 =	vmov s16;
	v4 =	vadd.f32 v5, v4;
	v5 =	vmul.f32 v7, v6  }
0x182: {  	s19 =	simm.s32 $0x20;
	s18 =	sadd.s32 $0x10400, s31;
	v1 =	vshll.u32 v63, $0x7  }
.LBB2_5:
0x183: {  	p1 =	sne.s32 s19, $0xF0;
	v1 =	vor.u32 v0, v1;
	v4 =	vadd.f32 v5, v4;
	v2 =	vmul.f32 v3, v2  }
0x184: {  	s0 =	sand.u32 $0x80, s17  }
0x185: {  	s1 =	sand.u32 $0x70, s17;
	s17 =	smov.u32 s16;
	v3 =	vor.u32 $0x1, v1;
	s0 =	sadd.s32 s0, s18;
	v2 =	vadd.f32 v2, v4  }
0x186: {  	s16 =	smov.u32 s19;
	s0 =	sadd.s32 s1, s0  }
0x187: {  	v4 =	vor.u32 $0x2, v1;
	[tilespmem:s0+$0x0] =	vst v2  }
0x188: {  	v2 =	vld.idx.msk [tilespmem:v1+s13+$0x0], $0xffff  }
0x189: {  	v6 =	vor.u32 $0x3, v1;
	v5 =	vld.idx.msk [tilespmem:v1+s12+$0x0], $0xffff  }
0x18a: {  	v7 =	vld.idx.msk [tilespmem:v3+s12+$0x0], $0xffff  }
0x18b: {  	v8 =	vor.u32 $0x4, v1;
	v3 =	vld.idx.msk [tilespmem:v3+s13+$0x0], $0xffff  }
0x18c: {  	v9 =	vld.idx.msk [tilespmem:v4+s12+$0x0], $0xffff  }
0x18d: {  	v10 =	vor.u32 $0x5, v1;
	v4 =	vld.idx.msk [tilespmem:v4+s13+$0x0], $0xffff  }
0x18e: {  	v11 =	vld.idx.msk [tilespmem:v6+s12+$0x0], $0xffff  }
0x18f: {  	v2 =	vmul.f32 v2, v5;
	v5 =	vld.idx.msk [tilespmem:v6+s13+$0x0], $0xffff;
	v6 =	vor.u32 $0x6, v1  }
0x190: {  	v12 =	vld.idx.msk [tilespmem:v8+s12+$0x0], $0xffff  }
0x191: {  	v2 =	vadd.f32 $0.0e+00, v2;
	v3 =	vmul.f32 v3, v7;
	v7 =	vld.idx.msk [tilespmem:v8+s13+$0x0], $0xffff;
	v8 =	vor.u32 $0x7, v1  }
0x192: {  	v13 =	vld.idx.msk [tilespmem:v10+s12+$0x0], $0xffff  }
0x193: {  	v2 =	vadd.f32 v3, v2;
	v3 =	vmul.f32 v4, v9;
	v9 =	vor.u32 $0x8, v1;
	v4 =	vld.idx.msk [tilespmem:v10+s13+$0x0], $0xffff  }
0x194: {  	v10 =	vld.idx.msk [tilespmem:v6+s12+$0x0], $0xffff  }
0x195: {  	v2 =	vadd.f32 v3, v2;
	v3 =	vmul.f32 v5, v11;
	v5 =	vld.idx.msk [tilespmem:v6+s13+$0x0], $0xffff;
	v6 =	vor.u32 $0x9, v1  }
0x196: {  	v11 =	vld.idx.msk [tilespmem:v8+s12+$0x0], $0xffff  }
0x197: {  	v2 =	vadd.f32 v3, v2;
	v3 =	vmul.f32 v7, v12;
	v7 =	vld.idx.msk [tilespmem:v8+s13+$0x0], $0xffff;
	v8 =	vor.u32 $0xA, v1  }
0x198: {  	v12 =	vld.idx.msk [tilespmem:v9+s12+$0x0], $0xffff  }
0x199: {  	v2 =	vadd.f32 v3, v2;
	v3 =	vmul.f32 v4, v13;
	v4 =	vld.idx.msk [tilespmem:v9+s13+$0x0], $0xffff;
	v9 =	vor.u32 $0xB, v1  }
0x19a: {  	v13 =	vld.idx.msk [tilespmem:v6+s12+$0x0], $0xffff  }
0x19b: {  	v2 =	vadd.f32 v3, v2;
	v3 =	vmul.f32 v5, v10;
	v5 =	vld.idx.msk [tilespmem:v6+s13+$0x0], $0xffff;
	v6 =	vor.u32 $0xC, v1  }
0x19c: {  	v10 =	vld.idx.msk [tilespmem:v8+s12+$0x0], $0xffff  }
0x19d: {  	v2 =	vadd.f32 v3, v2;
	v3 =	vmul.f32 v7, v11;
	v7 =	vld.idx.msk [tilespmem:v8+s13+$0x0], $0xffff;
	v8 =	vor.u32 $0xD, v1  }
0x19e: {  	v11 =	vld.idx.msk [tilespmem:v9+s12+$0x0], $0xffff  }
0x19f: {  	v2 =	vadd.f32 v3, v2;
	v3 =	vmul.f32 v4, v12;
	v4 =	vld.idx.msk [tilespmem:v9+s13+$0x0], $0xffff;
	v9 =	vor.u32 $0xE, v1  }
0x1a0: {  	v12 =	vld.idx.msk [tilespmem:v6+s12+$0x0], $0xffff  }
0x1a1: {  	v2 =	vadd.f32 v3, v2;
	v3 =	vmul.f32 v5, v13;
	v5 =	vld.idx.msk [tilespmem:v6+s13+$0x0], $0xffff;
	v6 =	vor.u32 $0xF, v1  }
0x1a2: {  	v13 =	vld.idx.msk [tilespmem:v8+s12+$0x0], $0xffff  }
0x1a3: {  	v2 =	vadd.f32 v3, v2;
	v3 =	vmul.f32 v7, v10;
	v7 =	vld.idx.msk [tilespmem:v8+s13+$0x0], $0xffff;
	v8 =	vor.u32 $0x10, v1  }
0x1a4: {  	v10 =	vld.idx.msk [tilespmem:v9+s12+$0x0], $0xffff  }
0x1a5: {  	v2 =	vadd.f32 v3, v2;
	v3 =	vmul.f32 v4, v11;
	v4 =	vld.idx.msk [tilespmem:v9+s13+$0x0], $0xffff;
	v9 =	vor.u32 $0x11, v1  }
0x1a6: {  	v11 =	vld.idx.msk [tilespmem:v6+s12+$0x0], $0xffff  }
0x1a7: {  	v2 =	vadd.f32 v3, v2;
	v3 =	vmul.f32 v5, v12;
	v5 =	vld.idx.msk [tilespmem:v6+s13+$0x0], $0xffff;
	v6 =	vor.u32 $0x12, v1  }
0x1a8: {  	v12 =	vld.idx.msk [tilespmem:v8+s12+$0x0], $0xffff  }
0x1a9: {  	v2 =	vadd.f32 v3, v2;
	v3 =	vmul.f32 v7, v13;
	v7 =	vld.idx.msk [tilespmem:v8+s13+$0x0], $0xffff;
	v8 =	vor.u32 $0x13, v1  }
0x1aa: {  	v13 =	vld.idx.msk [tilespmem:v9+s12+$0x0], $0xffff  }
0x1ab: {  	v2 =	vadd.f32 v3, v2;
	v3 =	vmul.f32 v4, v10;
	v4 =	vld.idx.msk [tilespmem:v9+s13+$0x0], $0xffff;
	v9 =	vor.u32 $0x14, v1  }
0x1ac: {  	v10 =	vld.idx.msk [tilespmem:v6+s12+$0x0], $0xffff  }
0x1ad: {  	v2 =	vadd.f32 v3, v2;
	v3 =	vmul.f32 v5, v11;
	v5 =	vld.idx.msk [tilespmem:v6+s13+$0x0], $0xffff;
	v6 =	vor.u32 $0x15, v1  }
0x1ae: {  	v11 =	vld.idx.msk [tilespmem:v8+s12+$0x0], $0xffff  }
0x1af: {  	v2 =	vadd.f32 v3, v2;
	v3 =	vmul.f32 v7, v12;
	v7 =	vld.idx.msk [tilespmem:v8+s13+$0x0], $0xffff;
	v8 =	vor.u32 $0x16, v1  }
0x1b0: {  	v12 =	vld.idx.msk [tilespmem:v9+s12+$0x0], $0xffff  }
0x1b1: {  	v2 =	vadd.f32 v3, v2;
	v3 =	vmul.f32 v4, v13;
	v4 =	vld.idx.msk [tilespmem:v9+s13+$0x0], $0xffff;
	v9 =	vor.u32 $0x17, v1  }
0x1b2: {  	v13 =	vld.idx.msk [tilespmem:v6+s12+$0x0], $0xffff  }
0x1b3: {  	v2 =	vadd.f32 v3, v2;
	v3 =	vmul.f32 v5, v10;
	v5 =	vld.idx.msk [tilespmem:v6+s13+$0x0], $0xffff;
	v6 =	vor.u32 $0x18, v1  }
0x1b4: {  	v10 =	vld.idx.msk [tilespmem:v8+s12+$0x0], $0xffff  }
0x1b5: {  	v2 =	vadd.f32 v3, v2;
	v3 =	vmul.f32 v7, v11;
	v7 =	vld.idx.msk [tilespmem:v8+s13+$0x0], $0xffff;
	v8 =	vor.u32 $0x19, v1  }
0x1b6: {  	v11 =	vld.idx.msk [tilespmem:v9+s12+$0x0], $0xffff  }
0x1b7: {  	v2 =	vadd.f32 v3, v2;
	v3 =	vmul.f32 v4, v12;
	v4 =	vld.idx.msk [tilespmem:v9+s13+$0x0], $0xffff;
	v9 =	vor.u32 $0x1A, v1  }
0x1b8: {  	v12 =	vld.idx.msk [tilespmem:v6+s12+$0x0], $0xffff  }
0x1b9: {  	v2 =	vadd.f32 v3, v2;
	v3 =	vmul.f32 v5, v13;
	v5 =	vld.idx.msk [tilespmem:v6+s13+$0x0], $0xffff;
	v6 =	vor.u32 $0x1B, v1  }
0x1ba: {  	v13 =	vld.idx.msk [tilespmem:v8+s12+$0x0], $0xffff  }
0x1bb: {  	v2 =	vadd.f32 v3, v2;
	v3 =	vmul.f32 v7, v10;
	v7 =	vld.idx.msk [tilespmem:v8+s13+$0x0], $0xffff;
	v8 =	vor.u32 $0x1C, v1  }
0x1bc: {  	v10 =	vld.idx.msk [tilespmem:v9+s12+$0x0], $0xffff  }
0x1bd: {  	v2 =	vadd.f32 v3, v2;
	v3 =	vmul.f32 v4, v11;
	v4 =	vld.idx.msk [tilespmem:v9+s13+$0x0], $0xffff;
	v9 =	vor.u32 $0x1D, v1  }
0x1be: {  	v11 =	vld.idx.msk [tilespmem:v6+s12+$0x0], $0xffff  }
0x1bf: {  	v2 =	vadd.f32 v3, v2;
	v3 =	vmul.f32 v5, v12;
	v5 =	vld.idx.msk [tilespmem:v6+s13+$0x0], $0xffff;
	v6 =	vor.u32 $0x1E, v1  }
0x1c0: {  	v12 =	vld.idx.msk [tilespmem:v8+s12+$0x0], $0xffff  }
0x1c1: {  	v2 =	vadd.f32 v3, v2;
	v3 =	vmul.f32 v7, v13;
	v7 =	vld.idx.msk [tilespmem:v8+s13+$0x0], $0xffff;
	v8 =	vor.u32 $0x1F, v1  }
0x1c2: {  	v13 =	vld.idx.msk [tilespmem:v9+s12+$0x0], $0xffff  }
0x1c3: {  	v2 =	vadd.f32 v3, v2;
	v3 =	vmul.f32 v4, v10;
	v4 =	vld.idx.msk [tilespmem:v9+s13+$0x0], $0xffff;
	v9 =	vor.u32 $0x20, v1  }
0x1c4: {  	v10 =	vld.idx.msk [tilespmem:v6+s12+$0x0], $0xffff  }
0x1c5: {  	v2 =	vadd.f32 v3, v2;
	v3 =	vmul.f32 v5, v11;
	v5 =	vld.idx.msk [tilespmem:v6+s13+$0x0], $0xffff;
	v6 =	vor.u32 $0x21, v1  }
0x1c6: {  	v11 =	vld.idx.msk [tilespmem:v8+s12+$0x0], $0xffff  }
0x1c7: {  	v2 =	vadd.f32 v3, v2;
	v3 =	vmul.f32 v7, v12;
	v7 =	vld.idx.msk [tilespmem:v8+s13+$0x0], $0xffff;
	v8 =	vor.u32 $0x22, v1  }
0x1c8: {  	v12 =	vld.idx.msk [tilespmem:v9+s12+$0x0], $0xffff  }
0x1c9: {  	v2 =	vadd.f32 v3, v2;
	v3 =	vmul.f32 v4, v13;
	v4 =	vld.idx.msk [tilespmem:v9+s13+$0x0], $0xffff;
	v9 =	vor.u32 $0x23, v1  }
0x1ca: {  	v13 =	vld.idx.msk [tilespmem:v6+s12+$0x0], $0xffff  }
0x1cb: {  	v2 =	vadd.f32 v3, v2;
	v3 =	vmul.f32 v5, v10;
	v5 =	vld.idx.msk [tilespmem:v6+s13+$0x0], $0xffff;
	v6 =	vor.u32 $0x24, v1  }
0x1cc: {  	v10 =	vld.idx.msk [tilespmem:v8+s12+$0x0], $0xffff  }
0x1cd: {  	v2 =	vadd.f32 v3, v2;
	v3 =	vmul.f32 v7, v11;
	v7 =	vld.idx.msk [tilespmem:v8+s13+$0x0], $0xffff;
	v8 =	vor.u32 $0x25, v1  }
0x1ce: {  	v11 =	vld.idx.msk [tilespmem:v9+s12+$0x0], $0xffff  }
0x1cf: {  	v2 =	vadd.f32 v3, v2;
	v3 =	vmul.f32 v4, v12;
	v4 =	vld.idx.msk [tilespmem:v9+s13+$0x0], $0xffff;
	v9 =	vor.u32 $0x26, v1  }
0x1d0: {  	v12 =	vld.idx.msk [tilespmem:v6+s12+$0x0], $0xffff  }
0x1d1: {  	v2 =	vadd.f32 v3, v2;
	v3 =	vmul.f32 v5, v13;
	v5 =	vld.idx.msk [tilespmem:v6+s13+$0x0], $0xffff;
	v6 =	vor.u32 $0x27, v1  }
0x1d2: {  	v13 =	vld.idx.msk [tilespmem:v8+s12+$0x0], $0xffff  }
0x1d3: {  	v2 =	vadd.f32 v3, v2;
	v3 =	vmul.f32 v7, v10;
	v7 =	vld.idx.msk [tilespmem:v8+s13+$0x0], $0xffff;
	v8 =	vor.u32 $0x28, v1  }
0x1d4: {  	v10 =	vld.idx.msk [tilespmem:v9+s12+$0x0], $0xffff  }
0x1d5: {  	v2 =	vadd.f32 v3, v2;
	v3 =	vmul.f32 v4, v11;
	v4 =	vld.idx.msk [tilespmem:v9+s13+$0x0], $0xffff;
	v9 =	vor.u32 $0x29, v1  }
0x1d6: {  	v11 =	vld.idx.msk [tilespmem:v6+s12+$0x0], $0xffff  }
0x1d7: {  	v2 =	vadd.f32 v3, v2;
	v3 =	vmul.f32 v5, v12;
	v5 =	vld.idx.msk [tilespmem:v6+s13+$0x0], $0xffff;
	v6 =	vor.u32 $0x2A, v1  }
0x1d8: {  	v12 =	vld.idx.msk [tilespmem:v8+s12+$0x0], $0xffff  }
0x1d9: {  	v2 =	vadd.f32 v3, v2;
	v3 =	vmul.f32 v7, v13;
	v7 =	vld.idx.msk [tilespmem:v8+s13+$0x0], $0xffff;
	v8 =	vor.u32 $0x2B, v1  }
0x1da: {  	v13 =	vld.idx.msk [tilespmem:v9+s12+$0x0], $0xffff  }
0x1db: {  	v2 =	vadd.f32 v3, v2;
	v3 =	vmul.f32 v4, v10;
	v4 =	vld.idx.msk [tilespmem:v9+s13+$0x0], $0xffff;
	v9 =	vor.u32 $0x2C, v1  }
0x1dc: {  	v10 =	vld.idx.msk [tilespmem:v6+s12+$0x0], $0xffff  }
0x1dd: {  	v2 =	vadd.f32 v3, v2;
	v3 =	vmul.f32 v5, v11;
	v5 =	vld.idx.msk [tilespmem:v6+s13+$0x0], $0xffff;
	v6 =	vor.u32 $0x2D, v1  }
0x1de: {  	v11 =	vld.idx.msk [tilespmem:v8+s12+$0x0], $0xffff  }
0x1df: {  	v2 =	vadd.f32 v3, v2;
	v3 =	vmul.f32 v7, v12;
	v7 =	vld.idx.msk [tilespmem:v8+s13+$0x0], $0xffff;
	v8 =	vor.u32 $0x2E, v1  }
0x1e0: {  	v12 =	vld.idx.msk [tilespmem:v9+s12+$0x0], $0xffff  }
0x1e1: {  	v2 =	vadd.f32 v3, v2;
	v3 =	vmul.f32 v4, v13;
	v4 =	vld.idx.msk [tilespmem:v9+s13+$0x0], $0xffff;
	v9 =	vor.u32 $0x2F, v1  }
0x1e2: {  	v13 =	vld.idx.msk [tilespmem:v6+s12+$0x0], $0xffff  }
0x1e3: {  	v2 =	vadd.f32 v3, v2;
	v3 =	vmul.f32 v5, v10;
	v5 =	vld.idx.msk [tilespmem:v6+s13+$0x0], $0xffff;
	v6 =	vor.u32 $0x30, v1  }
0x1e4: {  	v10 =	vld.idx.msk [tilespmem:v8+s12+$0x0], $0xffff  }
0x1e5: {  	v2 =	vadd.f32 v3, v2;
	v3 =	vmul.f32 v7, v11;
	v7 =	vld.idx.msk [tilespmem:v8+s13+$0x0], $0xffff;
	v8 =	vor.u32 $0x31, v1  }
0x1e6: {  	v11 =	vld.idx.msk [tilespmem:v9+s12+$0x0], $0xffff  }
0x1e7: {  	v2 =	vadd.f32 v3, v2;
	v3 =	vmul.f32 v4, v12;
	v4 =	vld.idx.msk [tilespmem:v9+s13+$0x0], $0xffff;
	v9 =	vor.u32 $0x32, v1  }
0x1e8: {  	v12 =	vld.idx.msk [tilespmem:v6+s12+$0x0], $0xffff  }
0x1e9: {  	v2 =	vadd.f32 v3, v2;
	v3 =	vmul.f32 v5, v13;
	v5 =	vld.idx.msk [tilespmem:v6+s13+$0x0], $0xffff;
	v6 =	vor.u32 $0x33, v1  }
0x1ea: {  	v13 =	vld.idx.msk [tilespmem:v8+s12+$0x0], $0xffff  }
0x1eb: {  	v2 =	vadd.f32 v3, v2;
	v3 =	vmul.f32 v7, v10;
	v7 =	vld.idx.msk [tilespmem:v8+s13+$0x0], $0xffff;
	v8 =	vor.u32 $0x34, v1  }
0x1ec: {  	v10 =	vld.idx.msk [tilespmem:v9+s12+$0x0], $0xffff  }
0x1ed: {  	v2 =	vadd.f32 v3, v2;
	v3 =	vmul.f32 v4, v11;
	v4 =	vld.idx.msk [tilespmem:v9+s13+$0x0], $0xffff;
	v9 =	vor.u32 $0x35, v1  }
0x1ee: {  	v11 =	vld.idx.msk [tilespmem:v6+s12+$0x0], $0xffff  }
0x1ef: {  	v2 =	vadd.f32 v3, v2;
	v3 =	vmul.f32 v5, v12;
	v5 =	vld.idx.msk [tilespmem:v6+s13+$0x0], $0xffff;
	v6 =	vor.u32 $0x36, v1  }
0x1f0: {  	v12 =	vld.idx.msk [tilespmem:v8+s12+$0x0], $0xffff  }
0x1f1: {  	v2 =	vadd.f32 v3, v2;
	v3 =	vmul.f32 v7, v13;
	v7 =	vld.idx.msk [tilespmem:v8+s13+$0x0], $0xffff;
	v8 =	vor.u32 $0x37, v1  }
0x1f2: {  	v13 =	vld.idx.msk [tilespmem:v9+s12+$0x0], $0xffff  }
0x1f3: {  	v2 =	vadd.f32 v3, v2;
	v3 =	vmul.f32 v4, v10;
	v4 =	vld.idx.msk [tilespmem:v9+s13+$0x0], $0xffff;
	v9 =	vor.u32 $0x38, v1  }
0x1f4: {  	v10 =	vld.idx.msk [tilespmem:v6+s12+$0x0], $0xffff  }
0x1f5: {  	v2 =	vadd.f32 v3, v2;
	v3 =	vmul.f32 v5, v11;
	v5 =	vld.idx.msk [tilespmem:v6+s13+$0x0], $0xffff;
	v6 =	vor.u32 $0x39, v1  }
0x1f6: {  	v11 =	vld.idx.msk [tilespmem:v8+s12+$0x0], $0xffff  }
0x1f7: {  	v2 =	vadd.f32 v3, v2;
	v3 =	vmul.f32 v7, v12;
	v7 =	vld.idx.msk [tilespmem:v8+s13+$0x0], $0xffff;
	v8 =	vor.u32 $0x3A, v1  }
0x1f8: {  	v12 =	vld.idx.msk [tilespmem:v9+s12+$0x0], $0xffff  }
0x1f9: {  	v2 =	vadd.f32 v3, v2;
	v3 =	vmul.f32 v4, v13;
	v4 =	vld.idx.msk [tilespmem:v9+s13+$0x0], $0xffff;
	v9 =	vor.u32 $0x3B, v1  }
0x1fa: {  	v13 =	vld.idx.msk [tilespmem:v6+s12+$0x0], $0xffff  }
0x1fb: {  	v2 =	vadd.f32 v3, v2;
	v3 =	vmul.f32 v5, v10;
	v5 =	vld.idx.msk [tilespmem:v6+s13+$0x0], $0xffff;
	v6 =	vor.u32 $0x3C, v1  }
0x1fc: {  	v10 =	vld.idx.msk [tilespmem:v8+s12+$0x0], $0xffff  }
0x1fd: {  	v2 =	vadd.f32 v3, v2;
	v3 =	vmul.f32 v7, v11;
	v7 =	vld.idx.msk [tilespmem:v8+s13+$0x0], $0xffff;
	v8 =	vor.u32 $0x3D, v1  }
0x1fe: {  	v11 =	vld.idx.msk [tilespmem:v9+s12+$0x0], $0xffff  }
0x1ff: {  	v2 =	vadd.f32 v3, v2;
	v3 =	vmul.f32 v4, v12;
	v4 =	vld.idx.msk [tilespmem:v9+s13+$0x0], $0xffff;
	v9 =	vor.u32 $0x3E, v1  }
0x200: {  	v12 =	vld.idx.msk [tilespmem:v6+s12+$0x0], $0xffff  }
0x201: {  	v2 =	vadd.f32 v3, v2;
	v3 =	vmul.f32 v5, v13;
	v5 =	vld.idx.msk [tilespmem:v6+s13+$0x0], $0xffff;
	v6 =	vor.u32 $0x3F, v1  }
0x202: {  	v13 =	vld.idx.msk [tilespmem:v8+s12+$0x0], $0xffff  }
0x203: {  	v2 =	vadd.f32 v3, v2;
	v3 =	vmul.f32 v7, v10;
	v7 =	vld.idx.msk [tilespmem:v8+s13+$0x0], $0xffff;
	v8 =	vor.u32 $0x40, v1  }
0x204: {  	v10 =	vld.idx.msk [tilespmem:v9+s12+$0x0], $0xffff  }
0x205: {  	v2 =	vadd.f32 v3, v2;
	v3 =	vmul.f32 v4, v11;
	v4 =	vld.idx.msk [tilespmem:v9+s13+$0x0], $0xffff;
	v9 =	vor.u32 $0x41, v1  }
0x206: {  	v11 =	vld.idx.msk [tilespmem:v6+s12+$0x0], $0xffff  }
0x207: {  	v2 =	vadd.f32 v3, v2;
	v3 =	vmul.f32 v5, v12;
	v5 =	vld.idx.msk [tilespmem:v6+s13+$0x0], $0xffff;
	v6 =	vor.u32 $0x42, v1  }
0x208: {  	v12 =	vld.idx.msk [tilespmem:v8+s12+$0x0], $0xffff  }
0x209: {  	v2 =	vadd.f32 v3, v2;
	v3 =	vmul.f32 v7, v13;
	v7 =	vld.idx.msk [tilespmem:v8+s13+$0x0], $0xffff;
	v8 =	vor.u32 $0x43, v1  }
0x20a: {  	v13 =	vld.idx.msk [tilespmem:v9+s12+$0x0], $0xffff  }
0x20b: {  	v2 =	vadd.f32 v3, v2;
	v3 =	vmul.f32 v4, v10;
	v4 =	vld.idx.msk [tilespmem:v9+s13+$0x0], $0xffff;
	v9 =	vor.u32 $0x44, v1  }
0x20c: {  	v10 =	vld.idx.msk [tilespmem:v6+s12+$0x0], $0xffff  }
0x20d: {  	v2 =	vadd.f32 v3, v2;
	v3 =	vmul.f32 v5, v11;
	v5 =	vld.idx.msk [tilespmem:v6+s13+$0x0], $0xffff;
	v6 =	vor.u32 $0x45, v1  }
0x20e: {  	v11 =	vld.idx.msk [tilespmem:v8+s12+$0x0], $0xffff  }
0x20f: {  	v2 =	vadd.f32 v3, v2;
	v3 =	vmul.f32 v7, v12;
	v7 =	vld.idx.msk [tilespmem:v8+s13+$0x0], $0xffff;
	v8 =	vor.u32 $0x46, v1  }
0x210: {  	v12 =	vld.idx.msk [tilespmem:v9+s12+$0x0], $0xffff  }
0x211: {  	v2 =	vadd.f32 v3, v2;
	v3 =	vmul.f32 v4, v13;
	v4 =	vld.idx.msk [tilespmem:v9+s13+$0x0], $0xffff;
	v9 =	vor.u32 $0x47, v1  }
0x212: {  	v13 =	vld.idx.msk [tilespmem:v6+s12+$0x0], $0xffff  }
0x213: {  	v2 =	vadd.f32 v3, v2;
	v3 =	vmul.f32 v5, v10;
	v5 =	vld.idx.msk [tilespmem:v6+s13+$0x0], $0xffff;
	v6 =	vor.u32 $0x48, v1  }
0x214: {  	v10 =	vld.idx.msk [tilespmem:v8+s12+$0x0], $0xffff  }
0x215: {  	v2 =	vadd.f32 v3, v2;
	v3 =	vmul.f32 v7, v11;
	v7 =	vld.idx.msk [tilespmem:v8+s13+$0x0], $0xffff;
	v8 =	vor.u32 $0x49, v1  }
0x216: {  	v11 =	vld.idx.msk [tilespmem:v9+s12+$0x0], $0xffff  }
0x217: {  	v2 =	vadd.f32 v3, v2;
	v3 =	vmul.f32 v4, v12;
	v4 =	vld.idx.msk [tilespmem:v9+s13+$0x0], $0xffff;
	v9 =	vor.u32 $0x4A, v1  }
0x218: {  	v12 =	vld.idx.msk [tilespmem:v6+s12+$0x0], $0xffff  }
0x219: {  	v2 =	vadd.f32 v3, v2;
	v3 =	vmul.f32 v5, v13;
	v5 =	vld.idx.msk [tilespmem:v6+s13+$0x0], $0xffff;
	v6 =	vor.u32 $0x4B, v1  }
0x21a: {  	v13 =	vld.idx.msk [tilespmem:v8+s12+$0x0], $0xffff  }
0x21b: {  	v2 =	vadd.f32 v3, v2;
	v3 =	vmul.f32 v7, v10;
	v7 =	vld.idx.msk [tilespmem:v8+s13+$0x0], $0xffff;
	v8 =	vor.u32 $0x4C, v1  }
0x21c: {  	v10 =	vld.idx.msk [tilespmem:v9+s12+$0x0], $0xffff  }
0x21d: {  	v2 =	vadd.f32 v3, v2;
	v3 =	vmul.f32 v4, v11;
	v4 =	vld.idx.msk [tilespmem:v9+s13+$0x0], $0xffff;
	v9 =	vor.u32 $0x4D, v1  }
0x21e: {  	v11 =	vld.idx.msk [tilespmem:v6+s12+$0x0], $0xffff  }
0x21f: {  	v2 =	vadd.f32 v3, v2;
	v3 =	vmul.f32 v5, v12;
	v5 =	vld.idx.msk [tilespmem:v6+s13+$0x0], $0xffff;
	v6 =	vor.u32 $0x4E, v1  }
0x220: {  	v12 =	vld.idx.msk [tilespmem:v8+s12+$0x0], $0xffff  }
0x221: {  	v2 =	vadd.f32 v3, v2;
	v3 =	vmul.f32 v7, v13;
	v7 =	vld.idx.msk [tilespmem:v8+s13+$0x0], $0xffff;
	v8 =	vor.u32 $0x4F, v1  }
0x222: {  	v13 =	vld.idx.msk [tilespmem:v9+s12+$0x0], $0xffff  }
0x223: {  	v2 =	vadd.f32 v3, v2;
	v3 =	vmul.f32 v4, v10;
	v4 =	vld.idx.msk [tilespmem:v9+s13+$0x0], $0xffff;
	v9 =	vor.u32 $0x50, v1  }
0x224: {  	v10 =	vld.idx.msk [tilespmem:v6+s12+$0x0], $0xffff  }
0x225: {  	v2 =	vadd.f32 v3, v2;
	v3 =	vmul.f32 v5, v11;
	v5 =	vld.idx.msk [tilespmem:v6+s13+$0x0], $0xffff;
	v6 =	vor.u32 $0x51, v1  }
0x226: {  	v11 =	vld.idx.msk [tilespmem:v8+s12+$0x0], $0xffff  }
0x227: {  	v2 =	vadd.f32 v3, v2;
	v3 =	vmul.f32 v7, v12;
	v7 =	vld.idx.msk [tilespmem:v8+s13+$0x0], $0xffff;
	v8 =	vor.u32 $0x52, v1  }
0x228: {  	v12 =	vld.idx.msk [tilespmem:v9+s12+$0x0], $0xffff  }
0x229: {  	v1 =	vor.u32 $0x53, v1;
	v2 =	vadd.f32 v3, v2;
	v3 =	vmul.f32 v4, v13;
	v4 =	vld.idx.msk [tilespmem:v9+s13+$0x0], $0xffff  }
0x22a: {  	v9 =	vld.idx.msk [tilespmem:v6+s12+$0x0], $0xffff  }
0x22b: {  	v2 =	vadd.f32 v3, v2;
	v3 =	vmul.f32 v5, v10;
	v5 =	vld.idx.msk [tilespmem:v6+s13+$0x0], $0xffff  }
0x22c: {  	v6 =	vld.idx.msk [tilespmem:v8+s12+$0x0], $0xffff  }
0x22d: {  	v3 =	vadd.f32 v3, v2;
	v7 =	vmul.f32 v7, v11;
	v8 =	vld.idx.msk [tilespmem:v8+s13+$0x0], $0xffff  }
0x22e: {  	v2 =	vld.idx.msk [tilespmem:v1+s12+$0x0], $0xffff  }
0x22f: {  	v7 =	vadd.f32 v7, v3;
	v4 =	vmul.f32 v4, v12;
	v3 =	vld.idx.msk [tilespmem:v1+s13+$0x0], $0xffff  }
.Ltmp1:
0x230: {  	(pc) =	sbr.rel @p1 .LBB2_5-.Ltmp1, $3  }
0x231: {  	v1 =	vadd.f32 v4, v7;
	v4 =	vmul.f32 v5, v9;
	_ =	sdelay $0x1  }
0x232: {  	v7 =	vmov s19;
	v4 =	vadd.f32 v4, v1;
	v5 =	vmul.f32 v8, v6  }
0x233: {  	s19 =	sadd.s32 $0x10, s19;
	v1 =	vshll.u32 v7, $0x7  }
0x234: {  	v1 =	vor.u32 v0, v1;
	v4 =	vadd.f32 v5, v4;
	v2 =	vmul.f32 v3, v2  }
0x235: {  	s0 =	sand.u32 $0x80, s17  }
0x236: {  	s1 =	sand.u32 $0x70, s17;
	v3 =	vor.u32 $0x1, v1;
	s0 =	sadd.s32 s0, s18;
	v2 =	vadd.f32 v2, v4  }
0x237: {  	s0 =	sadd.s32 s1, s0  }
0x238: {  	v19 =	vor.u32 $0x2, v1;
	[tilespmem:s0+$0x0] =	vst v2  }
0x239: {  	v2 =	vld.idx.msk [tilespmem:v1+s13+$0x0], $0xffff  }
0x23a: {  	v6 =	vor.u32 $0x3, v1;
	v20 =	vld.idx.msk [tilespmem:v1+s12+$0x0], $0xffff  }
0x23b: {  	v7 =	vld.idx.msk [tilespmem:v3+s12+$0x0], $0xffff  }
0x23c: {  	v8 =	vor.u32 $0x4, v1;
	v3 =	vld.idx.msk [tilespmem:v3+s13+$0x0], $0xffff  }
0x23d: {  	v9 =	vld.idx.msk [tilespmem:v19+s12+$0x0], $0xffff  }
0x23e: {  	v10 =	vor.u32 $0x5, v1;
	v4 =	vld.idx.msk [tilespmem:v19+s13+$0x0], $0xffff  }
0x23f: {  	v11 =	vld.idx.msk [tilespmem:v6+s12+$0x0], $0xffff;
	v2 =	vmul.f32 v2, v20  }
0x240: {  	v22 =	vor.u32 $0x6, v1;
	v21 =	vld.idx.msk [tilespmem:v6+s13+$0x0], $0xffff  }
0x241: {  	v12 =	vld.idx.msk [tilespmem:v8+s12+$0x0], $0xffff;
	v3 =	vmul.f32 v3, v7;
	v2 =	vadd.f32 $0.0e+00, v2  }
0x242: {  	v24 =	vor.u32 $0x7, v1;
	v23 =	vld.idx.msk [tilespmem:v8+s13+$0x0], $0xffff  }
0x243: {  	v13 =	vld.idx.msk [tilespmem:v10+s12+$0x0], $0xffff;
	v2 =	vadd.f32 v3, v2;
	v3 =	vmul.f32 v4, v9  }
0x244: {  	v26 =	vor.u32 $0x8, v1;
	v25 =	vld.idx.msk [tilespmem:v10+s13+$0x0], $0xffff  }
0x245: {  	v27 =	vld.idx.msk [tilespmem:v22+s12+$0x0], $0xffff;
	v2 =	vadd.f32 v3, v2;
	v3 =	vmul.f32 v21, v11  }
0x246: {  	v29 =	vor.u32 $0x9, v1;
	v28 =	vld.idx.msk [tilespmem:v22+s13+$0x0], $0xffff  }
0x247: {  	v30 =	vld.idx.msk [tilespmem:v24+s12+$0x0], $0xffff;
	v2 =	vadd.f32 v3, v2;
	v3 =	vmul.f32 v23, v12  }
0x248: {  	v32 =	vor.u32 $0xA, v1;
	v31 =	vld.idx.msk [tilespmem:v24+s13+$0x0], $0xffff  }
0x249: {  	v33 =	vld.idx.msk [tilespmem:v26+s12+$0x0], $0xffff;
	v2 =	vadd.f32 v3, v2;
	v3 =	vmul.f32 v25, v13  }
0x24a: {  	v35 =	vor.u32 $0xB, v1;
	v34 =	vld.idx.msk [tilespmem:v26+s13+$0x0], $0xffff  }
0x24b: {  	v36 =	vld.idx.msk [tilespmem:v29+s12+$0x0], $0xffff;
	v2 =	vadd.f32 v3, v2;
	v3 =	vmul.f32 v28, v27  }
0x24c: {  	v38 =	vor.u32 $0xC, v1;
	v37 =	vld.idx.msk [tilespmem:v29+s13+$0x0], $0xffff  }
0x24d: {  	v39 =	vld.idx.msk [tilespmem:v32+s12+$0x0], $0xffff;
	v2 =	vadd.f32 v3, v2;
	v3 =	vmul.f32 v31, v30  }
0x24e: {  	v41 =	vor.u32 $0xD, v1;
	v40 =	vld.idx.msk [tilespmem:v32+s13+$0x0], $0xffff  }
0x24f: {  	v42 =	vld.idx.msk [tilespmem:v35+s12+$0x0], $0xffff;
	v2 =	vadd.f32 v3, v2;
	v3 =	vmul.f32 v34, v33  }
0x250: {  	v44 =	vor.u32 $0xE, v1;
	v43 =	vld.idx.msk [tilespmem:v35+s13+$0x0], $0xffff  }
0x251: {  	v45 =	vld.idx.msk [tilespmem:v38+s12+$0x0], $0xffff;
	v2 =	vadd.f32 v3, v2;
	v3 =	vmul.f32 v37, v36  }
0x252: {  	v47 =	vor.u32 $0xF, v1;
	v46 =	vld.idx.msk [tilespmem:v38+s13+$0x0], $0xffff  }
0x253: {  	v48 =	vld.idx.msk [tilespmem:v41+s12+$0x0], $0xffff;
	v2 =	vadd.f32 v3, v2;
	v3 =	vmul.f32 v40, v39  }
0x254: {  	v50 =	vor.u32 $0x10, v1;
	v49 =	vld.idx.msk [tilespmem:v41+s13+$0x0], $0xffff  }
0x255: {  	v51 =	vld.idx.msk [tilespmem:v44+s12+$0x0], $0xffff;
	v2 =	vadd.f32 v3, v2;
	v3 =	vmul.f32 v43, v42  }
0x256: {  	v53 =	vor.u32 $0x11, v1;
	v52 =	vld.idx.msk [tilespmem:v44+s13+$0x0], $0xffff  }
0x257: {  	v54 =	vld.idx.msk [tilespmem:v47+s12+$0x0], $0xffff;
	v2 =	vadd.f32 v3, v2;
	v3 =	vmul.f32 v46, v45  }
0x258: {  	v56 =	vor.u32 $0x12, v1;
	v55 =	vld.idx.msk [tilespmem:v47+s13+$0x0], $0xffff  }
0x259: {  	v57 =	vld.idx.msk [tilespmem:v50+s12+$0x0], $0xffff;
	v2 =	vadd.f32 v3, v2;
	v3 =	vmul.f32 v49, v48  }
0x25a: {  	v59 =	vor.u32 $0x13, v1;
	v58 =	vld.idx.msk [tilespmem:v50+s13+$0x0], $0xffff  }
0x25b: {  	v60 =	vld.idx.msk [tilespmem:v53+s12+$0x0], $0xffff;
	v2 =	vadd.f32 v3, v2;
	v3 =	vmul.f32 v52, v51  }
0x25c: {  	v62 =	vor.u32 $0x14, v1;
	v61 =	vld.idx.msk [tilespmem:v53+s13+$0x0], $0xffff  }
0x25d: {  	v63 =	vld.idx.msk [tilespmem:v56+s12+$0x0], $0xffff;
	v2 =	vadd.f32 v3, v2;
	v3 =	vmul.f32 v55, v54  }
0x25e: {  	v17 =	vor.u32 $0x15, v1;
	v16 =	vld.idx.msk [tilespmem:v56+s13+$0x0], $0xffff  }
0x25f: {  	v18 =	vld.idx.msk [tilespmem:v59+s12+$0x0], $0xffff;
	v2 =	vadd.f32 v3, v2;
	v3 =	vmul.f32 v58, v57  }
0x260: {  	v19 =	vld.idx.msk [tilespmem:v59+s13+$0x0], $0xffff;
	v20 =	vor.u32 $0x16, v1  }
0x261: {  	v22 =	vld.idx.msk [tilespmem:v62+s13+$0x0], $0xffff;
	v2 =	vadd.f32 v3, v2;
	v3 =	vmul.f32 v61, v60  }
0x262: {  	v21 =	vld.idx.msk [tilespmem:v62+s12+$0x0], $0xffff;
	v23 =	vor.u32 $0x17, v1  }
0x263: {  	v24 =	vld.idx.msk [tilespmem:v17+s12+$0x0], $0xffff;
	v2 =	vadd.f32 v3, v2;
	v3 =	vmul.f32 v16, v63  }
0x264: {  	v26 =	vor.u32 $0x18, v1;
	v25 =	vld.idx.msk [tilespmem:v17+s13+$0x0], $0xffff  }
0x265: {  	v27 =	vld.idx.msk [tilespmem:v20+s12+$0x0], $0xffff;
	v2 =	vadd.f32 v3, v2;
	v3 =	vmul.f32 v19, v18  }
0x266: {  	v29 =	vor.u32 $0x19, v1;
	v28 =	vld.idx.msk [tilespmem:v20+s13+$0x0], $0xffff  }
0x267: {  	v30 =	vld.idx.msk [tilespmem:v23+s12+$0x0], $0xffff;
	v2 =	vadd.f32 v3, v2;
	v3 =	vmul.f32 v22, v21  }
0x268: {  	v32 =	vor.u32 $0x1A, v1;
	v31 =	vld.idx.msk [tilespmem:v23+s13+$0x0], $0xffff  }
0x269: {  	v33 =	vld.idx.msk [tilespmem:v26+s12+$0x0], $0xffff;
	v2 =	vadd.f32 v3, v2;
	v3 =	vmul.f32 v25, v24  }
0x26a: {  	v35 =	vor.u32 $0x1B, v1;
	v34 =	vld.idx.msk [tilespmem:v26+s13+$0x0], $0xffff  }
0x26b: {  	v36 =	vld.idx.msk [tilespmem:v29+s12+$0x0], $0xffff;
	v2 =	vadd.f32 v3, v2;
	v3 =	vmul.f32 v28, v27  }
0x26c: {  	v38 =	vor.u32 $0x1C, v1;
	v37 =	vld.idx.msk [tilespmem:v29+s13+$0x0], $0xffff  }
0x26d: {  	v39 =	vld.idx.msk [tilespmem:v32+s12+$0x0], $0xffff;
	v2 =	vadd.f32 v3, v2;
	v3 =	vmul.f32 v31, v30  }
0x26e: {  	v41 =	vor.u32 $0x1D, v1;
	v40 =	vld.idx.msk [tilespmem:v32+s13+$0x0], $0xffff  }
0x26f: {  	v42 =	vld.idx.msk [tilespmem:v35+s12+$0x0], $0xffff;
	v2 =	vadd.f32 v3, v2;
	v3 =	vmul.f32 v34, v33  }
0x270: {  	v44 =	vor.u32 $0x1E, v1;
	v43 =	vld.idx.msk [tilespmem:v35+s13+$0x0], $0xffff  }
0x271: {  	v45 =	vld.idx.msk [tilespmem:v38+s12+$0x0], $0xffff;
	v2 =	vadd.f32 v3, v2;
	v3 =	vmul.f32 v37, v36  }
0x272: {  	v47 =	vor.u32 $0x1F, v1;
	v46 =	vld.idx.msk [tilespmem:v38+s13+$0x0], $0xffff  }
0x273: {  	v48 =	vld.idx.msk [tilespmem:v41+s12+$0x0], $0xffff;
	v2 =	vadd.f32 v3, v2;
	v3 =	vmul.f32 v40, v39  }
0x274: {  	v50 =	vor.u32 $0x20, v1;
	v49 =	vld.idx.msk [tilespmem:v41+s13+$0x0], $0xffff  }
0x275: {  	v51 =	vld.idx.msk [tilespmem:v44+s12+$0x0], $0xffff;
	v2 =	vadd.f32 v3, v2;
	v3 =	vmul.f32 v43, v42  }
0x276: {  	v53 =	vor.u32 $0x21, v1;
	v52 =	vld.idx.msk [tilespmem:v44+s13+$0x0], $0xffff  }
0x277: {  	v54 =	vld.idx.msk [tilespmem:v47+s12+$0x0], $0xffff;
	v2 =	vadd.f32 v3, v2;
	v3 =	vmul.f32 v46, v45  }
0x278: {  	v56 =	vor.u32 $0x22, v1;
	v55 =	vld.idx.msk [tilespmem:v47+s13+$0x0], $0xffff  }
0x279: {  	v57 =	vld.idx.msk [tilespmem:v50+s12+$0x0], $0xffff;
	v2 =	vadd.f32 v3, v2;
	v3 =	vmul.f32 v49, v48  }
0x27a: {  	v59 =	vor.u32 $0x23, v1;
	v58 =	vld.idx.msk [tilespmem:v50+s13+$0x0], $0xffff  }
0x27b: {  	v60 =	vld.idx.msk [tilespmem:v53+s12+$0x0], $0xffff;
	v2 =	vadd.f32 v3, v2;
	v3 =	vmul.f32 v52, v51  }
0x27c: {  	v62 =	vor.u32 $0x24, v1;
	v61 =	vld.idx.msk [tilespmem:v53+s13+$0x0], $0xffff  }
0x27d: {  	v63 =	vld.idx.msk [tilespmem:v56+s12+$0x0], $0xffff;
	v2 =	vadd.f32 v3, v2;
	v3 =	vmul.f32 v55, v54  }
0x27e: {  	v17 =	vor.u32 $0x25, v1;
	v16 =	vld.idx.msk [tilespmem:v56+s13+$0x0], $0xffff  }
0x27f: {  	v18 =	vld.idx.msk [tilespmem:v59+s12+$0x0], $0xffff;
	v2 =	vadd.f32 v3, v2;
	v3 =	vmul.f32 v58, v57  }
0x280: {  	v20 =	vor.u32 $0x26, v1;
	v19 =	vld.idx.msk [tilespmem:v59+s13+$0x0], $0xffff  }
0x281: {  	v21 =	vld.idx.msk [tilespmem:v62+s12+$0x0], $0xffff;
	v2 =	vadd.f32 v3, v2;
	v3 =	vmul.f32 v61, v60  }
0x282: {  	v23 =	vor.u32 $0x27, v1;
	v22 =	vld.idx.msk [tilespmem:v62+s13+$0x0], $0xffff  }
0x283: {  	v24 =	vld.idx.msk [tilespmem:v17+s12+$0x0], $0xffff;
	v2 =	vadd.f32 v3, v2;
	v3 =	vmul.f32 v16, v63  }
0x284: {  	v26 =	vor.u32 $0x28, v1;
	v25 =	vld.idx.msk [tilespmem:v17+s13+$0x0], $0xffff  }
0x285: {  	v27 =	vld.idx.msk [tilespmem:v20+s12+$0x0], $0xffff;
	v2 =	vadd.f32 v3, v2;
	v3 =	vmul.f32 v19, v18  }
0x286: {  	v29 =	vor.u32 $0x29, v1;
	v28 =	vld.idx.msk [tilespmem:v20+s13+$0x0], $0xffff  }
0x287: {  	v30 =	vld.idx.msk [tilespmem:v23+s12+$0x0], $0xffff;
	v2 =	vadd.f32 v3, v2;
	v3 =	vmul.f32 v22, v21  }
0x288: {  	v32 =	vor.u32 $0x2A, v1;
	v31 =	vld.idx.msk [tilespmem:v23+s13+$0x0], $0xffff  }
0x289: {  	v33 =	vld.idx.msk [tilespmem:v26+s12+$0x0], $0xffff;
	v2 =	vadd.f32 v3, v2;
	v3 =	vmul.f32 v25, v24  }
0x28a: {  	v35 =	vor.u32 $0x2B, v1;
	v34 =	vld.idx.msk [tilespmem:v26+s13+$0x0], $0xffff  }
0x28b: {  	v36 =	vld.idx.msk [tilespmem:v29+s12+$0x0], $0xffff;
	v2 =	vadd.f32 v3, v2;
	v3 =	vmul.f32 v28, v27  }
0x28c: {  	v38 =	vor.u32 $0x2C, v1;
	v37 =	vld.idx.msk [tilespmem:v29+s13+$0x0], $0xffff  }
0x28d: {  	v39 =	vld.idx.msk [tilespmem:v32+s12+$0x0], $0xffff;
	v2 =	vadd.f32 v3, v2;
	v3 =	vmul.f32 v31, v30  }
0x28e: {  	v41 =	vor.u32 $0x2D, v1;
	v40 =	vld.idx.msk [tilespmem:v32+s13+$0x0], $0xffff  }
0x28f: {  	v42 =	vld.idx.msk [tilespmem:v35+s12+$0x0], $0xffff;
	v2 =	vadd.f32 v3, v2;
	v3 =	vmul.f32 v34, v33  }
0x290: {  	v44 =	vor.u32 $0x2E, v1;
	v43 =	vld.idx.msk [tilespmem:v35+s13+$0x0], $0xffff  }
0x291: {  	v45 =	vld.idx.msk [tilespmem:v38+s12+$0x0], $0xffff;
	v2 =	vadd.f32 v3, v2;
	v3 =	vmul.f32 v37, v36  }
0x292: {  	v47 =	vor.u32 $0x2F, v1;
	v46 =	vld.idx.msk [tilespmem:v38+s13+$0x0], $0xffff  }
0x293: {  	v48 =	vld.idx.msk [tilespmem:v41+s12+$0x0], $0xffff;
	v2 =	vadd.f32 v3, v2;
	v3 =	vmul.f32 v40, v39  }
0x294: {  	v50 =	vor.u32 $0x30, v1;
	v49 =	vld.idx.msk [tilespmem:v41+s13+$0x0], $0xffff  }
0x295: {  	v51 =	vld.idx.msk [tilespmem:v44+s12+$0x0], $0xffff;
	v2 =	vadd.f32 v3, v2;
	v3 =	vmul.f32 v43, v42  }
0x296: {  	v53 =	vor.u32 $0x31, v1;
	v52 =	vld.idx.msk [tilespmem:v44+s13+$0x0], $0xffff  }
0x297: {  	v54 =	vld.idx.msk [tilespmem:v47+s12+$0x0], $0xffff;
	v2 =	vadd.f32 v3, v2;
	v3 =	vmul.f32 v46, v45  }
0x298: {  	v56 =	vor.u32 $0x32, v1;
	v55 =	vld.idx.msk [tilespmem:v47+s13+$0x0], $0xffff  }
0x299: {  	v57 =	vld.idx.msk [tilespmem:v50+s12+$0x0], $0xffff;
	v2 =	vadd.f32 v3, v2;
	v3 =	vmul.f32 v49, v48  }
0x29a: {  	v59 =	vor.u32 $0x33, v1;
	v58 =	vld.idx.msk [tilespmem:v50+s13+$0x0], $0xffff  }
0x29b: {  	v60 =	vld.idx.msk [tilespmem:v53+s12+$0x0], $0xffff;
	v2 =	vadd.f32 v3, v2;
	v3 =	vmul.f32 v52, v51  }
0x29c: {  	v62 =	vor.u32 $0x34, v1;
	v61 =	vld.idx.msk [tilespmem:v53+s13+$0x0], $0xffff  }
0x29d: {  	v63 =	vld.idx.msk [tilespmem:v56+s12+$0x0], $0xffff;
	v2 =	vadd.f32 v3, v2;
	v3 =	vmul.f32 v55, v54  }
0x29e: {  	v17 =	vor.u32 $0x35, v1;
	v16 =	vld.idx.msk [tilespmem:v56+s13+$0x0], $0xffff  }
0x29f: {  	v18 =	vld.idx.msk [tilespmem:v59+s12+$0x0], $0xffff;
	v2 =	vadd.f32 v3, v2;
	v3 =	vmul.f32 v58, v57  }
0x2a0: {  	v20 =	vor.u32 $0x36, v1;
	v19 =	vld.idx.msk [tilespmem:v59+s13+$0x0], $0xffff  }
0x2a1: {  	v21 =	vld.idx.msk [tilespmem:v62+s12+$0x0], $0xffff;
	v2 =	vadd.f32 v3, v2;
	v3 =	vmul.f32 v61, v60  }
0x2a2: {  	v23 =	vor.u32 $0x37, v1;
	v22 =	vld.idx.msk [tilespmem:v62+s13+$0x0], $0xffff  }
0x2a3: {  	v24 =	vld.idx.msk [tilespmem:v17+s12+$0x0], $0xffff;
	v2 =	vadd.f32 v3, v2;
	v3 =	vmul.f32 v16, v63  }
0x2a4: {  	v26 =	vor.u32 $0x38, v1;
	v25 =	vld.idx.msk [tilespmem:v17+s13+$0x0], $0xffff  }
0x2a5: {  	v27 =	vld.idx.msk [tilespmem:v20+s12+$0x0], $0xffff;
	v2 =	vadd.f32 v3, v2;
	v3 =	vmul.f32 v19, v18  }
0x2a6: {  	v29 =	vor.u32 $0x39, v1;
	v28 =	vld.idx.msk [tilespmem:v20+s13+$0x0], $0xffff  }
0x2a7: {  	v30 =	vld.idx.msk [tilespmem:v23+s12+$0x0], $0xffff;
	v2 =	vadd.f32 v3, v2;
	v3 =	vmul.f32 v22, v21  }
0x2a8: {  	v32 =	vor.u32 $0x3A, v1;
	v31 =	vld.idx.msk [tilespmem:v23+s13+$0x0], $0xffff  }
0x2a9: {  	v33 =	vld.idx.msk [tilespmem:v26+s12+$0x0], $0xffff;
	v2 =	vadd.f32 v3, v2;
	v3 =	vmul.f32 v25, v24  }
0x2aa: {  	v35 =	vor.u32 $0x3B, v1;
	v34 =	vld.idx.msk [tilespmem:v26+s13+$0x0], $0xffff  }
0x2ab: {  	v36 =	vld.idx.msk [tilespmem:v29+s12+$0x0], $0xffff;
	v2 =	vadd.f32 v3, v2;
	v3 =	vmul.f32 v28, v27  }
0x2ac: {  	v38 =	vor.u32 $0x3C, v1;
	v37 =	vld.idx.msk [tilespmem:v29+s13+$0x0], $0xffff  }
0x2ad: {  	v39 =	vld.idx.msk [tilespmem:v32+s12+$0x0], $0xffff;
	v2 =	vadd.f32 v3, v2;
	v3 =	vmul.f32 v31, v30  }
0x2ae: {  	v41 =	vor.u32 $0x3D, v1;
	v40 =	vld.idx.msk [tilespmem:v32+s13+$0x0], $0xffff  }
0x2af: {  	v42 =	vld.idx.msk [tilespmem:v35+s12+$0x0], $0xffff;
	v2 =	vadd.f32 v3, v2;
	v3 =	vmul.f32 v34, v33  }
0x2b0: {  	v44 =	vor.u32 $0x3E, v1;
	v43 =	vld.idx.msk [tilespmem:v35+s13+$0x0], $0xffff  }
0x2b1: {  	v45 =	vld.idx.msk [tilespmem:v38+s12+$0x0], $0xffff;
	v2 =	vadd.f32 v3, v2;
	v3 =	vmul.f32 v37, v36  }
0x2b2: {  	v47 =	vor.u32 $0x3F, v1;
	v46 =	vld.idx.msk [tilespmem:v38+s13+$0x0], $0xffff  }
0x2b3: {  	v48 =	vld.idx.msk [tilespmem:v41+s12+$0x0], $0xffff;
	v2 =	vadd.f32 v3, v2;
	v3 =	vmul.f32 v40, v39  }
0x2b4: {  	v50 =	vor.u32 $0x40, v1;
	v49 =	vld.idx.msk [tilespmem:v41+s13+$0x0], $0xffff  }
0x2b5: {  	v51 =	vld.idx.msk [tilespmem:v44+s12+$0x0], $0xffff;
	v2 =	vadd.f32 v3, v2;
	v3 =	vmul.f32 v43, v42  }
0x2b6: {  	v53 =	vor.u32 $0x41, v1;
	v52 =	vld.idx.msk [tilespmem:v44+s13+$0x0], $0xffff  }
0x2b7: {  	v54 =	vld.idx.msk [tilespmem:v47+s12+$0x0], $0xffff;
	v2 =	vadd.f32 v3, v2;
	v3 =	vmul.f32 v46, v45  }
0x2b8: {  	v56 =	vor.u32 $0x42, v1;
	v55 =	vld.idx.msk [tilespmem:v47+s13+$0x0], $0xffff  }
0x2b9: {  	v57 =	vld.idx.msk [tilespmem:v50+s12+$0x0], $0xffff;
	v2 =	vadd.f32 v3, v2;
	v3 =	vmul.f32 v49, v48  }
0x2ba: {  	v59 =	vor.u32 $0x43, v1;
	v58 =	vld.idx.msk [tilespmem:v50+s13+$0x0], $0xffff  }
0x2bb: {  	v60 =	vld.idx.msk [tilespmem:v53+s12+$0x0], $0xffff;
	v2 =	vadd.f32 v3, v2;
	v3 =	vmul.f32 v52, v51  }
0x2bc: {  	v62 =	vor.u32 $0x44, v1;
	v61 =	vld.idx.msk [tilespmem:v53+s13+$0x0], $0xffff  }
0x2bd: {  	v63 =	vld.idx.msk [tilespmem:v56+s12+$0x0], $0xffff;
	v2 =	vadd.f32 v3, v2;
	v3 =	vmul.f32 v55, v54  }
0x2be: {  	v17 =	vor.u32 $0x45, v1;
	v16 =	vld.idx.msk [tilespmem:v56+s13+$0x0], $0xffff  }
0x2bf: {  	v18 =	vld.idx.msk [tilespmem:v59+s12+$0x0], $0xffff;
	v2 =	vadd.f32 v3, v2;
	v3 =	vmul.f32 v58, v57  }
0x2c0: {  	v20 =	vor.u32 $0x46, v1;
	v19 =	vld.idx.msk [tilespmem:v59+s13+$0x0], $0xffff  }
0x2c1: {  	v21 =	vld.idx.msk [tilespmem:v62+s12+$0x0], $0xffff;
	v2 =	vadd.f32 v3, v2;
	v3 =	vmul.f32 v61, v60  }
0x2c2: {  	v23 =	vor.u32 $0x47, v1;
	v22 =	vld.idx.msk [tilespmem:v62+s13+$0x0], $0xffff  }
0x2c3: {  	v24 =	vld.idx.msk [tilespmem:v17+s12+$0x0], $0xffff;
	v2 =	vadd.f32 v3, v2;
	v3 =	vmul.f32 v16, v63  }
0x2c4: {  	v26 =	vor.u32 $0x48, v1;
	v25 =	vld.idx.msk [tilespmem:v17+s13+$0x0], $0xffff  }
0x2c5: {  	v27 =	vld.idx.msk [tilespmem:v20+s12+$0x0], $0xffff;
	v2 =	vadd.f32 v3, v2;
	v3 =	vmul.f32 v19, v18  }
0x2c6: {  	v29 =	vor.u32 $0x49, v1;
	v28 =	vld.idx.msk [tilespmem:v20+s13+$0x0], $0xffff  }
0x2c7: {  	v30 =	vld.idx.msk [tilespmem:v23+s12+$0x0], $0xffff;
	v2 =	vadd.f32 v3, v2;
	v3 =	vmul.f32 v22, v21  }
0x2c8: {  	v32 =	vor.u32 $0x4A, v1;
	v31 =	vld.idx.msk [tilespmem:v23+s13+$0x0], $0xffff  }
0x2c9: {  	v33 =	vld.idx.msk [tilespmem:v26+s12+$0x0], $0xffff;
	v2 =	vadd.f32 v3, v2;
	v3 =	vmul.f32 v25, v24  }
0x2ca: {  	v35 =	vor.u32 $0x4B, v1;
	v34 =	vld.idx.msk [tilespmem:v26+s13+$0x0], $0xffff  }
0x2cb: {  	v36 =	vld.idx.msk [tilespmem:v29+s12+$0x0], $0xffff;
	v2 =	vadd.f32 v3, v2;
	v3 =	vmul.f32 v28, v27  }
0x2cc: {  	v38 =	vor.u32 $0x4C, v1;
	v37 =	vld.idx.msk [tilespmem:v29+s13+$0x0], $0xffff  }
0x2cd: {  	v39 =	vld.idx.msk [tilespmem:v32+s12+$0x0], $0xffff;
	v2 =	vadd.f32 v3, v2;
	v3 =	vmul.f32 v31, v30  }
0x2ce: {  	v41 =	vor.u32 $0x4D, v1;
	v40 =	vld.idx.msk [tilespmem:v32+s13+$0x0], $0xffff  }
0x2cf: {  	v42 =	vld.idx.msk [tilespmem:v35+s12+$0x0], $0xffff;
	v2 =	vadd.f32 v3, v2;
	v3 =	vmul.f32 v34, v33  }
0x2d0: {  	v44 =	vor.u32 $0x4E, v1;
	v43 =	vld.idx.msk [tilespmem:v35+s13+$0x0], $0xffff  }
0x2d1: {  	v45 =	vld.idx.msk [tilespmem:v38+s12+$0x0], $0xffff;
	v2 =	vadd.f32 v3, v2;
	v3 =	vmul.f32 v37, v36  }
0x2d2: {  	v47 =	vor.u32 $0x4F, v1;
	v46 =	vld.idx.msk [tilespmem:v38+s13+$0x0], $0xffff  }
0x2d3: {  	v48 =	vld.idx.msk [tilespmem:v41+s12+$0x0], $0xffff;
	v2 =	vadd.f32 v3, v2;
	v3 =	vmul.f32 v40, v39  }
0x2d4: {  	v50 =	vor.u32 $0x50, v1;
	v49 =	vld.idx.msk [tilespmem:v41+s13+$0x0], $0xffff  }
0x2d5: {  	v51 =	vld.idx.msk [tilespmem:v44+s12+$0x0], $0xffff;
	v2 =	vadd.f32 v3, v2;
	v3 =	vmul.f32 v43, v42  }
0x2d6: {  	v53 =	vor.u32 $0x51, v1;
	v52 =	vld.idx.msk [tilespmem:v44+s13+$0x0], $0xffff  }
0x2d7: {  	v54 =	vld.idx.msk [tilespmem:v47+s12+$0x0], $0xffff;
	v2 =	vadd.f32 v3, v2;
	v3 =	vmul.f32 v46, v45  }
0x2d8: {  	v56 =	vor.u32 $0x52, v1;
	v55 =	vld.idx.msk [tilespmem:v47+s13+$0x0], $0xffff  }
0x2d9: {  	v57 =	vld.idx.msk [tilespmem:v50+s12+$0x0], $0xffff;
	v2 =	vadd.f32 v3, v2;
	v3 =	vmul.f32 v49, v48  }
0x2da: {  	v1 =	vor.u32 $0x53, v1;
	v58 =	vld.idx.msk [tilespmem:v50+s13+$0x0], $0xffff  }
0x2db: {  	v59 =	vld.idx.msk [tilespmem:v53+s12+$0x0], $0xffff;
	v2 =	vadd.f32 v3, v2;
	v3 =	vmul.f32 v52, v51  }
0x2dc: {  	v60 =	vld.idx.msk [tilespmem:v53+s13+$0x0], $0xffff  }
0x2dd: {  	v62 =	vld.idx.msk [tilespmem:v56+s13+$0x0], $0xffff;
	v2 =	vadd.f32 v3, v2;
	v3 =	vmul.f32 v55, v54  }
0x2de: {  	v61 =	vld.idx.msk [tilespmem:v56+s12+$0x0], $0xffff  }
0x2df: {  	v63 =	vld.idx.msk [tilespmem:v1+s12+$0x0], $0xffff;
	v2 =	vadd.f32 v3, v2;
	v3 =	vmul.f32 v58, v57  }
0x2e0: {  	v1 =	vld.idx.msk [tilespmem:v1+s13+$0x0], $0xffff  }
0x2e1: {  	v2 =	vadd.f32 v3, v2;
	v3 =	vmul.f32 v60, v59;
	_ =	sdelay $0x1  }
0x2e2: {  	v2 =	vadd.f32 v3, v2;
	v3 =	vmul.f32 v62, v61;
	_ =	sdelay $0x1  }
.Ltmp2:
0x2e3: {  	v1 =	vmul.f32 v1, v63;
	v2 =	vadd.f32 v3, v2;
	(pc) =	sbr.rel @p0 .LBB2_2-.Ltmp2, $4  }
0x2e4: {  	s30 =	sand.u32 $0x80, s16  }
0x2e5: {  	s31 =	sand.u32 $0x70, s16;
	s0 =	sadd.s32 s30, s18;
	v1 =	vadd.f32 v1, v2  }
0x2e6: {  	s0 =	sadd.s32 s31, s0  }
0x2e7: {  	p1 =	por $0x0, $0x0;
	[tilespmem:s0+$0x0] =	vst v1;
	s0 =	simm.s32 $0x1  }
0x2e8: {  	s0 =	rddreg [dreg:$0x12];
	s1 =	simm.s32 $0x10400  }
0x2e9: {  	[hbm4b:s0+s11] =	stream.linear.scatter [tilespmem:s1], [sflag:$0x2], $0x200, $0x38;
	[tilespmem:$0x10600] =	vst v63  }
0x2ea: {  	s1 =	simm.s32 $0x2  }
0x2eb: {  	_ =	swait.ge [sflag:s1], $0x200  }
0x2ec: {  	s2 =	rddreg [dreg:$0x14]  }
0x2ed: {  	s31 =	rddreg [dreg:$0x13];
	s2 =	sadd.s32 $0x1, s2  }
0x2ee: {  	p0 =	sne.s32 s2, s31  }
.Ltmp3:
0x2ef: {  	_ = 	snop;
	(pc) =	sbr.rel @p0 .LBB2_1-.Ltmp3, $3  }
0x2f0: {  	_ =	sdelay $0x1  }
0x2f1: {  	[sflag:s1] =	ssyncset.done $0x0  }
0x2f2: {  	[sflag:s1] =	ssyncadd.s32 $0xFFFFFE00  }
0x2f3: {  	_ =	sfence.sel $0x180000  }
0x2f4: {  	[bflag:$0x0] =	sbarrier.arrive $0xFFFF  }
0x2f5: {  	_ =	strace $0x90000047  }
0x2f6: {  	s0 =	stileid.u32;
	[bflag:$0x2] =	sbarrier.arrive $0xFFFF  }
0x2f7: {  	p0 =	sne.s32 s0, $0x0;
	s0 =	rddreg [dreg:$0x4]  }
0x2f8: {  	s0 =	sadd.s32 @!p0 $0x100000, s0  }
0x2f9: {  	[sflag:s0] =	ssyncadd.tile.s32 @!p0 $0x1;
	_ =	shalt  }
.Lfunc_end2:
_tile_overlayer_lowered:
.L_overlay_start_2:
0x2fa: {  	(tag) =	ssettag $0x2  }
0x2fb: {  	s0 =	rddreg [dreg:$0x0];
	s2 =	stileid.u32  }
0x2fc: {  	s1 =	rddreg [dreg:$0x1];
	p0 =	sne.s32 s2, $0x0  }
0x2fd: {  	s3 =	rddreg [dreg:$0x2];
	[bflag:$0x3] =	sbarrier.arrive $0xFFFF;
	s2 =	simm.s32 @!p0 $0x1C02  }
0x2fe: {  	[timem:s3], [sflag:s2] =	dma.local @!p0 [hbm:s0], s1  }
0x2ff: {  	s0 =	simm.s32 @!p0 $0x2  }
0x300: {  	_ =	swait.ge @!p0 [sflag:s0], s1  }
0x301: {  	s1 =	ssub.s32 @!p0 $0x0, s1;
	[sflag:s0] =	ssyncset.done @!p0 $0x0  }
0x302: {  	[sflag:s0] =	ssyncadd.s32 @!p0 s1  }
0x303: {  	[bflag:$0x3] =	sbarrier.arrive $0xFFFF  }
0x304: {  	_ =	shalt  }

</sc_bundles>
